<compile_context>
chip_gen: v7x
topology: tpu7x:2x2x1
jax: 0.10.2.dev20260603
libtpu: 0.0.44.dev20260713+nightly
codegen_flags: <defaults>
</compile_context>

<pallas_src>
import functools

import jax
import jax.numpy as jnp
from jax import lax
from jax.experimental import pallas as pl
from jax.experimental.pallas import tpu as pltpu
from jax.experimental.pallas import tpu_sc as plsc

N = 10000
NP = 10112
E = 320000
D = 128
NC = 2
NS = 16
NW = NC * NS
CHUNK = 100
EPT = E // NW
CPT = -(-EPT // CHUNK)
EPAD = CPT * CHUNK
RPS = NP // NS
DW = 16

ROW_BLK = 1264

_mesh = plsc.VectorSubcoreMesh(core_axis_name="c", subcore_axis_name="s")


def _fill(buf, rows, cols, value):
    @pl.loop(0, rows)
    def _(i):
        for j in range(cols // 16):
            buf[i, pl.ds(j * 16, 16)] = jnp.full((16,), value, jnp.float32)


def _zero_my_span(buf, acc, s):
    for t in range(RPS // CHUNK):
        pltpu.sync_copy(buf.at[pl.ds(0, CHUNK)],
                        acc.at[pl.ds(s * RPS + t * CHUNK, CHUNK)])
    rem = RPS % CHUNK
    if rem:
        pltpu.sync_copy(buf.at[pl.ds(0, rem)],
                        acc.at[pl.ds(s * RPS + (RPS // CHUNK) * CHUNK, rem)])


@functools.partial(
    pl.kernel,
    out_type=jax.ShapeDtypeStruct((NC, NP, D), jnp.float32),
    mesh=_mesh,
    scratch_types=[
        pltpu.VMEM((CPT, CHUNK), jnp.int32),
        pltpu.VMEM((CHUNK, D), jnp.float32),
        pltpu.VMEM_SHARED((NP, D), jnp.float32),
    ],
)
def _sc_degree(dst_hbm, out_hbm, dst_v, buf, acc):
    c = lax.axis_index("c")
    s = lax.axis_index("s")
    wid = c * NS + s
    _fill(buf, CHUNK, D, 0.0)
    _zero_my_span(buf, acc, s)
    pltpu.sync_copy(dst_hbm.at[wid], dst_v)
    _fill(buf, CHUNK, D, 1.0)
    plsc.subcore_barrier()

    @pl.loop(0, CPT)
    def _(j):
        pltpu.sync_copy(buf, acc.at[dst_v.at[j]], add=True)

    plsc.subcore_barrier()
    pltpu.sync_copy(acc.at[pl.ds(s * RPS, RPS)],
                    out_hbm.at[c].at[pl.ds(s * RPS, RPS)])


@functools.partial(
    pl.kernel,
    out_type=jax.ShapeDtypeStruct((NC, NP, D), jnp.float32),
    mesh=_mesh,
    scratch_types=[
        pltpu.VMEM((CPT, CHUNK), jnp.int32),
        pltpu.VMEM((CPT, CHUNK), jnp.int32),
        pltpu.VMEM((CHUNK, D), jnp.float32),
        pltpu.VMEM_SHARED((NP, D), jnp.float32),
    ],
)
def _sc_aggregate(hp_hbm, src_hbm, dst_hbm, out_hbm,
                  src_v, dst_v, rows, acc):
    c = lax.axis_index("c")
    s = lax.axis_index("s")
    wid = c * NS + s
    _fill(rows, CHUNK, D, 0.0)
    _zero_my_span(rows, acc, s)
    pltpu.sync_copy(src_hbm.at[wid], src_v)
    pltpu.sync_copy(dst_hbm.at[wid], dst_v)
    plsc.subcore_barrier()

    @pl.loop(0, CPT)
    def _(j):
        pltpu.sync_copy(hp_hbm.at[src_v.at[j]], rows)
        pltpu.sync_copy(rows, acc.at[dst_v.at[j]], add=True)

    plsc.subcore_barrier()
    pltpu.sync_copy(acc.at[pl.ds(s * RPS, RPS)],
                    out_hbm.at[c].at[pl.ds(s * RPS, RPS)])


def _blk(i):
    return (i, 0)


def _rep(i):
    return (0, 0)


_node_spec = pl.BlockSpec((ROW_BLK, D), _blk)
_w_spec = pl.BlockSpec((D, D), _rep)
_b_spec = pl.BlockSpec((1, D), _rep)
_node_out = jax.ShapeDtypeStruct((NP, D), jnp.float32)


def _dot(a, b):
    return jax.lax.dot_general(a, b, (((1,), (0,)), ((), ())),
                               precision=jax.lax.Precision.HIGHEST,
                               preferred_element_type=jnp.float32)


def _mm1_body(x_ref, w_ref, o_ref):
    o_ref[...] = _dot(x_ref[...], w_ref[...])


def _prep_body(da_ref, db_ref, h_ref, dinv_ref, hp_ref):
    dinv = jax.lax.rsqrt(da_ref[...] + db_ref[...] + 1.0)
    dinv_ref[...] = dinv
    hp_ref[...] = h_ref[...] * dinv


def _layer_body(a0_ref, a1_ref, hp_ref, dinv_ref, b_ref, w_ref, o_ref):
    dinv = dinv_ref[...]
    y = dinv * (a0_ref[...] + a1_ref[...] + hp_ref[...]) + b_ref[...]
    y = jnp.maximum(y, 0.0)
    o_ref[...] = _dot(y, w_ref[...]) * dinv


def _final_body(a0_ref, a1_ref, hp_ref, dinv_ref, b_ref, o_ref):
    o_ref[...] = (dinv_ref[...] * (a0_ref[...] + a1_ref[...] + hp_ref[...])
                  + b_ref[...])


_GRID = NP // ROW_BLK

_tc_mm1 = pl.pallas_call(
    _mm1_body, grid=(_GRID,),
    in_specs=[_node_spec, _w_spec], out_specs=_node_spec,
    out_shape=_node_out)

_tc_prep = pl.pallas_call(
    _prep_body, grid=(_GRID,),
    in_specs=[_node_spec, _node_spec, _node_spec],
    out_specs=[_node_spec, _node_spec],
    out_shape=[_node_out, _node_out])

_tc_layer = pl.pallas_call(
    _layer_body, grid=(_GRID,),
    in_specs=[_node_spec, _node_spec, _node_spec, _node_spec, _b_spec, _w_spec],
    out_specs=_node_spec, out_shape=_node_out)

_tc_final = pl.pallas_call(
    _final_body, grid=(_GRID,),
    in_specs=[_node_spec, _node_spec, _node_spec, _node_spec, _b_spec],
    out_specs=_node_spec, out_shape=_node_out)


def kernel(x, edge_index, W1, b1, W2, b2, W3, b3):
    src = edge_index[0].reshape(NW, EPT)
    dst = edge_index[1].reshape(NW, EPT)
    src = jnp.pad(src, ((0, 0), (0, EPAD - EPT))).reshape(NW, CPT, CHUNK)
    dst = jnp.pad(dst, ((0, 0), (0, EPAD - EPT)),
                  constant_values=N).reshape(NW, CPT, CHUNK)
    x = jnp.pad(x, ((0, NP - N), (0, 0)))
    b1 = b1.reshape(1, D)
    b2 = b2.reshape(1, D)
    b3 = b3.reshape(1, D)

    deg = _sc_degree(dst)
    h1 = _tc_mm1(x, W1)
    dinv, hp1 = _tc_prep(deg[0], deg[1], h1)

    a = _sc_aggregate(hp1, src, dst)
    hp2 = _tc_layer(a[0], a[1], hp1, dinv, b1, W2)
    a = _sc_aggregate(hp2, src, dst)
    hp3 = _tc_layer(a[0], a[1], hp2, dinv, b2, W3)
    a = _sc_aggregate(hp3, src, dst)
    out = _tc_final(a[0], a[1], hp3, dinv, b3)
    return out[:N]

# --- scband reference (transcript-rebuilt; emitter-appended) ---
"""Pipeline reference for scband-decoder-64020782514981 (READ-ONLY COPY).

The authoritative reference and input builder live on the scoring server;
editing this copy changes nothing except your own understanding.
"""

import jax, jax.numpy as jnp
import numpy as np

N_NODES = 10000
N_EDGES = 320000
D = 128


def gcn_conv(x, edge_index, W, b):
    # Faithful PyG GCNConv: add self-loops, symmetric normalization,
    # linear transform, scatter-add aggregation, bias.
    n = x.shape[0]
    loop = jnp.arange(n, dtype=edge_index.dtype)
    src = jnp.concatenate([edge_index[0], loop])
    dst = jnp.concatenate([edge_index[1], loop])
    h = x @ W
    deg = jnp.zeros((n,), dtype=x.dtype).at[dst].add(jnp.ones_like(dst, dtype=x.dtype))
    dinv = jnp.where(deg > 0, 1.0 / jnp.sqrt(deg), 0.0)
    norm = dinv[src] * dinv[dst]
    msg = h[src] * norm[:, None]
    out = jnp.zeros_like(h).at[dst].add(msg)
    return out + b


def setup_inputs(seed: int = 0) -> dict:
    key = jax.random.key(seed)
    ks = jax.random.split(key, 8)
    x = jax.random.normal(ks[0], (N_NODES, D), dtype=jnp.float32)
    edge_index = jax.random.randint(ks[1], (2, N_EDGES), 0, N_NODES, dtype=jnp.int32)
    s1 = 1.0 / np.sqrt(D)
    W1 = jax.random.uniform(ks[2], (D, D), dtype=jnp.float32, minval=-s1, maxval=s1)
    b1 = jnp.zeros((D,), dtype=jnp.float32)
    W2 = jax.random.uniform(ks[3], (D, D), dtype=jnp.float32, minval=-s1, maxval=s1)
    b2 = jnp.zeros((D,), dtype=jnp.float32)
    W3 = jax.random.uniform(ks[4], (D, D), dtype=jnp.float32, minval=-s1, maxval=s1)
    b3 = jnp.zeros((D,), dtype=jnp.float32)
    return {"x": x, "edge_index": edge_index, "W1": W1, "b1": b1, "W2": W2, "b2": b2, "W3": W3, "b3": b3}


def reference(x, edge_index, W1, b1, W2, b2, W3, b3):
    h = gcn_conv(x, edge_index, W1, b1)
    h = jax.nn.relu(h)
    h = gcn_conv(h, edge_index, W2, b2)
    h = jax.nn.relu(h)
    h = gcn_conv(h, edge_index, W3, b3)
    return h

if __name__ == "__main__":
    import jax
    _d = setup_inputs()
    print(jax.jit(kernel)(*tuple(_d.values())))

</pallas_src>

<mosaic_0001>
#map = affine_map<(d0, d1) -> (0, 0)>
#map1 = affine_map<(d0, d1) -> (0, 0, 0)>
module attributes {stable_mosaic.version = 14 : i64} {
  func.func @_sc_aggregate(%arg0: i32, %arg1: i32, %arg2: memref<10112x128xf32, #tpu.memory_space<hbm>>, %arg3: memref<32x100x100xi32, #tpu.memory_space<hbm>>, %arg4: memref<32x100x100xi32, #tpu.memory_space<hbm>>, %arg5: memref<2x10112x128xf32, #tpu.memory_space<hbm>>, %arg6: memref<100x100xi32, #tpu.memory_space<vmem>>, %arg7: memref<100x100xi32, #tpu.memory_space<vmem>>, %arg8: memref<100x128xf32, #tpu.memory_space<vmem>>, %arg9: memref<10112x128xf32, #tpu.memory_space<vmem_shared>>) attributes {dimension_semantics = [#tpu.dimension_semantics<core_parallel>, #tpu.dimension_semantics<subcore_parallel>], iteration_bounds = array<i64: 2, 16>, scalar_prefetch = 0 : i64, scratch_operands = 4 : i64, tpu.core_type = #tpu.core_type<sc_vector_subcore>, window_params = [{transform_indices = #map}, {transform_indices = #map1}, {transform_indices = #map1}, {transform_indices = #map1}]} {
    %mul3A = arith.constant 16 : i32
    %mul3A_0 = arith.muli %arg0, %mul3A : i32
    %add3A = arith.addi %mul3A_0, %arg1 : i32
    %scan3A = arith.constant 0 : i32
    %scan3A_1 = arith.constant 100 : i32
    %scan3A_2 = arith.addi %scan3A, %scan3A_1 : i32
    %scan3A_3 = arith.constant 1 : i32
    scf.for %scan3A_43 = %scan3A to %scan3A_2 step %scan3A_3  : i32 {
      %mul3A_44 = arith.constant 1 : i32
      %mul3A_45 = arith.muli %scan3A_43, %mul3A_44 : i32
      %add3A_46 = arith.constant 0 : i32
      %add3A_47 = arith.addi %add3A_46, %mul3A_45 : i32
      %broadcast_in_dim3A = arith.constant 0.000000e+00 : f32
      %broadcast_in_dim3A_48 = vector.broadcast %broadcast_in_dim3A : f32 to vector<16xf32>
      %swap3A = arith.index_cast %add3A_47 : i32 to index
      %swap3A_49 = arith.constant 0 : index
      %swap3A_50 = tpu.vector_load %arg8[%swap3A, %swap3A_49] {strides = array<i32>} : memref<100x128xf32, #tpu.memory_space<vmem>>, vector<1x16xf32>,
      %swap3A_51 = vector.shape_cast %swap3A_50 : vector<1x16xf32> to vector<16xf32>
      %swap3A_52 = vector.shape_cast %broadcast_in_dim3A_48 : vector<16xf32> to vector<1x16xf32>
      tpu.vector_store %arg8[%swap3A, %swap3A_49], %swap3A_52 {strides = array<i32>} : memref<100x128xf32, #tpu.memory_space<vmem>>, vector<1x16xf32>,
      %broadcast_in_dim3A_53 = arith.constant 0.000000e+00 : f32
      %broadcast_in_dim3A_54 = vector.broadcast %broadcast_in_dim3A_53 : f32 to vector<16xf32>
      %swap3A_55 = arith.index_cast %add3A_47 : i32 to index
      %swap3A_56 = arith.constant 16 : index
      %swap3A_57 = tpu.vector_load %arg8[%swap3A_55, %swap3A_56] {strides = array<i32>} : memref<100x128xf32, #tpu.memory_space<vmem>>, vector<1x16xf32>,
      %swap3A_58 = vector.shape_cast %swap3A_57 : vector<1x16xf32> to vector<16xf32>
      %swap3A_59 = vector.shape_cast %broadcast_in_dim3A_54 : vector<16xf32> to vector<1x16xf32>
      tpu.vector_store %arg8[%swap3A_55, %swap3A_56], %swap3A_59 {strides = array<i32>} : memref<100x128xf32, #tpu.memory_space<vmem>>, vector<1x16xf32>,
      %broadcast_in_dim3A_60 = arith.constant 0.000000e+00 : f32
      %broadcast_in_dim3A_61 = vector.broadcast %broadcast_in_dim3A_60 : f32 to vector<16xf32>
      %swap3A_62 = arith.index_cast %add3A_47 : i32 to index
      %swap3A_63 = arith.constant 32 : index
      %swap3A_64 = tpu.vector_load %arg8[%swap3A_62, %swap3A_63] {strides = array<i32>} : memref<100x128xf32, #tpu.memory_space<vmem>>, vector<1x16xf32>,
      %swap3A_65 = vector.shape_cast %swap3A_64 : vector<1x16xf32> to vector<16xf32>
      %swap3A_66 = vector.shape_cast %broadcast_in_dim3A_61 : vector<16xf32> to vector<1x16xf32>
      tpu.vector_store %arg8[%swap3A_62, %swap3A_63], %swap3A_66 {strides = array<i32>} : memref<100x128xf32, #tpu.memory_space<vmem>>, vector<1x16xf32>,
      %broadcast_in_dim3A_67 = arith.constant 0.000000e+00 : f32
      %broadcast_in_dim3A_68 = vector.broadcast %broadcast_in_dim3A_67 : f32 to vector<16xf32>
      %swap3A_69 = arith.index_cast %add3A_47 : i32 to index
      %swap3A_70 = arith.constant 48 : index
      %swap3A_71 = tpu.vector_load %arg8[%swap3A_69, %swap3A_70] {strides = array<i32>} : memref<100x128xf32, #tpu.memory_space<vmem>>, vector<1x16xf32>,
      %swap3A_72 = vector.shape_cast %swap3A_71 : vector<1x16xf32> to vector<16xf32>
      %swap3A_73 = vector.shape_cast %broadcast_in_dim3A_68 : vector<16xf32> to vector<1x16xf32>
      tpu.vector_store %arg8[%swap3A_69, %swap3A_70], %swap3A_73 {strides = array<i32>} : memref<100x128xf32, #tpu.memory_space<vmem>>, vector<1x16xf32>,
      %broadcast_in_dim3A_74 = arith.constant 0.000000e+00 : f32
      %broadcast_in_dim3A_75 = vector.broadcast %broadcast_in_dim3A_74 : f32 to vector<16xf32>
      %swap3A_76 = arith.index_cast %add3A_47 : i32 to index
      %swap3A_77 = arith.constant 64 : index
      %swap3A_78 = tpu.vector_load %arg8[%swap3A_76, %swap3A_77] {strides = array<i32>} : memref<100x128xf32, #tpu.memory_space<vmem>>, vector<1x16xf32>,
      %swap3A_79 = vector.shape_cast %swap3A_78 : vector<1x16xf32> to vector<16xf32>
      %swap3A_80 = vector.shape_cast %broadcast_in_dim3A_75 : vector<16xf32> to vector<1x16xf32>
      tpu.vector_store %arg8[%swap3A_76, %swap3A_77], %swap3A_80 {strides = array<i32>} : memref<100x128xf32, #tpu.memory_space<vmem>>, vector<1x16xf32>,
      %broadcast_in_dim3A_81 = arith.constant 0.000000e+00 : f32
      %broadcast_in_dim3A_82 = vector.broadcast %broadcast_in_dim3A_81 : f32 to vector<16xf32>
      %swap3A_83 = arith.index_cast %add3A_47 : i32 to index
      %swap3A_84 = arith.constant 80 : index
      %swap3A_85 = tpu.vector_load %arg8[%swap3A_83, %swap3A_84] {strides = array<i32>} : memref<100x128xf32, #tpu.memory_space<vmem>>, vector<1x16xf32>,
      %swap3A_86 = vector.shape_cast %swap3A_85 : vector<1x16xf32> to vector<16xf32>
      %swap3A_87 = vector.shape_cast %broadcast_in_dim3A_82 : vector<16xf32> to vector<1x16xf32>
      tpu.vector_store %arg8[%swap3A_83, %swap3A_84], %swap3A_87 {strides = array<i32>} : memref<100x128xf32, #tpu.memory_space<vmem>>, vector<1x16xf32>,
      %broadcast_in_dim3A_88 = arith.constant 0.000000e+00 : f32
      %broadcast_in_dim3A_89 = vector.broadcast %broadcast_in_dim3A_88 : f32 to vector<16xf32>
      %swap3A_90 = arith.index_cast %add3A_47 : i32 to index
      %swap3A_91 = arith.constant 96 : index
      %swap3A_92 = tpu.vector_load %arg8[%swap3A_90, %swap3A_91] {strides = array<i32>} : memref<100x128xf32, #tpu.memory_space<vmem>>, vector<1x16xf32>,
      %swap3A_93 = vector.shape_cast %swap3A_92 : vector<1x16xf32> to vector<16xf32>
      %swap3A_94 = vector.shape_cast %broadcast_in_dim3A_89 : vector<16xf32> to vector<1x16xf32>
      tpu.vector_store %arg8[%swap3A_90, %swap3A_91], %swap3A_94 {strides = array<i32>} : memref<100x128xf32, #tpu.memory_space<vmem>>, vector<1x16xf32>,
      %broadcast_in_dim3A_95 = arith.constant 0.000000e+00 : f32
      %broadcast_in_dim3A_96 = vector.broadcast %broadcast_in_dim3A_95 : f32 to vector<16xf32>
      %swap3A_97 = arith.index_cast %add3A_47 : i32 to index
      %swap3A_98 = arith.constant 112 : index
      %swap3A_99 = tpu.vector_load %arg8[%swap3A_97, %swap3A_98] {strides = array<i32>} : memref<100x128xf32, #tpu.memory_space<vmem>>, vector<1x16xf32>,
      %swap3A_100 = vector.shape_cast %swap3A_99 : vector<1x16xf32> to vector<16xf32>
      %swap3A_101 = vector.shape_cast %broadcast_in_dim3A_96 : vector<16xf32> to vector<1x16xf32>
      tpu.vector_store %arg8[%swap3A_97, %swap3A_98], %swap3A_101 {strides = array<i32>} : memref<100x128xf32, #tpu.memory_space<vmem>>, vector<1x16xf32>,
    }
    %scan3A_4 = arith.constant 100 : i32
    %mul3A_5 = arith.constant 632 : i32
    %mul3A_6 = arith.muli %arg1, %mul3A_5 : i32
    %add3A_7 = arith.constant 0 : i32
    %add3A_8 = arith.addi %mul3A_6, %add3A_7 : i32
    "tpu.region"() ({
      %run_scoped3A = tpu.sem_alloc : memref<!tpu.dma_semaphore, #tpu.memory_space<semaphore_mem>>
      %dma_start3A = arith.constant 0 : i32
      %dma_start3A_43 = arith.constant 0 : i32
      %dma_start3A_44 = tpu.memref_slice %arg8[%dma_start3A, %dma_start3A_43] : memref<100x128xf32, #tpu.memory_space<vmem>> -> memref<100x128xf32, #tpu.memory_space<vmem>>
      %dma_start3A_45 = arith.constant 0 : i32
      %dma_start3A_46 = tpu.memref_slice %arg9[%add3A_8, %dma_start3A_45] : memref<10112x128xf32, #tpu.memory_space<vmem_shared>> -> memref<100x128xf32, #tpu.memory_space<vmem_shared>>
      %dma_start3A_47 = arith.constant 0 : i32
      %dma_start3A_48 = tpu.memref_slice %arg9[%add3A_8, %dma_start3A_47] : memref<10112x128xf32, #tpu.memory_space<vmem_shared>> -> memref<100x128xf32, #tpu.memory_space<vmem_shared>>
      %dma_start3A_49 = arith.constant 0 : i32
      %dma_start3A_50 = arith.constant 0 : i32
      %dma_start3A_51 = tpu.memref_slice %arg8[%dma_start3A_49, %dma_start3A_50] : memref<100x128xf32, #tpu.memory_space<vmem>> -> memref<100x128xf32, #tpu.memory_space<vmem>>
      tpu.enqueue_dma source(%dma_start3A_51 : memref<100x128xf32, #tpu.memory_space<vmem>>) target(%dma_start3A_48 : memref<100x128xf32, #tpu.memory_space<vmem_shared>>) target_semaphore(%run_scoped3A : memref<!tpu.dma_semaphore, #tpu.memory_space<semaphore_mem>>)
      %dma_wait3A = arith.constant 0 : i32
      %dma_wait3A_52 = arith.constant 0 : i32
      %dma_wait3A_53 = tpu.memref_slice %arg8[%dma_wait3A, %dma_wait3A_52] : memref<100x128xf32, #tpu.memory_space<vmem>> -> memref<100x128xf32, #tpu.memory_space<vmem>>
      %dma_wait3A_54 = arith.constant 0 : i32
      %dma_wait3A_55 = tpu.memref_slice %arg9[%add3A_8, %dma_wait3A_54] : memref<10112x128xf32, #tpu.memory_space<vmem_shared>> -> memref<100x128xf32, #tpu.memory_space<vmem_shared>>
      %dma_wait3A_56 = arith.constant 0 : i32
      %dma_wait3A_57 = tpu.memref_slice %arg9[%add3A_8, %dma_wait3A_56] : memref<10112x128xf32, #tpu.memory_space<vmem_shared>> -> memref<100x128xf32, #tpu.memory_space<vmem_shared>>
      %dma_wait3A_58 = arith.constant 0 : i32
      %dma_wait3A_59 = arith.constant 0 : i32
      %dma_wait3A_60 = tpu.memref_slice %arg8[%dma_wait3A_58, %dma_wait3A_59] : memref<100x128xf32, #tpu.memory_space<vmem>> -> memref<100x128xf32, #tpu.memory_space<vmem>>
      tpu.wait_dma2 semaphore(%run_scoped3A : memref<!tpu.dma_semaphore, #tpu.memory_space<semaphore_mem>>) src(%dma_wait3A_60 : memref<100x128xf32, #tpu.memory_space<vmem>>) dst(%dma_wait3A_57 : memref<100x128xf32, #tpu.memory_space<vmem_shared>>)
      tpu.yield
    }) : () -> ()
    %mul3A_9 = arith.constant 632 : i32
    %mul3A_10 = arith.muli %arg1, %mul3A_9 : i32
    %add3A_11 = arith.constant 100 : i32
    %add3A_12 = arith.addi %mul3A_10, %add3A_11 : i32
    "tpu.region"() ({
      %run_scoped3A = tpu.sem_alloc : memref<!tpu.dma_semaphore, #tpu.memory_space<semaphore_mem>>
      %dma_start3A = arith.constant 0 : i32
      %dma_start3A_43 = arith.constant 0 : i32
      %dma_start3A_44 = tpu.memref_slice %arg8[%dma_start3A, %dma_start3A_43] : memref<100x128xf32, #tpu.memory_space<vmem>> -> memref<100x128xf32, #tpu.memory_space<vmem>>
      %dma_start3A_45 = arith.constant 0 : i32
      %dma_start3A_46 = tpu.memref_slice %arg9[%add3A_12, %dma_start3A_45] : memref<10112x128xf32, #tpu.memory_space<vmem_shared>> -> memref<100x128xf32, #tpu.memory_space<vmem_shared>>
      %dma_start3A_47 = arith.constant 0 : i32
      %dma_start3A_48 = tpu.memref_slice %arg9[%add3A_12, %dma_start3A_47] : memref<10112x128xf32, #tpu.memory_space<vmem_shared>> -> memref<100x128xf32, #tpu.memory_space<vmem_shared>>
      %dma_start3A_49 = arith.constant 0 : i32
      %dma_start3A_50 = arith.constant 0 : i32
      %dma_start3A_51 = tpu.memref_slice %arg8[%dma_start3A_49, %dma_start3A_50] : memref<100x128xf32, #tpu.memory_space<vmem>> -> memref<100x128xf32, #tpu.memory_space<vmem>>
      tpu.enqueue_dma source(%dma_start3A_51 : memref<100x128xf32, #tpu.memory_space<vmem>>) target(%dma_start3A_48 : memref<100x128xf32, #tpu.memory_space<vmem_shared>>) target_semaphore(%run_scoped3A : memref<!tpu.dma_semaphore, #tpu.memory_space<semaphore_mem>>)
      %dma_wait3A = arith.constant 0 : i32
      %dma_wait3A_52 = arith.constant 0 : i32
      %dma_wait3A_53 = tpu.memref_slice %arg8[%dma_wait3A, %dma_wait3A_52] : memref<100x128xf32, #tpu.memory_space<vmem>> -> memref<100x128xf32, #tpu.memory_space<vmem>>
      %dma_wait3A_54 = arith.constant 0 : i32
      %dma_wait3A_55 = tpu.memref_slice %arg9[%add3A_12, %dma_wait3A_54] : memref<10112x128xf32, #tpu.memory_space<vmem_shared>> -> memref<100x128xf32, #tpu.memory_space<vmem_shared>>
      %dma_wait3A_56 = arith.constant 0 : i32
      %dma_wait3A_57 = tpu.memref_slice %arg9[%add3A_12, %dma_wait3A_56] : memref<10112x128xf32, #tpu.memory_space<vmem_shared>> -> memref<100x128xf32, #tpu.memory_space<vmem_shared>>
      %dma_wait3A_58 = arith.constant 0 : i32
      %dma_wait3A_59 = arith.constant 0 : i32
      %dma_wait3A_60 = tpu.memref_slice %arg8[%dma_wait3A_58, %dma_wait3A_59] : memref<100x128xf32, #tpu.memory_space<vmem>> -> memref<100x128xf32, #tpu.memory_space<vmem>>
      tpu.wait_dma2 semaphore(%run_scoped3A : memref<!tpu.dma_semaphore, #tpu.memory_space<semaphore_mem>>) src(%dma_wait3A_60 : memref<100x128xf32, #tpu.memory_space<vmem>>) dst(%dma_wait3A_57 : memref<100x128xf32, #tpu.memory_space<vmem_shared>>)
      tpu.yield
    }) : () -> ()
    %mul3A_13 = arith.constant 632 : i32
    %mul3A_14 = arith.muli %arg1, %mul3A_13 : i32
    %add3A_15 = arith.constant 200 : i32
    %add3A_16 = arith.addi %mul3A_14, %add3A_15 : i32
    "tpu.region"() ({
      %run_scoped3A = tpu.sem_alloc : memref<!tpu.dma_semaphore, #tpu.memory_space<semaphore_mem>>
      %dma_start3A = arith.constant 0 : i32
      %dma_start3A_43 = arith.constant 0 : i32
      %dma_start3A_44 = tpu.memref_slice %arg8[%dma_start3A, %dma_start3A_43] : memref<100x128xf32, #tpu.memory_space<vmem>> -> memref<100x128xf32, #tpu.memory_space<vmem>>
      %dma_start3A_45 = arith.constant 0 : i32
      %dma_start3A_46 = tpu.memref_slice %arg9[%add3A_16, %dma_start3A_45] : memref<10112x128xf32, #tpu.memory_space<vmem_shared>> -> memref<100x128xf32, #tpu.memory_space<vmem_shared>>
      %dma_start3A_47 = arith.constant 0 : i32
      %dma_start3A_48 = tpu.memref_slice %arg9[%add3A_16, %dma_start3A_47] : memref<10112x128xf32, #tpu.memory_space<vmem_shared>> -> memref<100x128xf32, #tpu.memory_space<vmem_shared>>
      %dma_start3A_49 = arith.constant 0 : i32
      %dma_start3A_50 = arith.constant 0 : i32
      %dma_start3A_51 = tpu.memref_slice %arg8[%dma_start3A_49, %dma_start3A_50] : memref<100x128xf32, #tpu.memory_space<vmem>> -> memref<100x128xf32, #tpu.memory_space<vmem>>
      tpu.enqueue_dma source(%dma_start3A_51 : memref<100x128xf32, #tpu.memory_space<vmem>>) target(%dma_start3A_48 : memref<100x128xf32, #tpu.memory_space<vmem_shared>>) target_semaphore(%run_scoped3A : memref<!tpu.dma_semaphore, #tpu.memory_space<semaphore_mem>>)
      %dma_wait3A = arith.constant 0 : i32
      %dma_wait3A_52 = arith.constant 0 : i32
      %dma_wait3A_53 = tpu.memref_slice %arg8[%dma_wait3A, %dma_wait3A_52] : memref<100x128xf32, #tpu.memory_space<vmem>> -> memref<100x128xf32, #tpu.memory_space<vmem>>
      %dma_wait3A_54 = arith.constant 0 : i32
      %dma_wait3A_55 = tpu.memref_slice %arg9[%add3A_16, %dma_wait3A_54] : memref<10112x128xf32, #tpu.memory_space<vmem_shared>> -> memref<100x128xf32, #tpu.memory_space<vmem_shared>>
      %dma_wait3A_56 = arith.constant 0 : i32
      %dma_wait3A_57 = tpu.memref_slice %arg9[%add3A_16, %dma_wait3A_56] : memref<10112x128xf32, #tpu.memory_space<vmem_shared>> -> memref<100x128xf32, #tpu.memory_space<vmem_shared>>
      %dma_wait3A_58 = arith.constant 0 : i32
      %dma_wait3A_59 = arith.constant 0 : i32
      %dma_wait3A_60 = tpu.memref_slice %arg8[%dma_wait3A_58, %dma_wait3A_59] : memref<100x128xf32, #tpu.memory_space<vmem>> -> memref<100x128xf32, #tpu.memory_space<vmem>>
      tpu.wait_dma2 semaphore(%run_scoped3A : memref<!tpu.dma_semaphore, #tpu.memory_space<semaphore_mem>>) src(%dma_wait3A_60 : memref<100x128xf32, #tpu.memory_space<vmem>>) dst(%dma_wait3A_57 : memref<100x128xf32, #tpu.memory_space<vmem_shared>>)
      tpu.yield
    }) : () -> ()
    %mul3A_17 = arith.constant 632 : i32
    %mul3A_18 = arith.muli %arg1, %mul3A_17 : i32
    %add3A_19 = arith.constant 300 : i32
    %add3A_20 = arith.addi %mul3A_18, %add3A_19 : i32
    "tpu.region"() ({
      %run_scoped3A = tpu.sem_alloc : memref<!tpu.dma_semaphore, #tpu.memory_space<semaphore_mem>>
      %dma_start3A = arith.constant 0 : i32
      %dma_start3A_43 = arith.constant 0 : i32
      %dma_start3A_44 = tpu.memref_slice %arg8[%dma_start3A, %dma_start3A_43] : memref<100x128xf32, #tpu.memory_space<vmem>> -> memref<100x128xf32, #tpu.memory_space<vmem>>
      %dma_start3A_45 = arith.constant 0 : i32
      %dma_start3A_46 = tpu.memref_slice %arg9[%add3A_20, %dma_start3A_45] : memref<10112x128xf32, #tpu.memory_space<vmem_shared>> -> memref<100x128xf32, #tpu.memory_space<vmem_shared>>
      %dma_start3A_47 = arith.constant 0 : i32
      %dma_start3A_48 = tpu.memref_slice %arg9[%add3A_20, %dma_start3A_47] : memref<10112x128xf32, #tpu.memory_space<vmem_shared>> -> memref<100x128xf32, #tpu.memory_space<vmem_shared>>
      %dma_start3A_49 = arith.constant 0 : i32
      %dma_start3A_50 = arith.constant 0 : i32
      %dma_start3A_51 = tpu.memref_slice %arg8[%dma_start3A_49, %dma_start3A_50] : memref<100x128xf32, #tpu.memory_space<vmem>> -> memref<100x128xf32, #tpu.memory_space<vmem>>
      tpu.enqueue_dma source(%dma_start3A_51 : memref<100x128xf32, #tpu.memory_space<vmem>>) target(%dma_start3A_48 : memref<100x128xf32, #tpu.memory_space<vmem_shared>>) target_semaphore(%run_scoped3A : memref<!tpu.dma_semaphore, #tpu.memory_space<semaphore_mem>>)
      %dma_wait3A = arith.constant 0 : i32
      %dma_wait3A_52 = arith.constant 0 : i32
      %dma_wait3A_53 = tpu.memref_slice %arg8[%dma_wait3A, %dma_wait3A_52] : memref<100x128xf32, #tpu.memory_space<vmem>> -> memref<100x128xf32, #tpu.memory_space<vmem>>
      %dma_wait3A_54 = arith.constant 0 : i32
      %dma_wait3A_55 = tpu.memref_slice %arg9[%add3A_20, %dma_wait3A_54] : memref<10112x128xf32, #tpu.memory_space<vmem_shared>> -> memref<100x128xf32, #tpu.memory_space<vmem_shared>>
      %dma_wait3A_56 = arith.constant 0 : i32
      %dma_wait3A_57 = tpu.memref_slice %arg9[%add3A_20, %dma_wait3A_56] : memref<10112x128xf32, #tpu.memory_space<vmem_shared>> -> memref<100x128xf32, #tpu.memory_space<vmem_shared>>
      %dma_wait3A_58 = arith.constant 0 : i32
      %dma_wait3A_59 = arith.constant 0 : i32
      %dma_wait3A_60 = tpu.memref_slice %arg8[%dma_wait3A_58, %dma_wait3A_59] : memref<100x128xf32, #tpu.memory_space<vmem>> -> memref<100x128xf32, #tpu.memory_space<vmem>>
      tpu.wait_dma2 semaphore(%run_scoped3A : memref<!tpu.dma_semaphore, #tpu.memory_space<semaphore_mem>>) src(%dma_wait3A_60 : memref<100x128xf32, #tpu.memory_space<vmem>>) dst(%dma_wait3A_57 : memref<100x128xf32, #tpu.memory_space<vmem_shared>>)
      tpu.yield
    }) : () -> ()
    %mul3A_21 = arith.constant 632 : i32
    %mul3A_22 = arith.muli %arg1, %mul3A_21 : i32
    %add3A_23 = arith.constant 400 : i32
    %add3A_24 = arith.addi %mul3A_22, %add3A_23 : i32
    "tpu.region"() ({
      %run_scoped3A = tpu.sem_alloc : memref<!tpu.dma_semaphore, #tpu.memory_space<semaphore_mem>>
      %dma_start3A = arith.constant 0 : i32
      %dma_start3A_43 = arith.constant 0 : i32
      %dma_start3A_44 = tpu.memref_slice %arg8[%dma_start3A, %dma_start3A_43] : memref<100x128xf32, #tpu.memory_space<vmem>> -> memref<100x128xf32, #tpu.memory_space<vmem>>
      %dma_start3A_45 = arith.constant 0 : i32
      %dma_start3A_46 = tpu.memref_slice %arg9[%add3A_24, %dma_start3A_45] : memref<10112x128xf32, #tpu.memory_space<vmem_shared>> -> memref<100x128xf32, #tpu.memory_space<vmem_shared>>
      %dma_start3A_47 = arith.constant 0 : i32
      %dma_start3A_48 = tpu.memref_slice %arg9[%add3A_24, %dma_start3A_47] : memref<10112x128xf32, #tpu.memory_space<vmem_shared>> -> memref<100x128xf32, #tpu.memory_space<vmem_shared>>
      %dma_start3A_49 = arith.constant 0 : i32
      %dma_start3A_50 = arith.constant 0 : i32
      %dma_start3A_51 = tpu.memref_slice %arg8[%dma_start3A_49, %dma_start3A_50] : memref<100x128xf32, #tpu.memory_space<vmem>> -> memref<100x128xf32, #tpu.memory_space<vmem>>
      tpu.enqueue_dma source(%dma_start3A_51 : memref<100x128xf32, #tpu.memory_space<vmem>>) target(%dma_start3A_48 : memref<100x128xf32, #tpu.memory_space<vmem_shared>>) target_semaphore(%run_scoped3A : memref<!tpu.dma_semaphore, #tpu.memory_space<semaphore_mem>>)
      %dma_wait3A = arith.constant 0 : i32
      %dma_wait3A_52 = arith.constant 0 : i32
      %dma_wait3A_53 = tpu.memref_slice %arg8[%dma_wait3A, %dma_wait3A_52] : memref<100x128xf32, #tpu.memory_space<vmem>> -> memref<100x128xf32, #tpu.memory_space<vmem>>
      %dma_wait3A_54 = arith.constant 0 : i32
      %dma_wait3A_55 = tpu.memref_slice %arg9[%add3A_24, %dma_wait3A_54] : memref<10112x128xf32, #tpu.memory_space<vmem_shared>> -> memref<100x128xf32, #tpu.memory_space<vmem_shared>>
      %dma_wait3A_56 = arith.constant 0 : i32
      %dma_wait3A_57 = tpu.memref_slice %arg9[%add3A_24, %dma_wait3A_56] : memref<10112x128xf32, #tpu.memory_space<vmem_shared>> -> memref<100x128xf32, #tpu.memory_space<vmem_shared>>
      %dma_wait3A_58 = arith.constant 0 : i32
      %dma_wait3A_59 = arith.constant 0 : i32
      %dma_wait3A_60 = tpu.memref_slice %arg8[%dma_wait3A_58, %dma_wait3A_59] : memref<100x128xf32, #tpu.memory_space<vmem>> -> memref<100x128xf32, #tpu.memory_space<vmem>>
      tpu.wait_dma2 semaphore(%run_scoped3A : memref<!tpu.dma_semaphore, #tpu.memory_space<semaphore_mem>>) src(%dma_wait3A_60 : memref<100x128xf32, #tpu.memory_space<vmem>>) dst(%dma_wait3A_57 : memref<100x128xf32, #tpu.memory_space<vmem_shared>>)
      tpu.yield
    }) : () -> ()
    %mul3A_25 = arith.constant 632 : i32
    %mul3A_26 = arith.muli %arg1, %mul3A_25 : i32
    %add3A_27 = arith.constant 500 : i32
    %add3A_28 = arith.addi %mul3A_26, %add3A_27 : i32
    "tpu.region"() ({
      %run_scoped3A = tpu.sem_alloc : memref<!tpu.dma_semaphore, #tpu.memory_space<semaphore_mem>>
      %dma_start3A = arith.constant 0 : i32
      %dma_start3A_43 = arith.constant 0 : i32
      %dma_start3A_44 = tpu.memref_slice %arg8[%dma_start3A, %dma_start3A_43] : memref<100x128xf32, #tpu.memory_space<vmem>> -> memref<100x128xf32, #tpu.memory_space<vmem>>
      %dma_start3A_45 = arith.constant 0 : i32
      %dma_start3A_46 = tpu.memref_slice %arg9[%add3A_28, %dma_start3A_45] : memref<10112x128xf32, #tpu.memory_space<vmem_shared>> -> memref<100x128xf32, #tpu.memory_space<vmem_shared>>
      %dma_start3A_47 = arith.constant 0 : i32
      %dma_start3A_48 = tpu.memref_slice %arg9[%add3A_28, %dma_start3A_47] : memref<10112x128xf32, #tpu.memory_space<vmem_shared>> -> memref<100x128xf32, #tpu.memory_space<vmem_shared>>
      %dma_start3A_49 = arith.constant 0 : i32
      %dma_start3A_50 = arith.constant 0 : i32
      %dma_start3A_51 = tpu.memref_slice %arg8[%dma_start3A_49, %dma_start3A_50] : memref<100x128xf32, #tpu.memory_space<vmem>> -> memref<100x128xf32, #tpu.memory_space<vmem>>
      tpu.enqueue_dma source(%dma_start3A_51 : memref<100x128xf32, #tpu.memory_space<vmem>>) target(%dma_start3A_48 : memref<100x128xf32, #tpu.memory_space<vmem_shared>>) target_semaphore(%run_scoped3A : memref<!tpu.dma_semaphore, #tpu.memory_space<semaphore_mem>>)
      %dma_wait3A = arith.constant 0 : i32
      %dma_wait3A_52 = arith.constant 0 : i32
      %dma_wait3A_53 = tpu.memref_slice %arg8[%dma_wait3A, %dma_wait3A_52] : memref<100x128xf32, #tpu.memory_space<vmem>> -> memref<100x128xf32, #tpu.memory_space<vmem>>
      %dma_wait3A_54 = arith.constant 0 : i32
      %dma_wait3A_55 = tpu.memref_slice %arg9[%add3A_28, %dma_wait3A_54] : memref<10112x128xf32, #tpu.memory_space<vmem_shared>> -> memref<100x128xf32, #tpu.memory_space<vmem_shared>>
      %dma_wait3A_56 = arith.constant 0 : i32
      %dma_wait3A_57 = tpu.memref_slice %arg9[%add3A_28, %dma_wait3A_56] : memref<10112x128xf32, #tpu.memory_space<vmem_shared>> -> memref<100x128xf32, #tpu.memory_space<vmem_shared>>
      %dma_wait3A_58 = arith.constant 0 : i32
      %dma_wait3A_59 = arith.constant 0 : i32
      %dma_wait3A_60 = tpu.memref_slice %arg8[%dma_wait3A_58, %dma_wait3A_59] : memref<100x128xf32, #tpu.memory_space<vmem>> -> memref<100x128xf32, #tpu.memory_space<vmem>>
      tpu.wait_dma2 semaphore(%run_scoped3A : memref<!tpu.dma_semaphore, #tpu.memory_space<semaphore_mem>>) src(%dma_wait3A_60 : memref<100x128xf32, #tpu.memory_space<vmem>>) dst(%dma_wait3A_57 : memref<100x128xf32, #tpu.memory_space<vmem_shared>>)
      tpu.yield
    }) : () -> ()
    %mul3A_29 = arith.constant 632 : i32
    %mul3A_30 = arith.muli %arg1, %mul3A_29 : i32
    %add3A_31 = arith.constant 600 : i32
    %add3A_32 = arith.addi %mul3A_30, %add3A_31 : i32
    "tpu.region"() ({
      %run_scoped3A = tpu.sem_alloc : memref<!tpu.dma_semaphore, #tpu.memory_space<semaphore_mem>>
      %dma_start3A = arith.constant 0 : i32
      %dma_start3A_43 = arith.constant 0 : i32
      %dma_start3A_44 = tpu.memref_slice %arg8[%dma_start3A, %dma_start3A_43] : memref<100x128xf32, #tpu.memory_space<vmem>> -> memref<32x128xf32, #tpu.memory_space<vmem>>
      %dma_start3A_45 = arith.constant 0 : i32
      %dma_start3A_46 = tpu.memref_slice %arg9[%add3A_32, %dma_start3A_45] : memref<10112x128xf32, #tpu.memory_space<vmem_shared>> -> memref<32x128xf32, #tpu.memory_space<vmem_shared>>
      %dma_start3A_47 = arith.constant 0 : i32
      %dma_start3A_48 = tpu.memref_slice %arg9[%add3A_32, %dma_start3A_47] : memref<10112x128xf32, #tpu.memory_space<vmem_shared>> -> memref<32x128xf32, #tpu.memory_space<vmem_shared>>
      %dma_start3A_49 = arith.constant 0 : i32
      %dma_start3A_50 = arith.constant 0 : i32
      %dma_start3A_51 = tpu.memref_slice %arg8[%dma_start3A_49, %dma_start3A_50] : memref<100x128xf32, #tpu.memory_space<vmem>> -> memref<32x128xf32, #tpu.memory_space<vmem>>
      tpu.enqueue_dma source(%dma_start3A_51 : memref<32x128xf32, #tpu.memory_space<vmem>>) target(%dma_start3A_48 : memref<32x128xf32, #tpu.memory_space<vmem_shared>>) target_semaphore(%run_scoped3A : memref<!tpu.dma_semaphore, #tpu.memory_space<semaphore_mem>>)
      %dma_wait3A = arith.constant 0 : i32
      %dma_wait3A_52 = arith.constant 0 : i32
      %dma_wait3A_53 = tpu.memref_slice %arg8[%dma_wait3A, %dma_wait3A_52] : memref<100x128xf32, #tpu.memory_space<vmem>> -> memref<32x128xf32, #tpu.memory_space<vmem>>
      %dma_wait3A_54 = arith.constant 0 : i32
      %dma_wait3A_55 = tpu.memref_slice %arg9[%add3A_32, %dma_wait3A_54] : memref<10112x128xf32, #tpu.memory_space<vmem_shared>> -> memref<32x128xf32, #tpu.memory_space<vmem_shared>>
      %dma_wait3A_56 = arith.constant 0 : i32
      %dma_wait3A_57 = tpu.memref_slice %arg9[%add3A_32, %dma_wait3A_56] : memref<10112x128xf32, #tpu.memory_space<vmem_shared>> -> memref<32x128xf32, #tpu.memory_space<vmem_shared>>
      %dma_wait3A_58 = arith.constant 0 : i32
      %dma_wait3A_59 = arith.constant 0 : i32
      %dma_wait3A_60 = tpu.memref_slice %arg8[%dma_wait3A_58, %dma_wait3A_59] : memref<100x128xf32, #tpu.memory_space<vmem>> -> memref<32x128xf32, #tpu.memory_space<vmem>>
      tpu.wait_dma2 semaphore(%run_scoped3A : memref<!tpu.dma_semaphore, #tpu.memory_space<semaphore_mem>>) src(%dma_wait3A_60 : memref<32x128xf32, #tpu.memory_space<vmem>>) dst(%dma_wait3A_57 : memref<32x128xf32, #tpu.memory_space<vmem_shared>>)
      tpu.yield
    }) : () -> ()
    "tpu.region"() ({
      %run_scoped3A = tpu.sem_alloc : memref<!tpu.dma_semaphore, #tpu.memory_space<semaphore_mem>>
      %dma_start3A = arith.constant 0 : i32
      %dma_start3A_43 = arith.constant 0 : i32
      %dma_start3A_44 = tpu.memref_slice %arg3[%add3A, %dma_start3A, %dma_start3A_43] : memref<32x100x100xi32, #tpu.memory_space<hbm>> -> memref<1x100x100xi32, #tpu.memory_space<hbm>>
      %dma_start3A_45 = tpu.memref_squeeze %dma_start3A_44 : memref<1x100x100xi32, #tpu.memory_space<hbm>> -> memref<100x100xi32, #tpu.memory_space<hbm>>
      %dma_start3A_46 = arith.constant 0 : i32
      %dma_start3A_47 = arith.constant 0 : i32
      %dma_start3A_48 = tpu.memref_slice %arg3[%add3A, %dma_start3A_46, %dma_start3A_47] : memref<32x100x100xi32, #tpu.memory_space<hbm>> -> memref<1x100x100xi32, #tpu.memory_space<hbm>>
      %dma_start3A_49 = tpu.memref_squeeze %dma_start3A_48 : memref<1x100x100xi32, #tpu.memory_space<hbm>> -> memref<100x100xi32, #tpu.memory_space<hbm>>
      tpu.enqueue_dma source(%dma_start3A_49 : memref<100x100xi32, #tpu.memory_space<hbm>>) target(%arg6 : memref<100x100xi32, #tpu.memory_space<vmem>>) target_semaphore(%run_scoped3A : memref<!tpu.dma_semaphore, #tpu.memory_space<semaphore_mem>>)
      %dma_wait3A = arith.constant 0 : i32
      %dma_wait3A_50 = arith.constant 0 : i32
      %dma_wait3A_51 = tpu.memref_slice %arg3[%add3A, %dma_wait3A, %dma_wait3A_50] : memref<32x100x100xi32, #tpu.memory_space<hbm>> -> memref<1x100x100xi32, #tpu.memory_space<hbm>>
      %dma_wait3A_52 = tpu.memref_squeeze %dma_wait3A_51 : memref<1x100x100xi32, #tpu.memory_space<hbm>> -> memref<100x100xi32, #tpu.memory_space<hbm>>
      %dma_wait3A_53 = arith.constant 0 : i32
      %dma_wait3A_54 = arith.constant 0 : i32
      %dma_wait3A_55 = tpu.memref_slice %arg3[%add3A, %dma_wait3A_53, %dma_wait3A_54] : memref<32x100x100xi32, #tpu.memory_space<hbm>> -> memref<1x100x100xi32, #tpu.memory_space<hbm>>
      %dma_wait3A_56 = tpu.memref_squeeze %dma_wait3A_55 : memref<1x100x100xi32, #tpu.memory_space<hbm>> -> memref<100x100xi32, #tpu.memory_space<hbm>>
      tpu.wait_dma2 semaphore(%run_scoped3A : memref<!tpu.dma_semaphore, #tpu.memory_space<semaphore_mem>>) src(%dma_wait3A_56 : memref<100x100xi32, #tpu.memory_space<hbm>>) dst(%arg6 : memref<100x100xi32, #tpu.memory_space<vmem>>)
      tpu.yield
    }) : () -> ()
    "tpu.region"() ({
      %run_scoped3A = tpu.sem_alloc : memref<!tpu.dma_semaphore, #tpu.memory_space<semaphore_mem>>
      %dma_start3A = arith.constant 0 : i32
      %dma_start3A_43 = arith.constant 0 : i32
      %dma_start3A_44 = tpu.memref_slice %arg4[%add3A, %dma_start3A, %dma_start3A_43] : memref<32x100x100xi32, #tpu.memory_space<hbm>> -> memref<1x100x100xi32, #tpu.memory_space<hbm>>
      %dma_start3A_45 = tpu.memref_squeeze %dma_start3A_44 : memref<1x100x100xi32, #tpu.memory_space<hbm>> -> memref<100x100xi32, #tpu.memory_space<hbm>>
      %dma_start3A_46 = arith.constant 0 : i32
      %dma_start3A_47 = arith.constant 0 : i32
      %dma_start3A_48 = tpu.memref_slice %arg4[%add3A, %dma_start3A_46, %dma_start3A_47] : memref<32x100x100xi32, #tpu.memory_space<hbm>> -> memref<1x100x100xi32, #tpu.memory_space<hbm>>
      %dma_start3A_49 = tpu.memref_squeeze %dma_start3A_48 : memref<1x100x100xi32, #tpu.memory_space<hbm>> -> memref<100x100xi32, #tpu.memory_space<hbm>>
      tpu.enqueue_dma source(%dma_start3A_49 : memref<100x100xi32, #tpu.memory_space<hbm>>) target(%arg7 : memref<100x100xi32, #tpu.memory_space<vmem>>) target_semaphore(%run_scoped3A : memref<!tpu.dma_semaphore, #tpu.memory_space<semaphore_mem>>)
      %dma_wait3A = arith.constant 0 : i32
      %dma_wait3A_50 = arith.constant 0 : i32
      %dma_wait3A_51 = tpu.memref_slice %arg4[%add3A, %dma_wait3A, %dma_wait3A_50] : memref<32x100x100xi32, #tpu.memory_space<hbm>> -> memref<1x100x100xi32, #tpu.memory_space<hbm>>
      %dma_wait3A_52 = tpu.memref_squeeze %dma_wait3A_51 : memref<1x100x100xi32, #tpu.memory_space<hbm>> -> memref<100x100xi32, #tpu.memory_space<hbm>>
      %dma_wait3A_53 = arith.constant 0 : i32
      %dma_wait3A_54 = arith.constant 0 : i32
      %dma_wait3A_55 = tpu.memref_slice %arg4[%add3A, %dma_wait3A_53, %dma_wait3A_54] : memref<32x100x100xi32, #tpu.memory_space<hbm>> -> memref<1x100x100xi32, #tpu.memory_space<hbm>>
      %dma_wait3A_56 = tpu.memref_squeeze %dma_wait3A_55 : memref<1x100x100xi32, #tpu.memory_space<hbm>> -> memref<100x100xi32, #tpu.memory_space<hbm>>
      tpu.wait_dma2 semaphore(%run_scoped3A : memref<!tpu.dma_semaphore, #tpu.memory_space<semaphore_mem>>) src(%dma_wait3A_56 : memref<100x100xi32, #tpu.memory_space<hbm>>) dst(%arg7 : memref<100x100xi32, #tpu.memory_space<vmem>>)
      tpu.yield
    }) : () -> ()
    %barrier3A = arith.constant 0 : index
    tpu.barrier barrier_id(%barrier3A)
    %scan3A_33 = arith.constant 0 : i32
    %scan3A_34 = arith.constant 100 : i32
    %scan3A_35 = arith.addi %scan3A_33, %scan3A_34 : i32
    %scan3A_36 = arith.constant 1 : i32
    scf.for %scan3A_43 = %scan3A_33 to %scan3A_35 step %scan3A_36  : i32 {
      %mul3A_44 = arith.constant 1 : i32
      %mul3A_45 = arith.muli %scan3A_43, %mul3A_44 : i32
      %add3A_46 = arith.constant 0 : i32
      %add3A_47 = arith.addi %add3A_46, %mul3A_45 : i32
      "tpu.region"() ({
        %run_scoped3A = tpu.sem_alloc : memref<!tpu.dma_semaphore, #tpu.memory_space<semaphore_mem>>
        %dma_start3A = arith.constant 0 : i32
        %dma_start3A_48 = tpu.memref_slice %arg6[%add3A_47, %dma_start3A] : memref<100x100xi32, #tpu.memory_space<vmem>> -> memref<1x100xi32, #tpu.memory_space<vmem>>
        %dma_start3A_49 = tpu.memref_squeeze %dma_start3A_48 : memref<1x100xi32, #tpu.memory_space<vmem>> -> memref<100xi32, #tpu.memory_space<vmem>>
        %dma_start3A_50 = arith.constant 0 : i32
        %dma_start3A_51 = arith.constant 0 : i32
        %dma_start3A_52 = tpu.memref_slice %arg2[%dma_start3A_50, %dma_start3A_51] : memref<10112x128xf32, #tpu.memory_space<hbm>> -> memref<10112x128xf32, #tpu.memory_space<hbm>>
        tpu.enqueue_indirect_dma source(%dma_start3A_52 : memref<10112x128xf32, #tpu.memory_space<hbm>>) target(%arg8 : memref<100x128xf32, #tpu.memory_space<vmem>>) offsets(%dma_start3A_49 : memref<100xi32, #tpu.memory_space<vmem>>) semaphore(%run_scoped3A : memref<!tpu.dma_semaphore, #tpu.memory_space<semaphore_mem>>)
        %dma_wait3A = arith.constant 0 : i32
        %dma_wait3A_53 = tpu.memref_slice %arg6[%add3A_47, %dma_wait3A] : memref<100x100xi32, #tpu.memory_space<vmem>> -> memref<1x100xi32, #tpu.memory_space<vmem>>
        %dma_wait3A_54 = tpu.memref_squeeze %dma_wait3A_53 : memref<1x100xi32, #tpu.memory_space<vmem>> -> memref<100xi32, #tpu.memory_space<vmem>>
        %dma_wait3A_55 = arith.constant 0 : i32
        %dma_wait3A_56 = arith.constant 0 : i32
        %dma_wait3A_57 = tpu.memref_slice %arg2[%dma_wait3A_55, %dma_wait3A_56] : memref<10112x128xf32, #tpu.memory_space<hbm>> -> memref<10112x128xf32, #tpu.memory_space<hbm>>
        tpu.wait_indirect_dma semaphore(%run_scoped3A : memref<!tpu.dma_semaphore, #tpu.memory_space<semaphore_mem>>) src(%dma_wait3A_57 : memref<10112x128xf32, #tpu.memory_space<hbm>>) dst(%arg8 : memref<100x128xf32, #tpu.memory_space<vmem>>)
        tpu.yield
      }) : () -> ()
      "tpu.region"() ({
        %run_scoped3A = tpu.sem_alloc : memref<!tpu.dma_semaphore, #tpu.memory_space<semaphore_mem>>
        %dma_start3A = arith.constant 0 : i32
        %dma_start3A_48 = tpu.memref_slice %arg7[%add3A_47, %dma_start3A] : memref<100x100xi32, #tpu.memory_space<vmem>> -> memref<1x100xi32, #tpu.memory_space<vmem>>
        %dma_start3A_49 = tpu.memref_squeeze %dma_start3A_48 : memref<1x100xi32, #tpu.memory_space<vmem>> -> memref<100xi32, #tpu.memory_space<vmem>>
        %dma_start3A_50 = arith.constant 0 : i32
        %dma_start3A_51 = arith.constant 0 : i32
        %dma_start3A_52 = tpu.memref_slice %arg9[%dma_start3A_50, %dma_start3A_51] : memref<10112x128xf32, #tpu.memory_space<vmem_shared>> -> memref<10112x128xf32, #tpu.memory_space<vmem_shared>>
        tpu.enqueue_indirect_dma source(%arg8 : memref<100x128xf32, #tpu.memory_space<vmem>>) target(%dma_start3A_52 : memref<10112x128xf32, #tpu.memory_space<vmem_shared>>) offsets(%dma_start3A_49 : memref<100xi32, #tpu.memory_space<vmem>>) semaphore(%run_scoped3A : memref<!tpu.dma_semaphore, #tpu.memory_space<semaphore_mem>>) {add = true}
        %dma_wait3A = arith.constant 0 : i32
        %dma_wait3A_53 = tpu.memref_slice %arg7[%add3A_47, %dma_wait3A] : memref<100x100xi32, #tpu.memory_space<vmem>> -> memref<1x100xi32, #tpu.memory_space<vmem>>
        %dma_wait3A_54 = tpu.memref_squeeze %dma_wait3A_53 : memref<1x100xi32, #tpu.memory_space<vmem>> -> memref<100xi32, #tpu.memory_space<vmem>>
        %dma_wait3A_55 = arith.constant 0 : i32
        %dma_wait3A_56 = arith.constant 0 : i32
        %dma_wait3A_57 = tpu.memref_slice %arg9[%dma_wait3A_55, %dma_wait3A_56] : memref<10112x128xf32, #tpu.memory_space<vmem_shared>> -> memref<10112x128xf32, #tpu.memory_space<vmem_shared>>
        tpu.wait_indirect_dma semaphore(%run_scoped3A : memref<!tpu.dma_semaphore, #tpu.memory_space<semaphore_mem>>) src(%arg8 : memref<100x128xf32, #tpu.memory_space<vmem>>) dst(%dma_wait3A_57 : memref<10112x128xf32, #tpu.memory_space<vmem_shared>>)
        tpu.yield
      }) : () -> ()
    }
    %scan3A_37 = arith.constant 100 : i32
    %barrier3A_38 = arith.constant 0 : index
    tpu.barrier barrier_id(%barrier3A_38)
    %mul3A_39 = arith.constant 632 : i32
    %mul3A_40 = arith.muli %arg1, %mul3A_39 : i32
    %mul3A_41 = arith.constant 632 : i32
    %mul3A_42 = arith.muli %arg1, %mul3A_41 : i32
    "tpu.region"() ({
      %run_scoped3A = tpu.sem_alloc : memref<!tpu.dma_semaphore, #tpu.memory_space<semaphore_mem>>
      %dma_start3A = arith.constant 0 : i32
      %dma_start3A_43 = arith.constant 0 : i32
      %dma_start3A_44 = tpu.memref_slice %arg5[%arg0, %dma_start3A, %dma_start3A_43] : memref<2x10112x128xf32, #tpu.memory_space<hbm>> -> memref<1x10112x128xf32, #tpu.memory_space<hbm>>
      %dma_start3A_45 = tpu.memref_squeeze %dma_start3A_44 : memref<1x10112x128xf32, #tpu.memory_space<hbm>> -> memref<10112x128xf32, #tpu.memory_space<hbm>>
      %dma_start3A_46 = arith.constant 0 : i32
      %dma_start3A_47 = tpu.memref_slice %dma_start3A_45[%mul3A_42, %dma_start3A_46] : memref<10112x128xf32, #tpu.memory_space<hbm>> -> memref<632x128xf32, #tpu.memory_space<hbm>>
      %dma_start3A_48 = arith.constant 0 : i32
      %dma_start3A_49 = tpu.memref_slice %arg9[%mul3A_40, %dma_start3A_48] : memref<10112x128xf32, #tpu.memory_space<vmem_shared>> -> memref<632x128xf32, #tpu.memory_space<vmem_shared>>
      tpu.enqueue_dma source(%dma_start3A_49 : memref<632x128xf32, #tpu.memory_space<vmem_shared>>) target(%dma_start3A_47 : memref<632x128xf32, #tpu.memory_space<hbm>>) target_semaphore(%run_scoped3A : memref<!tpu.dma_semaphore, #tpu.memory_space<semaphore_mem>>)
      %dma_wait3A = arith.constant 0 : i32
      %dma_wait3A_50 = arith.constant 0 : i32
      %dma_wait3A_51 = tpu.memref_slice %arg5[%arg0, %dma_wait3A, %dma_wait3A_50] : memref<2x10112x128xf32, #tpu.memory_space<hbm>> -> memref<1x10112x128xf32, #tpu.memory_space<hbm>>
      %dma_wait3A_52 = tpu.memref_squeeze %dma_wait3A_51 : memref<1x10112x128xf32, #tpu.memory_space<hbm>> -> memref<10112x128xf32, #tpu.memory_space<hbm>>
      %dma_wait3A_53 = arith.constant 0 : i32
      %dma_wait3A_54 = tpu.memref_slice %dma_wait3A_52[%mul3A_42, %dma_wait3A_53] : memref<10112x128xf32, #tpu.memory_space<hbm>> -> memref<632x128xf32, #tpu.memory_space<hbm>>
      %dma_wait3A_55 = arith.constant 0 : i32
      %dma_wait3A_56 = tpu.memref_slice %arg9[%mul3A_40, %dma_wait3A_55] : memref<10112x128xf32, #tpu.memory_space<vmem_shared>> -> memref<632x128xf32, #tpu.memory_space<vmem_shared>>
      tpu.wait_dma2 semaphore(%run_scoped3A : memref<!tpu.dma_semaphore, #tpu.memory_space<semaphore_mem>>) src(%dma_wait3A_56 : memref<632x128xf32, #tpu.memory_space<vmem_shared>>) dst(%dma_wait3A_54 : memref<632x128xf32, #tpu.memory_space<hbm>>)
      tpu.yield
    }) : () -> ()
    return
  }
}

#map = affine_map<(d0, d1) -> (0, 0, 0)>
module attributes {stable_mosaic.version = 14 : i64} {
  func.func @_sc_degree(%arg0: i32, %arg1: i32, %arg2: memref<32x100x100xi32, #tpu.memory_space<hbm>>, %arg3: memref<2x10112x128xf32, #tpu.memory_space<hbm>>, %arg4: memref<100x100xi32, #tpu.memory_space<vmem>>, %arg5: memref<100x128xf32, #tpu.memory_space<vmem>>, %arg6: memref<10112x128xf32, #tpu.memory_space<vmem_shared>>) attributes {dimension_semantics = [#tpu.dimension_semantics<core_parallel>, #tpu.dimension_semantics<subcore_parallel>], iteration_bounds = array<i64: 2, 16>, scalar_prefetch = 0 : i64, scratch_operands = 3 : i64, tpu.core_type = #tpu.core_type<sc_vector_subcore>, window_params = [{transform_indices = #map}, {transform_indices = #map}]} {
    %mul3A = arith.constant 16 : i32
    %mul3A_0 = arith.muli %arg0, %mul3A : i32
    %add3A = arith.addi %mul3A_0, %arg1 : i32
    %scan3A = arith.constant 0 : i32
    %scan3A_1 = arith.constant 100 : i32
    %scan3A_2 = arith.addi %scan3A, %scan3A_1 : i32
    %scan3A_3 = arith.constant 1 : i32
    scf.for %scan3A_48 = %scan3A to %scan3A_2 step %scan3A_3  : i32 {
      %mul3A_49 = arith.constant 1 : i32
      %mul3A_50 = arith.muli %scan3A_48, %mul3A_49 : i32
      %add3A_51 = arith.constant 0 : i32
      %add3A_52 = arith.addi %add3A_51, %mul3A_50 : i32
      %broadcast_in_dim3A = arith.constant 0.000000e+00 : f32
      %broadcast_in_dim3A_53 = vector.broadcast %broadcast_in_dim3A : f32 to vector<16xf32>
      %swap3A = arith.index_cast %add3A_52 : i32 to index
      %swap3A_54 = arith.constant 0 : index
      %swap3A_55 = tpu.vector_load %arg5[%swap3A, %swap3A_54] {strides = array<i32>} : memref<100x128xf32, #tpu.memory_space<vmem>>, vector<1x16xf32>,
      %swap3A_56 = vector.shape_cast %swap3A_55 : vector<1x16xf32> to vector<16xf32>
      %swap3A_57 = vector.shape_cast %broadcast_in_dim3A_53 : vector<16xf32> to vector<1x16xf32>
      tpu.vector_store %arg5[%swap3A, %swap3A_54], %swap3A_57 {strides = array<i32>} : memref<100x128xf32, #tpu.memory_space<vmem>>, vector<1x16xf32>,
      %broadcast_in_dim3A_58 = arith.constant 0.000000e+00 : f32
      %broadcast_in_dim3A_59 = vector.broadcast %broadcast_in_dim3A_58 : f32 to vector<16xf32>
      %swap3A_60 = arith.index_cast %add3A_52 : i32 to index
      %swap3A_61 = arith.constant 16 : index
      %swap3A_62 = tpu.vector_load %arg5[%swap3A_60, %swap3A_61] {strides = array<i32>} : memref<100x128xf32, #tpu.memory_space<vmem>>, vector<1x16xf32>,
      %swap3A_63 = vector.shape_cast %swap3A_62 : vector<1x16xf32> to vector<16xf32>
      %swap3A_64 = vector.shape_cast %broadcast_in_dim3A_59 : vector<16xf32> to vector<1x16xf32>
      tpu.vector_store %arg5[%swap3A_60, %swap3A_61], %swap3A_64 {strides = array<i32>} : memref<100x128xf32, #tpu.memory_space<vmem>>, vector<1x16xf32>,
      %broadcast_in_dim3A_65 = arith.constant 0.000000e+00 : f32
      %broadcast_in_dim3A_66 = vector.broadcast %broadcast_in_dim3A_65 : f32 to vector<16xf32>
      %swap3A_67 = arith.index_cast %add3A_52 : i32 to index
      %swap3A_68 = arith.constant 32 : index
      %swap3A_69 = tpu.vector_load %arg5[%swap3A_67, %swap3A_68] {strides = array<i32>} : memref<100x128xf32, #tpu.memory_space<vmem>>, vector<1x16xf32>,
      %swap3A_70 = vector.shape_cast %swap3A_69 : vector<1x16xf32> to vector<16xf32>
      %swap3A_71 = vector.shape_cast %broadcast_in_dim3A_66 : vector<16xf32> to vector<1x16xf32>
      tpu.vector_store %arg5[%swap3A_67, %swap3A_68], %swap3A_71 {strides = array<i32>} : memref<100x128xf32, #tpu.memory_space<vmem>>, vector<1x16xf32>,
      %broadcast_in_dim3A_72 = arith.constant 0.000000e+00 : f32
      %broadcast_in_dim3A_73 = vector.broadcast %broadcast_in_dim3A_72 : f32 to vector<16xf32>
      %swap3A_74 = arith.index_cast %add3A_52 : i32 to index
      %swap3A_75 = arith.constant 48 : index
      %swap3A_76 = tpu.vector_load %arg5[%swap3A_74, %swap3A_75] {strides = array<i32>} : memref<100x128xf32, #tpu.memory_space<vmem>>, vector<1x16xf32>,
      %swap3A_77 = vector.shape_cast %swap3A_76 : vector<1x16xf32> to vector<16xf32>
      %swap3A_78 = vector.shape_cast %broadcast_in_dim3A_73 : vector<16xf32> to vector<1x16xf32>
      tpu.vector_store %arg5[%swap3A_74, %swap3A_75], %swap3A_78 {strides = array<i32>} : memref<100x128xf32, #tpu.memory_space<vmem>>, vector<1x16xf32>,
      %broadcast_in_dim3A_79 = arith.constant 0.000000e+00 : f32
      %broadcast_in_dim3A_80 = vector.broadcast %broadcast_in_dim3A_79 : f32 to vector<16xf32>
      %swap3A_81 = arith.index_cast %add3A_52 : i32 to index
      %swap3A_82 = arith.constant 64 : index
      %swap3A_83 = tpu.vector_load %arg5[%swap3A_81, %swap3A_82] {strides = array<i32>} : memref<100x128xf32, #tpu.memory_space<vmem>>, vector<1x16xf32>,
      %swap3A_84 = vector.shape_cast %swap3A_83 : vector<1x16xf32> to vector<16xf32>
      %swap3A_85 = vector.shape_cast %broadcast_in_dim3A_80 : vector<16xf32> to vector<1x16xf32>
      tpu.vector_store %arg5[%swap3A_81, %swap3A_82], %swap3A_85 {strides = array<i32>} : memref<100x128xf32, #tpu.memory_space<vmem>>, vector<1x16xf32>,
      %broadcast_in_dim3A_86 = arith.constant 0.000000e+00 : f32
      %broadcast_in_dim3A_87 = vector.broadcast %broadcast_in_dim3A_86 : f32 to vector<16xf32>
      %swap3A_88 = arith.index_cast %add3A_52 : i32 to index
      %swap3A_89 = arith.constant 80 : index
      %swap3A_90 = tpu.vector_load %arg5[%swap3A_88, %swap3A_89] {strides = array<i32>} : memref<100x128xf32, #tpu.memory_space<vmem>>, vector<1x16xf32>,
      %swap3A_91 = vector.shape_cast %swap3A_90 : vector<1x16xf32> to vector<16xf32>
      %swap3A_92 = vector.shape_cast %broadcast_in_dim3A_87 : vector<16xf32> to vector<1x16xf32>
      tpu.vector_store %arg5[%swap3A_88, %swap3A_89], %swap3A_92 {strides = array<i32>} : memref<100x128xf32, #tpu.memory_space<vmem>>, vector<1x16xf32>,
      %broadcast_in_dim3A_93 = arith.constant 0.000000e+00 : f32
      %broadcast_in_dim3A_94 = vector.broadcast %broadcast_in_dim3A_93 : f32 to vector<16xf32>
      %swap3A_95 = arith.index_cast %add3A_52 : i32 to index
      %swap3A_96 = arith.constant 96 : index
      %swap3A_97 = tpu.vector_load %arg5[%swap3A_95, %swap3A_96] {strides = array<i32>} : memref<100x128xf32, #tpu.memory_space<vmem>>, vector<1x16xf32>,
      %swap3A_98 = vector.shape_cast %swap3A_97 : vector<1x16xf32> to vector<16xf32>
      %swap3A_99 = vector.shape_cast %broadcast_in_dim3A_94 : vector<16xf32> to vector<1x16xf32>
      tpu.vector_store %arg5[%swap3A_95, %swap3A_96], %swap3A_99 {strides = array<i32>} : memref<100x128xf32, #tpu.memory_space<vmem>>, vector<1x16xf32>,
      %broadcast_in_dim3A_100 = arith.constant 0.000000e+00 : f32
      %broadcast_in_dim3A_101 = vector.broadcast %broadcast_in_dim3A_100 : f32 to vector<16xf32>
      %swap3A_102 = arith.index_cast %add3A_52 : i32 to index
      %swap3A_103 = arith.constant 112 : index
      %swap3A_104 = tpu.vector_load %arg5[%swap3A_102, %swap3A_103] {strides = array<i32>} : memref<100x128xf32, #tpu.memory_space<vmem>>, vector<1x16xf32>,
      %swap3A_105 = vector.shape_cast %swap3A_104 : vector<1x16xf32> to vector<16xf32>
      %swap3A_106 = vector.shape_cast %broadcast_in_dim3A_101 : vector<16xf32> to vector<1x16xf32>
      tpu.vector_store %arg5[%swap3A_102, %swap3A_103], %swap3A_106 {strides = array<i32>} : memref<100x128xf32, #tpu.memory_space<vmem>>, vector<1x16xf32>,
    }
    %scan3A_4 = arith.constant 100 : i32
    %mul3A_5 = arith.constant 632 : i32
    %mul3A_6 = arith.muli %arg1, %mul3A_5 : i32
    %add3A_7 = arith.constant 0 : i32
    %add3A_8 = arith.addi %mul3A_6, %add3A_7 : i32
    "tpu.region"() ({
      %run_scoped3A = tpu.sem_alloc : memref<!tpu.dma_semaphore, #tpu.memory_space<semaphore_mem>>
      %dma_start3A = arith.constant 0 : i32
      %dma_start3A_48 = arith.constant 0 : i32
      %dma_start3A_49 = tpu.memref_slice %arg5[%dma_start3A, %dma_start3A_48] : memref<100x128xf32, #tpu.memory_space<vmem>> -> memref<100x128xf32, #tpu.memory_space<vmem>>
      %dma_start3A_50 = arith.constant 0 : i32
      %dma_start3A_51 = tpu.memref_slice %arg6[%add3A_8, %dma_start3A_50] : memref<10112x128xf32, #tpu.memory_space<vmem_shared>> -> memref<100x128xf32, #tpu.memory_space<vmem_shared>>
      %dma_start3A_52 = arith.constant 0 : i32
      %dma_start3A_53 = tpu.memref_slice %arg6[%add3A_8, %dma_start3A_52] : memref<10112x128xf32, #tpu.memory_space<vmem_shared>> -> memref<100x128xf32, #tpu.memory_space<vmem_shared>>
      %dma_start3A_54 = arith.constant 0 : i32
      %dma_start3A_55 = arith.constant 0 : i32
      %dma_start3A_56 = tpu.memref_slice %arg5[%dma_start3A_54, %dma_start3A_55] : memref<100x128xf32, #tpu.memory_space<vmem>> -> memref<100x128xf32, #tpu.memory_space<vmem>>
      tpu.enqueue_dma source(%dma_start3A_56 : memref<100x128xf32, #tpu.memory_space<vmem>>) target(%dma_start3A_53 : memref<100x128xf32, #tpu.memory_space<vmem_shared>>) target_semaphore(%run_scoped3A : memref<!tpu.dma_semaphore, #tpu.memory_space<semaphore_mem>>)
      %dma_wait3A = arith.constant 0 : i32
      %dma_wait3A_57 = arith.constant 0 : i32
      %dma_wait3A_58 = tpu.memref_slice %arg5[%dma_wait3A, %dma_wait3A_57] : memref<100x128xf32, #tpu.memory_space<vmem>> -> memref<100x128xf32, #tpu.memory_space<vmem>>
      %dma_wait3A_59 = arith.constant 0 : i32
      %dma_wait3A_60 = tpu.memref_slice %arg6[%add3A_8, %dma_wait3A_59] : memref<10112x128xf32, #tpu.memory_space<vmem_shared>> -> memref<100x128xf32, #tpu.memory_space<vmem_shared>>
      %dma_wait3A_61 = arith.constant 0 : i32
      %dma_wait3A_62 = tpu.memref_slice %arg6[%add3A_8, %dma_wait3A_61] : memref<10112x128xf32, #tpu.memory_space<vmem_shared>> -> memref<100x128xf32, #tpu.memory_space<vmem_shared>>
      %dma_wait3A_63 = arith.constant 0 : i32
      %dma_wait3A_64 = arith.constant 0 : i32
      %dma_wait3A_65 = tpu.memref_slice %arg5[%dma_wait3A_63, %dma_wait3A_64] : memref<100x128xf32, #tpu.memory_space<vmem>> -> memref<100x128xf32, #tpu.memory_space<vmem>>
      tpu.wait_dma2 semaphore(%run_scoped3A : memref<!tpu.dma_semaphore, #tpu.memory_space<semaphore_mem>>) src(%dma_wait3A_65 : memref<100x128xf32, #tpu.memory_space<vmem>>) dst(%dma_wait3A_62 : memref<100x128xf32, #tpu.memory_space<vmem_shared>>)
      tpu.yield
    }) : () -> ()
    %mul3A_9 = arith.constant 632 : i32
    %mul3A_10 = arith.muli %arg1, %mul3A_9 : i32
    %add3A_11 = arith.constant 100 : i32
    %add3A_12 = arith.addi %mul3A_10, %add3A_11 : i32
    "tpu.region"() ({
      %run_scoped3A = tpu.sem_alloc : memref<!tpu.dma_semaphore, #tpu.memory_space<semaphore_mem>>
      %dma_start3A = arith.constant 0 : i32
      %dma_start3A_48 = arith.constant 0 : i32
      %dma_start3A_49 = tpu.memref_slice %arg5[%dma_start3A, %dma_start3A_48] : memref<100x128xf32, #tpu.memory_space<vmem>> -> memref<100x128xf32, #tpu.memory_space<vmem>>
      %dma_start3A_50 = arith.constant 0 : i32
      %dma_start3A_51 = tpu.memref_slice %arg6[%add3A_12, %dma_start3A_50] : memref<10112x128xf32, #tpu.memory_space<vmem_shared>> -> memref<100x128xf32, #tpu.memory_space<vmem_shared>>
      %dma_start3A_52 = arith.constant 0 : i32
      %dma_start3A_53 = tpu.memref_slice %arg6[%add3A_12, %dma_start3A_52] : memref<10112x128xf32, #tpu.memory_space<vmem_shared>> -> memref<100x128xf32, #tpu.memory_space<vmem_shared>>
      %dma_start3A_54 = arith.constant 0 : i32
      %dma_start3A_55 = arith.constant 0 : i32
      %dma_start3A_56 = tpu.memref_slice %arg5[%dma_start3A_54, %dma_start3A_55] : memref<100x128xf32, #tpu.memory_space<vmem>> -> memref<100x128xf32, #tpu.memory_space<vmem>>
      tpu.enqueue_dma source(%dma_start3A_56 : memref<100x128xf32, #tpu.memory_space<vmem>>) target(%dma_start3A_53 : memref<100x128xf32, #tpu.memory_space<vmem_shared>>) target_semaphore(%run_scoped3A : memref<!tpu.dma_semaphore, #tpu.memory_space<semaphore_mem>>)
      %dma_wait3A = arith.constant 0 : i32
      %dma_wait3A_57 = arith.constant 0 : i32
      %dma_wait3A_58 = tpu.memref_slice %arg5[%dma_wait3A, %dma_wait3A_57] : memref<100x128xf32, #tpu.memory_space<vmem>> -> memref<100x128xf32, #tpu.memory_space<vmem>>
      %dma_wait3A_59 = arith.constant 0 : i32
      %dma_wait3A_60 = tpu.memref_slice %arg6[%add3A_12, %dma_wait3A_59] : memref<10112x128xf32, #tpu.memory_space<vmem_shared>> -> memref<100x128xf32, #tpu.memory_space<vmem_shared>>
      %dma_wait3A_61 = arith.constant 0 : i32
      %dma_wait3A_62 = tpu.memref_slice %arg6[%add3A_12, %dma_wait3A_61] : memref<10112x128xf32, #tpu.memory_space<vmem_shared>> -> memref<100x128xf32, #tpu.memory_space<vmem_shared>>
      %dma_wait3A_63 = arith.constant 0 : i32
      %dma_wait3A_64 = arith.constant 0 : i32
      %dma_wait3A_65 = tpu.memref_slice %arg5[%dma_wait3A_63, %dma_wait3A_64] : memref<100x128xf32, #tpu.memory_space<vmem>> -> memref<100x128xf32, #tpu.memory_space<vmem>>
      tpu.wait_dma2 semaphore(%run_scoped3A : memref<!tpu.dma_semaphore, #tpu.memory_space<semaphore_mem>>) src(%dma_wait3A_65 : memref<100x128xf32, #tpu.memory_space<vmem>>) dst(%dma_wait3A_62 : memref<100x128xf32, #tpu.memory_space<vmem_shared>>)
      tpu.yield
    }) : () -> ()
    %mul3A_13 = arith.constant 632 : i32
    %mul3A_14 = arith.muli %arg1, %mul3A_13 : i32
    %add3A_15 = arith.constant 200 : i32
    %add3A_16 = arith.addi %mul3A_14, %add3A_15 : i32
    "tpu.region"() ({
      %run_scoped3A = tpu.sem_alloc : memref<!tpu.dma_semaphore, #tpu.memory_space<semaphore_mem>>
      %dma_start3A = arith.constant 0 : i32
      %dma_start3A_48 = arith.constant 0 : i32
      %dma_start3A_49 = tpu.memref_slice %arg5[%dma_start3A, %dma_start3A_48] : memref<100x128xf32, #tpu.memory_space<vmem>> -> memref<100x128xf32, #tpu.memory_space<vmem>>
      %dma_start3A_50 = arith.constant 0 : i32
      %dma_start3A_51 = tpu.memref_slice %arg6[%add3A_16, %dma_start3A_50] : memref<10112x128xf32, #tpu.memory_space<vmem_shared>> -> memref<100x128xf32, #tpu.memory_space<vmem_shared>>
      %dma_start3A_52 = arith.constant 0 : i32
      %dma_start3A_53 = tpu.memref_slice %arg6[%add3A_16, %dma_start3A_52] : memref<10112x128xf32, #tpu.memory_space<vmem_shared>> -> memref<100x128xf32, #tpu.memory_space<vmem_shared>>
      %dma_start3A_54 = arith.constant 0 : i32
      %dma_start3A_55 = arith.constant 0 : i32
      %dma_start3A_56 = tpu.memref_slice %arg5[%dma_start3A_54, %dma_start3A_55] : memref<100x128xf32, #tpu.memory_space<vmem>> -> memref<100x128xf32, #tpu.memory_space<vmem>>
      tpu.enqueue_dma source(%dma_start3A_56 : memref<100x128xf32, #tpu.memory_space<vmem>>) target(%dma_start3A_53 : memref<100x128xf32, #tpu.memory_space<vmem_shared>>) target_semaphore(%run_scoped3A : memref<!tpu.dma_semaphore, #tpu.memory_space<semaphore_mem>>)
      %dma_wait3A = arith.constant 0 : i32
      %dma_wait3A_57 = arith.constant 0 : i32
      %dma_wait3A_58 = tpu.memref_slice %arg5[%dma_wait3A, %dma_wait3A_57] : memref<100x128xf32, #tpu.memory_space<vmem>> -> memref<100x128xf32, #tpu.memory_space<vmem>>
      %dma_wait3A_59 = arith.constant 0 : i32
      %dma_wait3A_60 = tpu.memref_slice %arg6[%add3A_16, %dma_wait3A_59] : memref<10112x128xf32, #tpu.memory_space<vmem_shared>> -> memref<100x128xf32, #tpu.memory_space<vmem_shared>>
      %dma_wait3A_61 = arith.constant 0 : i32
      %dma_wait3A_62 = tpu.memref_slice %arg6[%add3A_16, %dma_wait3A_61] : memref<10112x128xf32, #tpu.memory_space<vmem_shared>> -> memref<100x128xf32, #tpu.memory_space<vmem_shared>>
      %dma_wait3A_63 = arith.constant 0 : i32
      %dma_wait3A_64 = arith.constant 0 : i32
      %dma_wait3A_65 = tpu.memref_slice %arg5[%dma_wait3A_63, %dma_wait3A_64] : memref<100x128xf32, #tpu.memory_space<vmem>> -> memref<100x128xf32, #tpu.memory_space<vmem>>
      tpu.wait_dma2 semaphore(%run_scoped3A : memref<!tpu.dma_semaphore, #tpu.memory_space<semaphore_mem>>) src(%dma_wait3A_65 : memref<100x128xf32, #tpu.memory_space<vmem>>) dst(%dma_wait3A_62 : memref<100x128xf32, #tpu.memory_space<vmem_shared>>)
      tpu.yield
    }) : () -> ()
    %mul3A_17 = arith.constant 632 : i32
    %mul3A_18 = arith.muli %arg1, %mul3A_17 : i32
    %add3A_19 = arith.constant 300 : i32
    %add3A_20 = arith.addi %mul3A_18, %add3A_19 : i32
    "tpu.region"() ({
      %run_scoped3A = tpu.sem_alloc : memref<!tpu.dma_semaphore, #tpu.memory_space<semaphore_mem>>
      %dma_start3A = arith.constant 0 : i32
      %dma_start3A_48 = arith.constant 0 : i32
      %dma_start3A_49 = tpu.memref_slice %arg5[%dma_start3A, %dma_start3A_48] : memref<100x128xf32, #tpu.memory_space<vmem>> -> memref<100x128xf32, #tpu.memory_space<vmem>>
      %dma_start3A_50 = arith.constant 0 : i32
      %dma_start3A_51 = tpu.memref_slice %arg6[%add3A_20, %dma_start3A_50] : memref<10112x128xf32, #tpu.memory_space<vmem_shared>> -> memref<100x128xf32, #tpu.memory_space<vmem_shared>>
      %dma_start3A_52 = arith.constant 0 : i32
      %dma_start3A_53 = tpu.memref_slice %arg6[%add3A_20, %dma_start3A_52] : memref<10112x128xf32, #tpu.memory_space<vmem_shared>> -> memref<100x128xf32, #tpu.memory_space<vmem_shared>>
      %dma_start3A_54 = arith.constant 0 : i32
      %dma_start3A_55 = arith.constant 0 : i32
      %dma_start3A_56 = tpu.memref_slice %arg5[%dma_start3A_54, %dma_start3A_55] : memref<100x128xf32, #tpu.memory_space<vmem>> -> memref<100x128xf32, #tpu.memory_space<vmem>>
      tpu.enqueue_dma source(%dma_start3A_56 : memref<100x128xf32, #tpu.memory_space<vmem>>) target(%dma_start3A_53 : memref<100x128xf32, #tpu.memory_space<vmem_shared>>) target_semaphore(%run_scoped3A : memref<!tpu.dma_semaphore, #tpu.memory_space<semaphore_mem>>)
      %dma_wait3A = arith.constant 0 : i32
      %dma_wait3A_57 = arith.constant 0 : i32
      %dma_wait3A_58 = tpu.memref_slice %arg5[%dma_wait3A, %dma_wait3A_57] : memref<100x128xf32, #tpu.memory_space<vmem>> -> memref<100x128xf32, #tpu.memory_space<vmem>>
      %dma_wait3A_59 = arith.constant 0 : i32
      %dma_wait3A_60 = tpu.memref_slice %arg6[%add3A_20, %dma_wait3A_59] : memref<10112x128xf32, #tpu.memory_space<vmem_shared>> -> memref<100x128xf32, #tpu.memory_space<vmem_shared>>
      %dma_wait3A_61 = arith.constant 0 : i32
      %dma_wait3A_62 = tpu.memref_slice %arg6[%add3A_20, %dma_wait3A_61] : memref<10112x128xf32, #tpu.memory_space<vmem_shared>> -> memref<100x128xf32, #tpu.memory_space<vmem_shared>>
      %dma_wait3A_63 = arith.constant 0 : i32
      %dma_wait3A_64 = arith.constant 0 : i32
      %dma_wait3A_65 = tpu.memref_slice %arg5[%dma_wait3A_63, %dma_wait3A_64] : memref<100x128xf32, #tpu.memory_space<vmem>> -> memref<100x128xf32, #tpu.memory_space<vmem>>
      tpu.wait_dma2 semaphore(%run_scoped3A : memref<!tpu.dma_semaphore, #tpu.memory_space<semaphore_mem>>) src(%dma_wait3A_65 : memref<100x128xf32, #tpu.memory_space<vmem>>) dst(%dma_wait3A_62 : memref<100x128xf32, #tpu.memory_space<vmem_shared>>)
      tpu.yield
    }) : () -> ()
    %mul3A_21 = arith.constant 632 : i32
    %mul3A_22 = arith.muli %arg1, %mul3A_21 : i32
    %add3A_23 = arith.constant 400 : i32
    %add3A_24 = arith.addi %mul3A_22, %add3A_23 : i32
    "tpu.region"() ({
      %run_scoped3A = tpu.sem_alloc : memref<!tpu.dma_semaphore, #tpu.memory_space<semaphore_mem>>
      %dma_start3A = arith.constant 0 : i32
      %dma_start3A_48 = arith.constant 0 : i32
      %dma_start3A_49 = tpu.memref_slice %arg5[%dma_start3A, %dma_start3A_48] : memref<100x128xf32, #tpu.memory_space<vmem>> -> memref<100x128xf32, #tpu.memory_space<vmem>>
      %dma_start3A_50 = arith.constant 0 : i32
      %dma_start3A_51 = tpu.memref_slice %arg6[%add3A_24, %dma_start3A_50] : memref<10112x128xf32, #tpu.memory_space<vmem_shared>> -> memref<100x128xf32, #tpu.memory_space<vmem_shared>>
      %dma_start3A_52 = arith.constant 0 : i32
      %dma_start3A_53 = tpu.memref_slice %arg6[%add3A_24, %dma_start3A_52] : memref<10112x128xf32, #tpu.memory_space<vmem_shared>> -> memref<100x128xf32, #tpu.memory_space<vmem_shared>>
      %dma_start3A_54 = arith.constant 0 : i32
      %dma_start3A_55 = arith.constant 0 : i32
      %dma_start3A_56 = tpu.memref_slice %arg5[%dma_start3A_54, %dma_start3A_55] : memref<100x128xf32, #tpu.memory_space<vmem>> -> memref<100x128xf32, #tpu.memory_space<vmem>>
      tpu.enqueue_dma source(%dma_start3A_56 : memref<100x128xf32, #tpu.memory_space<vmem>>) target(%dma_start3A_53 : memref<100x128xf32, #tpu.memory_space<vmem_shared>>) target_semaphore(%run_scoped3A : memref<!tpu.dma_semaphore, #tpu.memory_space<semaphore_mem>>)
      %dma_wait3A = arith.constant 0 : i32
      %dma_wait3A_57 = arith.constant 0 : i32
      %dma_wait3A_58 = tpu.memref_slice %arg5[%dma_wait3A, %dma_wait3A_57] : memref<100x128xf32, #tpu.memory_space<vmem>> -> memref<100x128xf32, #tpu.memory_space<vmem>>
      %dma_wait3A_59 = arith.constant 0 : i32
      %dma_wait3A_60 = tpu.memref_slice %arg6[%add3A_24, %dma_wait3A_59] : memref<10112x128xf32, #tpu.memory_space<vmem_shared>> -> memref<100x128xf32, #tpu.memory_space<vmem_shared>>
      %dma_wait3A_61 = arith.constant 0 : i32
      %dma_wait3A_62 = tpu.memref_slice %arg6[%add3A_24, %dma_wait3A_61] : memref<10112x128xf32, #tpu.memory_space<vmem_shared>> -> memref<100x128xf32, #tpu.memory_space<vmem_shared>>
      %dma_wait3A_63 = arith.constant 0 : i32
      %dma_wait3A_64 = arith.constant 0 : i32
      %dma_wait3A_65 = tpu.memref_slice %arg5[%dma_wait3A_63, %dma_wait3A_64] : memref<100x128xf32, #tpu.memory_space<vmem>> -> memref<100x128xf32, #tpu.memory_space<vmem>>
      tpu.wait_dma2 semaphore(%run_scoped3A : memref<!tpu.dma_semaphore, #tpu.memory_space<semaphore_mem>>) src(%dma_wait3A_65 : memref<100x128xf32, #tpu.memory_space<vmem>>) dst(%dma_wait3A_62 : memref<100x128xf32, #tpu.memory_space<vmem_shared>>)
      tpu.yield
    }) : () -> ()
    %mul3A_25 = arith.constant 632 : i32
    %mul3A_26 = arith.muli %arg1, %mul3A_25 : i32
    %add3A_27 = arith.constant 500 : i32
    %add3A_28 = arith.addi %mul3A_26, %add3A_27 : i32
    "tpu.region"() ({
      %run_scoped3A = tpu.sem_alloc : memref<!tpu.dma_semaphore, #tpu.memory_space<semaphore_mem>>
      %dma_start3A = arith.constant 0 : i32
      %dma_start3A_48 = arith.constant 0 : i32
      %dma_start3A_49 = tpu.memref_slice %arg5[%dma_start3A, %dma_start3A_48] : memref<100x128xf32, #tpu.memory_space<vmem>> -> memref<100x128xf32, #tpu.memory_space<vmem>>
      %dma_start3A_50 = arith.constant 0 : i32
      %dma_start3A_51 = tpu.memref_slice %arg6[%add3A_28, %dma_start3A_50] : memref<10112x128xf32, #tpu.memory_space<vmem_shared>> -> memref<100x128xf32, #tpu.memory_space<vmem_shared>>
      %dma_start3A_52 = arith.constant 0 : i32
      %dma_start3A_53 = tpu.memref_slice %arg6[%add3A_28, %dma_start3A_52] : memref<10112x128xf32, #tpu.memory_space<vmem_shared>> -> memref<100x128xf32, #tpu.memory_space<vmem_shared>>
      %dma_start3A_54 = arith.constant 0 : i32
      %dma_start3A_55 = arith.constant 0 : i32
      %dma_start3A_56 = tpu.memref_slice %arg5[%dma_start3A_54, %dma_start3A_55] : memref<100x128xf32, #tpu.memory_space<vmem>> -> memref<100x128xf32, #tpu.memory_space<vmem>>
      tpu.enqueue_dma source(%dma_start3A_56 : memref<100x128xf32, #tpu.memory_space<vmem>>) target(%dma_start3A_53 : memref<100x128xf32, #tpu.memory_space<vmem_shared>>) target_semaphore(%run_scoped3A : memref<!tpu.dma_semaphore, #tpu.memory_space<semaphore_mem>>)
      %dma_wait3A = arith.constant 0 : i32
      %dma_wait3A_57 = arith.constant 0 : i32
      %dma_wait3A_58 = tpu.memref_slice %arg5[%dma_wait3A, %dma_wait3A_57] : memref<100x128xf32, #tpu.memory_space<vmem>> -> memref<100x128xf32, #tpu.memory_space<vmem>>
      %dma_wait3A_59 = arith.constant 0 : i32
      %dma_wait3A_60 = tpu.memref_slice %arg6[%add3A_28, %dma_wait3A_59] : memref<10112x128xf32, #tpu.memory_space<vmem_shared>> -> memref<100x128xf32, #tpu.memory_space<vmem_shared>>
      %dma_wait3A_61 = arith.constant 0 : i32
      %dma_wait3A_62 = tpu.memref_slice %arg6[%add3A_28, %dma_wait3A_61] : memref<10112x128xf32, #tpu.memory_space<vmem_shared>> -> memref<100x128xf32, #tpu.memory_space<vmem_shared>>
      %dma_wait3A_63 = arith.constant 0 : i32
      %dma_wait3A_64 = arith.constant 0 : i32
      %dma_wait3A_65 = tpu.memref_slice %arg5[%dma_wait3A_63, %dma_wait3A_64] : memref<100x128xf32, #tpu.memory_space<vmem>> -> memref<100x128xf32, #tpu.memory_space<vmem>>
      tpu.wait_dma2 semaphore(%run_scoped3A : memref<!tpu.dma_semaphore, #tpu.memory_space<semaphore_mem>>) src(%dma_wait3A_65 : memref<100x128xf32, #tpu.memory_space<vmem>>) dst(%dma_wait3A_62 : memref<100x128xf32, #tpu.memory_space<vmem_shared>>)
      tpu.yield
    }) : () -> ()
    %mul3A_29 = arith.constant 632 : i32
    %mul3A_30 = arith.muli %arg1, %mul3A_29 : i32
    %add3A_31 = arith.constant 600 : i32
    %add3A_32 = arith.addi %mul3A_30, %add3A_31 : i32
    "tpu.region"() ({
      %run_scoped3A = tpu.sem_alloc : memref<!tpu.dma_semaphore, #tpu.memory_space<semaphore_mem>>
      %dma_start3A = arith.constant 0 : i32
      %dma_start3A_48 = arith.constant 0 : i32
      %dma_start3A_49 = tpu.memref_slice %arg5[%dma_start3A, %dma_start3A_48] : memref<100x128xf32, #tpu.memory_space<vmem>> -> memref<32x128xf32, #tpu.memory_space<vmem>>
      %dma_start3A_50 = arith.constant 0 : i32
      %dma_start3A_51 = tpu.memref_slice %arg6[%add3A_32, %dma_start3A_50] : memref<10112x128xf32, #tpu.memory_space<vmem_shared>> -> memref<32x128xf32, #tpu.memory_space<vmem_shared>>
      %dma_start3A_52 = arith.constant 0 : i32
      %dma_start3A_53 = tpu.memref_slice %arg6[%add3A_32, %dma_start3A_52] : memref<10112x128xf32, #tpu.memory_space<vmem_shared>> -> memref<32x128xf32, #tpu.memory_space<vmem_shared>>
      %dma_start3A_54 = arith.constant 0 : i32
      %dma_start3A_55 = arith.constant 0 : i32
      %dma_start3A_56 = tpu.memref_slice %arg5[%dma_start3A_54, %dma_start3A_55] : memref<100x128xf32, #tpu.memory_space<vmem>> -> memref<32x128xf32, #tpu.memory_space<vmem>>
      tpu.enqueue_dma source(%dma_start3A_56 : memref<32x128xf32, #tpu.memory_space<vmem>>) target(%dma_start3A_53 : memref<32x128xf32, #tpu.memory_space<vmem_shared>>) target_semaphore(%run_scoped3A : memref<!tpu.dma_semaphore, #tpu.memory_space<semaphore_mem>>)
      %dma_wait3A = arith.constant 0 : i32
      %dma_wait3A_57 = arith.constant 0 : i32
      %dma_wait3A_58 = tpu.memref_slice %arg5[%dma_wait3A, %dma_wait3A_57] : memref<100x128xf32, #tpu.memory_space<vmem>> -> memref<32x128xf32, #tpu.memory_space<vmem>>
      %dma_wait3A_59 = arith.constant 0 : i32
      %dma_wait3A_60 = tpu.memref_slice %arg6[%add3A_32, %dma_wait3A_59] : memref<10112x128xf32, #tpu.memory_space<vmem_shared>> -> memref<32x128xf32, #tpu.memory_space<vmem_shared>>
      %dma_wait3A_61 = arith.constant 0 : i32
      %dma_wait3A_62 = tpu.memref_slice %arg6[%add3A_32, %dma_wait3A_61] : memref<10112x128xf32, #tpu.memory_space<vmem_shared>> -> memref<32x128xf32, #tpu.memory_space<vmem_shared>>
      %dma_wait3A_63 = arith.constant 0 : i32
      %dma_wait3A_64 = arith.constant 0 : i32
      %dma_wait3A_65 = tpu.memref_slice %arg5[%dma_wait3A_63, %dma_wait3A_64] : memref<100x128xf32, #tpu.memory_space<vmem>> -> memref<32x128xf32, #tpu.memory_space<vmem>>
      tpu.wait_dma2 semaphore(%run_scoped3A : memref<!tpu.dma_semaphore, #tpu.memory_space<semaphore_mem>>) src(%dma_wait3A_65 : memref<32x128xf32, #tpu.memory_space<vmem>>) dst(%dma_wait3A_62 : memref<32x128xf32, #tpu.memory_space<vmem_shared>>)
      tpu.yield
    }) : () -> ()
    "tpu.region"() ({
      %run_scoped3A = tpu.sem_alloc : memref<!tpu.dma_semaphore, #tpu.memory_space<semaphore_mem>>
      %dma_start3A = arith.constant 0 : i32
      %dma_start3A_48 = arith.constant 0 : i32
      %dma_start3A_49 = tpu.memref_slice %arg2[%add3A, %dma_start3A, %dma_start3A_48] : memref<32x100x100xi32, #tpu.memory_space<hbm>> -> memref<1x100x100xi32, #tpu.memory_space<hbm>>
      %dma_start3A_50 = tpu.memref_squeeze %dma_start3A_49 : memref<1x100x100xi32, #tpu.memory_space<hbm>> -> memref<100x100xi32, #tpu.memory_space<hbm>>
      %dma_start3A_51 = arith.constant 0 : i32
      %dma_start3A_52 = arith.constant 0 : i32
      %dma_start3A_53 = tpu.memref_slice %arg2[%add3A, %dma_start3A_51, %dma_start3A_52] : memref<32x100x100xi32, #tpu.memory_space<hbm>> -> memref<1x100x100xi32, #tpu.memory_space<hbm>>
      %dma_start3A_54 = tpu.memref_squeeze %dma_start3A_53 : memref<1x100x100xi32, #tpu.memory_space<hbm>> -> memref<100x100xi32, #tpu.memory_space<hbm>>
      tpu.enqueue_dma source(%dma_start3A_54 : memref<100x100xi32, #tpu.memory_space<hbm>>) target(%arg4 : memref<100x100xi32, #tpu.memory_space<vmem>>) target_semaphore(%run_scoped3A : memref<!tpu.dma_semaphore, #tpu.memory_space<semaphore_mem>>)
      %dma_wait3A = arith.constant 0 : i32
      %dma_wait3A_55 = arith.constant 0 : i32
      %dma_wait3A_56 = tpu.memref_slice %arg2[%add3A, %dma_wait3A, %dma_wait3A_55] : memref<32x100x100xi32, #tpu.memory_space<hbm>> -> memref<1x100x100xi32, #tpu.memory_space<hbm>>
      %dma_wait3A_57 = tpu.memref_squeeze %dma_wait3A_56 : memref<1x100x100xi32, #tpu.memory_space<hbm>> -> memref<100x100xi32, #tpu.memory_space<hbm>>
      %dma_wait3A_58 = arith.constant 0 : i32
      %dma_wait3A_59 = arith.constant 0 : i32
      %dma_wait3A_60 = tpu.memref_slice %arg2[%add3A, %dma_wait3A_58, %dma_wait3A_59] : memref<32x100x100xi32, #tpu.memory_space<hbm>> -> memref<1x100x100xi32, #tpu.memory_space<hbm>>
      %dma_wait3A_61 = tpu.memref_squeeze %dma_wait3A_60 : memref<1x100x100xi32, #tpu.memory_space<hbm>> -> memref<100x100xi32, #tpu.memory_space<hbm>>
      tpu.wait_dma2 semaphore(%run_scoped3A : memref<!tpu.dma_semaphore, #tpu.memory_space<semaphore_mem>>) src(%dma_wait3A_61 : memref<100x100xi32, #tpu.memory_space<hbm>>) dst(%arg4 : memref<100x100xi32, #tpu.memory_space<vmem>>)
      tpu.yield
    }) : () -> ()
    %scan3A_33 = arith.constant 0 : i32
    %scan3A_34 = arith.constant 100 : i32
    %scan3A_35 = arith.addi %scan3A_33, %scan3A_34 : i32
    %scan3A_36 = arith.constant 1 : i32
    scf.for %scan3A_48 = %scan3A_33 to %scan3A_35 step %scan3A_36  : i32 {
      %mul3A_49 = arith.constant 1 : i32
      %mul3A_50 = arith.muli %scan3A_48, %mul3A_49 : i32
      %add3A_51 = arith.constant 0 : i32
      %add3A_52 = arith.addi %add3A_51, %mul3A_50 : i32
      %broadcast_in_dim3A = arith.constant 1.000000e+00 : f32
      %broadcast_in_dim3A_53 = vector.broadcast %broadcast_in_dim3A : f32 to vector<16xf32>
      %swap3A = arith.index_cast %add3A_52 : i32 to index
      %swap3A_54 = arith.constant 0 : index
      %swap3A_55 = tpu.vector_load %arg5[%swap3A, %swap3A_54] {strides = array<i32>} : memref<100x128xf32, #tpu.memory_space<vmem>>, vector<1x16xf32>,
      %swap3A_56 = vector.shape_cast %swap3A_55 : vector<1x16xf32> to vector<16xf32>
      %swap3A_57 = vector.shape_cast %broadcast_in_dim3A_53 : vector<16xf32> to vector<1x16xf32>
      tpu.vector_store %arg5[%swap3A, %swap3A_54], %swap3A_57 {strides = array<i32>} : memref<100x128xf32, #tpu.memory_space<vmem>>, vector<1x16xf32>,
      %broadcast_in_dim3A_58 = arith.constant 1.000000e+00 : f32
      %broadcast_in_dim3A_59 = vector.broadcast %broadcast_in_dim3A_58 : f32 to vector<16xf32>
      %swap3A_60 = arith.index_cast %add3A_52 : i32 to index
      %swap3A_61 = arith.constant 16 : index
      %swap3A_62 = tpu.vector_load %arg5[%swap3A_60, %swap3A_61] {strides = array<i32>} : memref<100x128xf32, #tpu.memory_space<vmem>>, vector<1x16xf32>,
      %swap3A_63 = vector.shape_cast %swap3A_62 : vector<1x16xf32> to vector<16xf32>
      %swap3A_64 = vector.shape_cast %broadcast_in_dim3A_59 : vector<16xf32> to vector<1x16xf32>
      tpu.vector_store %arg5[%swap3A_60, %swap3A_61], %swap3A_64 {strides = array<i32>} : memref<100x128xf32, #tpu.memory_space<vmem>>, vector<1x16xf32>,
      %broadcast_in_dim3A_65 = arith.constant 1.000000e+00 : f32
      %broadcast_in_dim3A_66 = vector.broadcast %broadcast_in_dim3A_65 : f32 to vector<16xf32>
      %swap3A_67 = arith.index_cast %add3A_52 : i32 to index
      %swap3A_68 = arith.constant 32 : index
      %swap3A_69 = tpu.vector_load %arg5[%swap3A_67, %swap3A_68] {strides = array<i32>} : memref<100x128xf32, #tpu.memory_space<vmem>>, vector<1x16xf32>,
      %swap3A_70 = vector.shape_cast %swap3A_69 : vector<1x16xf32> to vector<16xf32>
      %swap3A_71 = vector.shape_cast %broadcast_in_dim3A_66 : vector<16xf32> to vector<1x16xf32>
      tpu.vector_store %arg5[%swap3A_67, %swap3A_68], %swap3A_71 {strides = array<i32>} : memref<100x128xf32, #tpu.memory_space<vmem>>, vector<1x16xf32>,
      %broadcast_in_dim3A_72 = arith.constant 1.000000e+00 : f32
      %broadcast_in_dim3A_73 = vector.broadcast %broadcast_in_dim3A_72 : f32 to vector<16xf32>
      %swap3A_74 = arith.index_cast %add3A_52 : i32 to index
      %swap3A_75 = arith.constant 48 : index
      %swap3A_76 = tpu.vector_load %arg5[%swap3A_74, %swap3A_75] {strides = array<i32>} : memref<100x128xf32, #tpu.memory_space<vmem>>, vector<1x16xf32>,
      %swap3A_77 = vector.shape_cast %swap3A_76 : vector<1x16xf32> to vector<16xf32>
      %swap3A_78 = vector.shape_cast %broadcast_in_dim3A_73 : vector<16xf32> to vector<1x16xf32>
      tpu.vector_store %arg5[%swap3A_74, %swap3A_75], %swap3A_78 {strides = array<i32>} : memref<100x128xf32, #tpu.memory_space<vmem>>, vector<1x16xf32>,
      %broadcast_in_dim3A_79 = arith.constant 1.000000e+00 : f32
      %broadcast_in_dim3A_80 = vector.broadcast %broadcast_in_dim3A_79 : f32 to vector<16xf32>
      %swap3A_81 = arith.index_cast %add3A_52 : i32 to index
      %swap3A_82 = arith.constant 64 : index
      %swap3A_83 = tpu.vector_load %arg5[%swap3A_81, %swap3A_82] {strides = array<i32>} : memref<100x128xf32, #tpu.memory_space<vmem>>, vector<1x16xf32>,
      %swap3A_84 = vector.shape_cast %swap3A_83 : vector<1x16xf32> to vector<16xf32>
      %swap3A_85 = vector.shape_cast %broadcast_in_dim3A_80 : vector<16xf32> to vector<1x16xf32>
      tpu.vector_store %arg5[%swap3A_81, %swap3A_82], %swap3A_85 {strides = array<i32>} : memref<100x128xf32, #tpu.memory_space<vmem>>, vector<1x16xf32>,
      %broadcast_in_dim3A_86 = arith.constant 1.000000e+00 : f32
      %broadcast_in_dim3A_87 = vector.broadcast %broadcast_in_dim3A_86 : f32 to vector<16xf32>
      %swap3A_88 = arith.index_cast %add3A_52 : i32 to index
      %swap3A_89 = arith.constant 80 : index
      %swap3A_90 = tpu.vector_load %arg5[%swap3A_88, %swap3A_89] {strides = array<i32>} : memref<100x128xf32, #tpu.memory_space<vmem>>, vector<1x16xf32>,
      %swap3A_91 = vector.shape_cast %swap3A_90 : vector<1x16xf32> to vector<16xf32>
      %swap3A_92 = vector.shape_cast %broadcast_in_dim3A_87 : vector<16xf32> to vector<1x16xf32>
      tpu.vector_store %arg5[%swap3A_88, %swap3A_89], %swap3A_92 {strides = array<i32>} : memref<100x128xf32, #tpu.memory_space<vmem>>, vector<1x16xf32>,
      %broadcast_in_dim3A_93 = arith.constant 1.000000e+00 : f32
      %broadcast_in_dim3A_94 = vector.broadcast %broadcast_in_dim3A_93 : f32 to vector<16xf32>
      %swap3A_95 = arith.index_cast %add3A_52 : i32 to index
      %swap3A_96 = arith.constant 96 : index
      %swap3A_97 = tpu.vector_load %arg5[%swap3A_95, %swap3A_96] {strides = array<i32>} : memref<100x128xf32, #tpu.memory_space<vmem>>, vector<1x16xf32>,
      %swap3A_98 = vector.shape_cast %swap3A_97 : vector<1x16xf32> to vector<16xf32>
      %swap3A_99 = vector.shape_cast %broadcast_in_dim3A_94 : vector<16xf32> to vector<1x16xf32>
      tpu.vector_store %arg5[%swap3A_95, %swap3A_96], %swap3A_99 {strides = array<i32>} : memref<100x128xf32, #tpu.memory_space<vmem>>, vector<1x16xf32>,
      %broadcast_in_dim3A_100 = arith.constant 1.000000e+00 : f32
      %broadcast_in_dim3A_101 = vector.broadcast %broadcast_in_dim3A_100 : f32 to vector<16xf32>
      %swap3A_102 = arith.index_cast %add3A_52 : i32 to index
      %swap3A_103 = arith.constant 112 : index
      %swap3A_104 = tpu.vector_load %arg5[%swap3A_102, %swap3A_103] {strides = array<i32>} : memref<100x128xf32, #tpu.memory_space<vmem>>, vector<1x16xf32>,
      %swap3A_105 = vector.shape_cast %swap3A_104 : vector<1x16xf32> to vector<16xf32>
      %swap3A_106 = vector.shape_cast %broadcast_in_dim3A_101 : vector<16xf32> to vector<1x16xf32>
      tpu.vector_store %arg5[%swap3A_102, %swap3A_103], %swap3A_106 {strides = array<i32>} : memref<100x128xf32, #tpu.memory_space<vmem>>, vector<1x16xf32>,
    }
    %scan3A_37 = arith.constant 100 : i32
    %barrier3A = arith.constant 0 : index
    tpu.barrier barrier_id(%barrier3A)
    %scan3A_38 = arith.constant 0 : i32
    %scan3A_39 = arith.constant 100 : i32
    %scan3A_40 = arith.addi %scan3A_38, %scan3A_39 : i32
    %scan3A_41 = arith.constant 1 : i32
    scf.for %scan3A_48 = %scan3A_38 to %scan3A_40 step %scan3A_41  : i32 {
      %mul3A_49 = arith.constant 1 : i32
      %mul3A_50 = arith.muli %scan3A_48, %mul3A_49 : i32
      %add3A_51 = arith.constant 0 : i32
      %add3A_52 = arith.addi %add3A_51, %mul3A_50 : i32
      "tpu.region"() ({
        %run_scoped3A = tpu.sem_alloc : memref<!tpu.dma_semaphore, #tpu.memory_space<semaphore_mem>>
        %dma_start3A = arith.constant 0 : i32
        %dma_start3A_53 = tpu.memref_slice %arg4[%add3A_52, %dma_start3A] : memref<100x100xi32, #tpu.memory_space<vmem>> -> memref<1x100xi32, #tpu.memory_space<vmem>>
        %dma_start3A_54 = tpu.memref_squeeze %dma_start3A_53 : memref<1x100xi32, #tpu.memory_space<vmem>> -> memref<100xi32, #tpu.memory_space<vmem>>
        %dma_start3A_55 = arith.constant 0 : i32
        %dma_start3A_56 = arith.constant 0 : i32
        %dma_start3A_57 = tpu.memref_slice %arg6[%dma_start3A_55, %dma_start3A_56] : memref<10112x128xf32, #tpu.memory_space<vmem_shared>> -> memref<10112x128xf32, #tpu.memory_space<vmem_shared>>
        tpu.enqueue_indirect_dma source(%arg5 : memref<100x128xf32, #tpu.memory_space<vmem>>) target(%dma_start3A_57 : memref<10112x128xf32, #tpu.memory_space<vmem_shared>>) offsets(%dma_start3A_54 : memref<100xi32, #tpu.memory_space<vmem>>) semaphore(%run_scoped3A : memref<!tpu.dma_semaphore, #tpu.memory_space<semaphore_mem>>) {add = true}
        %dma_wait3A = arith.constant 0 : i32
        %dma_wait3A_58 = tpu.memref_slice %arg4[%add3A_52, %dma_wait3A] : memref<100x100xi32, #tpu.memory_space<vmem>> -> memref<1x100xi32, #tpu.memory_space<vmem>>
        %dma_wait3A_59 = tpu.memref_squeeze %dma_wait3A_58 : memref<1x100xi32, #tpu.memory_space<vmem>> -> memref<100xi32, #tpu.memory_space<vmem>>
        %dma_wait3A_60 = arith.constant 0 : i32
        %dma_wait3A_61 = arith.constant 0 : i32
        %dma_wait3A_62 = tpu.memref_slice %arg6[%dma_wait3A_60, %dma_wait3A_61] : memref<10112x128xf32, #tpu.memory_space<vmem_shared>> -> memref<10112x128xf32, #tpu.memory_space<vmem_shared>>
        tpu.wait_indirect_dma semaphore(%run_scoped3A : memref<!tpu.dma_semaphore, #tpu.memory_space<semaphore_mem>>) src(%arg5 : memref<100x128xf32, #tpu.memory_space<vmem>>) dst(%dma_wait3A_62 : memref<10112x128xf32, #tpu.memory_space<vmem_shared>>)
        tpu.yield
      }) : () -> ()
    }
    %scan3A_42 = arith.constant 100 : i32
    %barrier3A_43 = arith.constant 0 : index
    tpu.barrier barrier_id(%barrier3A_43)
    %mul3A_44 = arith.constant 632 : i32
    %mul3A_45 = arith.muli %arg1, %mul3A_44 : i32
    %mul3A_46 = arith.constant 632 : i32
    %mul3A_47 = arith.muli %arg1, %mul3A_46 : i32
    "tpu.region"() ({
      %run_scoped3A = tpu.sem_alloc : memref<!tpu.dma_semaphore, #tpu.memory_space<semaphore_mem>>
      %dma_start3A = arith.constant 0 : i32
      %dma_start3A_48 = arith.constant 0 : i32
      %dma_start3A_49 = tpu.memref_slice %arg3[%arg0, %dma_start3A, %dma_start3A_48] : memref<2x10112x128xf32, #tpu.memory_space<hbm>> -> memref<1x10112x128xf32, #tpu.memory_space<hbm>>
      %dma_start3A_50 = tpu.memref_squeeze %dma_start3A_49 : memref<1x10112x128xf32, #tpu.memory_space<hbm>> -> memref<10112x128xf32, #tpu.memory_space<hbm>>
      %dma_start3A_51 = arith.constant 0 : i32
      %dma_start3A_52 = tpu.memref_slice %dma_start3A_50[%mul3A_47, %dma_start3A_51] : memref<10112x128xf32, #tpu.memory_space<hbm>> -> memref<632x128xf32, #tpu.memory_space<hbm>>
      %dma_start3A_53 = arith.constant 0 : i32
      %dma_start3A_54 = tpu.memref_slice %arg6[%mul3A_45, %dma_start3A_53] : memref<10112x128xf32, #tpu.memory_space<vmem_shared>> -> memref<632x128xf32, #tpu.memory_space<vmem_shared>>
      tpu.enqueue_dma source(%dma_start3A_54 : memref<632x128xf32, #tpu.memory_space<vmem_shared>>) target(%dma_start3A_52 : memref<632x128xf32, #tpu.memory_space<hbm>>) target_semaphore(%run_scoped3A : memref<!tpu.dma_semaphore, #tpu.memory_space<semaphore_mem>>)
      %dma_wait3A = arith.constant 0 : i32
      %dma_wait3A_55 = arith.constant 0 : i32
      %dma_wait3A_56 = tpu.memref_slice %arg3[%arg0, %dma_wait3A, %dma_wait3A_55] : memref<2x10112x128xf32, #tpu.memory_space<hbm>> -> memref<1x10112x128xf32, #tpu.memory_space<hbm>>
      %dma_wait3A_57 = tpu.memref_squeeze %dma_wait3A_56 : memref<1x10112x128xf32, #tpu.memory_space<hbm>> -> memref<10112x128xf32, #tpu.memory_space<hbm>>
      %dma_wait3A_58 = arith.constant 0 : i32
      %dma_wait3A_59 = tpu.memref_slice %dma_wait3A_57[%mul3A_47, %dma_wait3A_58] : memref<10112x128xf32, #tpu.memory_space<hbm>> -> memref<632x128xf32, #tpu.memory_space<hbm>>
      %dma_wait3A_60 = arith.constant 0 : i32
      %dma_wait3A_61 = tpu.memref_slice %arg6[%mul3A_45, %dma_wait3A_60] : memref<10112x128xf32, #tpu.memory_space<vmem_shared>> -> memref<632x128xf32, #tpu.memory_space<vmem_shared>>
      tpu.wait_dma2 semaphore(%run_scoped3A : memref<!tpu.dma_semaphore, #tpu.memory_space<semaphore_mem>>) src(%dma_wait3A_61 : memref<632x128xf32, #tpu.memory_space<vmem_shared>>) dst(%dma_wait3A_59 : memref<632x128xf32, #tpu.memory_space<hbm>>)
      tpu.yield
    }) : () -> ()
    return
  }
}

#map = affine_map<(d0, d1) -> (0, 0)>
#map1 = affine_map<(d0, d1) -> (0, 0, 0)>
module attributes {stable_mosaic.version = 14 : i64} {
  func.func @_sc_aggregate(%arg0: i32, %arg1: i32, %arg2: memref<10112x128xf32, #tpu.memory_space<hbm>>, %arg3: memref<32x100x100xi32, #tpu.memory_space<hbm>>, %arg4: memref<32x100x100xi32, #tpu.memory_space<hbm>>, %arg5: memref<2x10112x128xf32, #tpu.memory_space<hbm>>, %arg6: memref<100x100xi32, #tpu.memory_space<vmem>>, %arg7: memref<100x100xi32, #tpu.memory_space<vmem>>, %arg8: memref<100x128xf32, #tpu.memory_space<vmem>>, %arg9: memref<10112x128xf32, #tpu.memory_space<vmem_shared>>) attributes {dimension_semantics = [#tpu.dimension_semantics<core_parallel>, #tpu.dimension_semantics<subcore_parallel>], iteration_bounds = array<i64: 2, 16>, scalar_prefetch = 0 : i64, scratch_operands = 4 : i64, tpu.core_type = #tpu.core_type<sc_vector_subcore>, window_params = [{transform_indices = #map}, {transform_indices = #map1}, {transform_indices = #map1}, {transform_indices = #map1}]} {
    %mul3A = arith.constant 16 : i32
    %mul3A_0 = arith.muli %arg0, %mul3A : i32
    %add3A = arith.addi %mul3A_0, %arg1 : i32
    %scan3A = arith.constant 0 : i32
    %scan3A_1 = arith.constant 100 : i32
    %scan3A_2 = arith.addi %scan3A, %scan3A_1 : i32
    %scan3A_3 = arith.constant 1 : i32
    scf.for %scan3A_43 = %scan3A to %scan3A_2 step %scan3A_3  : i32 {
      %mul3A_44 = arith.constant 1 : i32
      %mul3A_45 = arith.muli %scan3A_43, %mul3A_44 : i32
      %add3A_46 = arith.constant 0 : i32
      %add3A_47 = arith.addi %add3A_46, %mul3A_45 : i32
      %broadcast_in_dim3A = arith.constant 0.000000e+00 : f32
      %broadcast_in_dim3A_48 = vector.broadcast %broadcast_in_dim3A : f32 to vector<16xf32>
      %swap3A = arith.index_cast %add3A_47 : i32 to index
      %swap3A_49 = arith.constant 0 : index
      %swap3A_50 = tpu.vector_load %arg8[%swap3A, %swap3A_49] {strides = array<i32>} : memref<100x128xf32, #tpu.memory_space<vmem>>, vector<1x16xf32>,
      %swap3A_51 = vector.shape_cast %swap3A_50 : vector<1x16xf32> to vector<16xf32>
      %swap3A_52 = vector.shape_cast %broadcast_in_dim3A_48 : vector<16xf32> to vector<1x16xf32>
      tpu.vector_store %arg8[%swap3A, %swap3A_49], %swap3A_52 {strides = array<i32>} : memref<100x128xf32, #tpu.memory_space<vmem>>, vector<1x16xf32>,
      %broadcast_in_dim3A_53 = arith.constant 0.000000e+00 : f32
      %broadcast_in_dim3A_54 = vector.broadcast %broadcast_in_dim3A_53 : f32 to vector<16xf32>
      %swap3A_55 = arith.index_cast %add3A_47 : i32 to index
      %swap3A_56 = arith.constant 16 : index
      %swap3A_57 = tpu.vector_load %arg8[%swap3A_55, %swap3A_56] {strides = array<i32>} : memref<100x128xf32, #tpu.memory_space<vmem>>, vector<1x16xf32>,
      %swap3A_58 = vector.shape_cast %swap3A_57 : vector<1x16xf32> to vector<16xf32>
      %swap3A_59 = vector.shape_cast %broadcast_in_dim3A_54 : vector<16xf32> to vector<1x16xf32>
      tpu.vector_store %arg8[%swap3A_55, %swap3A_56], %swap3A_59 {strides = array<i32>} : memref<100x128xf32, #tpu.memory_space<vmem>>, vector<1x16xf32>,
      %broadcast_in_dim3A_60 = arith.constant 0.000000e+00 : f32
      %broadcast_in_dim3A_61 = vector.broadcast %broadcast_in_dim3A_60 : f32 to vector<16xf32>
      %swap3A_62 = arith.index_cast %add3A_47 : i32 to index
      %swap3A_63 = arith.constant 32 : index
      %swap3A_64 = tpu.vector_load %arg8[%swap3A_62, %swap3A_63] {strides = array<i32>} : memref<100x128xf32, #tpu.memory_space<vmem>>, vector<1x16xf32>,
      %swap3A_65 = vector.shape_cast %swap3A_64 : vector<1x16xf32> to vector<16xf32>
      %swap3A_66 = vector.shape_cast %broadcast_in_dim3A_61 : vector<16xf32> to vector<1x16xf32>
      tpu.vector_store %arg8[%swap3A_62, %swap3A_63], %swap3A_66 {strides = array<i32>} : memref<100x128xf32, #tpu.memory_space<vmem>>, vector<1x16xf32>,
      %broadcast_in_dim3A_67 = arith.constant 0.000000e+00 : f32
      %broadcast_in_dim3A_68 = vector.broadcast %broadcast_in_dim3A_67 : f32 to vector<16xf32>
      %swap3A_69 = arith.index_cast %add3A_47 : i32 to index
      %swap3A_70 = arith.constant 48 : index
      %swap3A_71 = tpu.vector_load %arg8[%swap3A_69, %swap3A_70] {strides = array<i32>} : memref<100x128xf32, #tpu.memory_space<vmem>>, vector<1x16xf32>,
      %swap3A_72 = vector.shape_cast %swap3A_71 : vector<1x16xf32> to vector<16xf32>
      %swap3A_73 = vector.shape_cast %broadcast_in_dim3A_68 : vector<16xf32> to vector<1x16xf32>
      tpu.vector_store %arg8[%swap3A_69, %swap3A_70], %swap3A_73 {strides = array<i32>} : memref<100x128xf32, #tpu.memory_space<vmem>>, vector<1x16xf32>,
      %broadcast_in_dim3A_74 = arith.constant 0.000000e+00 : f32
      %broadcast_in_dim3A_75 = vector.broadcast %broadcast_in_dim3A_74 : f32 to vector<16xf32>
      %swap3A_76 = arith.index_cast %add3A_47 : i32 to index
      %swap3A_77 = arith.constant 64 : index
      %swap3A_78 = tpu.vector_load %arg8[%swap3A_76, %swap3A_77] {strides = array<i32>} : memref<100x128xf32, #tpu.memory_space<vmem>>, vector<1x16xf32>,
      %swap3A_79 = vector.shape_cast %swap3A_78 : vector<1x16xf32> to vector<16xf32>
      %swap3A_80 = vector.shape_cast %broadcast_in_dim3A_75 : vector<16xf32> to vector<1x16xf32>
      tpu.vector_store %arg8[%swap3A_76, %swap3A_77], %swap3A_80 {strides = array<i32>} : memref<100x128xf32, #tpu.memory_space<vmem>>, vector<1x16xf32>,
      %broadcast_in_dim3A_81 = arith.constant 0.000000e+00 : f32
      %broadcast_in_dim3A_82 = vector.broadcast %broadcast_in_dim3A_81 : f32 to vector<16xf32>
      %swap3A_83 = arith.index_cast %add3A_47 : i32 to index
      %swap3A_84 = arith.constant 80 : index
      %swap3A_85 = tpu.vector_load %arg8[%swap3A_83, %swap3A_84] {strides = array<i32>} : memref<100x128xf32, #tpu.memory_space<vmem>>, vector<1x16xf32>,
      %swap3A_86 = vector.shape_cast %swap3A_85 : vector<1x16xf32> to vector<16xf32>
      %swap3A_87 = vector.shape_cast %broadcast_in_dim3A_82 : vector<16xf32> to vector<1x16xf32>
      tpu.vector_store %arg8[%swap3A_83, %swap3A_84], %swap3A_87 {strides = array<i32>} : memref<100x128xf32, #tpu.memory_space<vmem>>, vector<1x16xf32>,
      %broadcast_in_dim3A_88 = arith.constant 0.000000e+00 : f32
      %broadcast_in_dim3A_89 = vector.broadcast %broadcast_in_dim3A_88 : f32 to vector<16xf32>
      %swap3A_90 = arith.index_cast %add3A_47 : i32 to index
      %swap3A_91 = arith.constant 96 : index
      %swap3A_92 = tpu.vector_load %arg8[%swap3A_90, %swap3A_91] {strides = array<i32>} : memref<100x128xf32, #tpu.memory_space<vmem>>, vector<1x16xf32>,
      %swap3A_93 = vector.shape_cast %swap3A_92 : vector<1x16xf32> to vector<16xf32>
      %swap3A_94 = vector.shape_cast %broadcast_in_dim3A_89 : vector<16xf32> to vector<1x16xf32>
      tpu.vector_store %arg8[%swap3A_90, %swap3A_91], %swap3A_94 {strides = array<i32>} : memref<100x128xf32, #tpu.memory_space<vmem>>, vector<1x16xf32>,
      %broadcast_in_dim3A_95 = arith.constant 0.000000e+00 : f32
      %broadcast_in_dim3A_96 = vector.broadcast %broadcast_in_dim3A_95 : f32 to vector<16xf32>
      %swap3A_97 = arith.index_cast %add3A_47 : i32 to index
      %swap3A_98 = arith.constant 112 : index
      %swap3A_99 = tpu.vector_load %arg8[%swap3A_97, %swap3A_98] {strides = array<i32>} : memref<100x128xf32, #tpu.memory_space<vmem>>, vector<1x16xf32>,
      %swap3A_100 = vector.shape_cast %swap3A_99 : vector<1x16xf32> to vector<16xf32>
      %swap3A_101 = vector.shape_cast %broadcast_in_dim3A_96 : vector<16xf32> to vector<1x16xf32>
      tpu.vector_store %arg8[%swap3A_97, %swap3A_98], %swap3A_101 {strides = array<i32>} : memref<100x128xf32, #tpu.memory_space<vmem>>, vector<1x16xf32>,
    }
    %scan3A_4 = arith.constant 100 : i32
    %mul3A_5 = arith.constant 632 : i32
    %mul3A_6 = arith.muli %arg1, %mul3A_5 : i32
    %add3A_7 = arith.constant 0 : i32
    %add3A_8 = arith.addi %mul3A_6, %add3A_7 : i32
    "tpu.region"() ({
      %run_scoped3A = tpu.sem_alloc : memref<!tpu.dma_semaphore, #tpu.memory_space<semaphore_mem>>
      %dma_start3A = arith.constant 0 : i32
      %dma_start3A_43 = arith.constant 0 : i32
      %dma_start3A_44 = tpu.memref_slice %arg8[%dma_start3A, %dma_start3A_43] : memref<100x128xf32, #tpu.memory_space<vmem>> -> memref<100x128xf32, #tpu.memory_space<vmem>>
      %dma_start3A_45 = arith.constant 0 : i32
      %dma_start3A_46 = tpu.memref_slice %arg9[%add3A_8, %dma_start3A_45] : memref<10112x128xf32, #tpu.memory_space<vmem_shared>> -> memref<100x128xf32, #tpu.memory_space<vmem_shared>>
      %dma_start3A_47 = arith.constant 0 : i32
      %dma_start3A_48 = tpu.memref_slice %arg9[%add3A_8, %dma_start3A_47] : memref<10112x128xf32, #tpu.memory_space<vmem_shared>> -> memref<100x128xf32, #tpu.memory_space<vmem_shared>>
      %dma_start3A_49 = arith.constant 0 : i32
      %dma_start3A_50 = arith.constant 0 : i32
      %dma_start3A_51 = tpu.memref_slice %arg8[%dma_start3A_49, %dma_start3A_50] : memref<100x128xf32, #tpu.memory_space<vmem>> -> memref<100x128xf32, #tpu.memory_space<vmem>>
      tpu.enqueue_dma source(%dma_start3A_51 : memref<100x128xf32, #tpu.memory_space<vmem>>) target(%dma_start3A_48 : memref<100x128xf32, #tpu.memory_space<vmem_shared>>) target_semaphore(%run_scoped3A : memref<!tpu.dma_semaphore, #tpu.memory_space<semaphore_mem>>)
      %dma_wait3A = arith.constant 0 : i32
      %dma_wait3A_52 = arith.constant 0 : i32
      %dma_wait3A_53 = tpu.memref_slice %arg8[%dma_wait3A, %dma_wait3A_52] : memref<100x128xf32, #tpu.memory_space<vmem>> -> memref<100x128xf32, #tpu.memory_space<vmem>>
      %dma_wait3A_54 = arith.constant 0 : i32
      %dma_wait3A_55 = tpu.memref_slice %arg9[%add3A_8, %dma_wait3A_54] : memref<10112x128xf32, #tpu.memory_space<vmem_shared>> -> memref<100x128xf32, #tpu.memory_space<vmem_shared>>
      %dma_wait3A_56 = arith.constant 0 : i32
      %dma_wait3A_57 = tpu.memref_slice %arg9[%add3A_8, %dma_wait3A_56] : memref<10112x128xf32, #tpu.memory_space<vmem_shared>> -> memref<100x128xf32, #tpu.memory_space<vmem_shared>>
      %dma_wait3A_58 = arith.constant 0 : i32
      %dma_wait3A_59 = arith.constant 0 : i32
      %dma_wait3A_60 = tpu.memref_slice %arg8[%dma_wait3A_58, %dma_wait3A_59] : memref<100x128xf32, #tpu.memory_space<vmem>> -> memref<100x128xf32, #tpu.memory_space<vmem>>
      tpu.wait_dma2 semaphore(%run_scoped3A : memref<!tpu.dma_semaphore, #tpu.memory_space<semaphore_mem>>) src(%dma_wait3A_60 : memref<100x128xf32, #tpu.memory_space<vmem>>) dst(%dma_wait3A_57 : memref<100x128xf32, #tpu.memory_space<vmem_shared>>)
      tpu.yield
    }) : () -> ()
    %mul3A_9 = arith.constant 632 : i32
    %mul3A_10 = arith.muli %arg1, %mul3A_9 : i32
    %add3A_11 = arith.constant 100 : i32
    %add3A_12 = arith.addi %mul3A_10, %add3A_11 : i32
    "tpu.region"() ({
      %run_scoped3A = tpu.sem_alloc : memref<!tpu.dma_semaphore, #tpu.memory_space<semaphore_mem>>
      %dma_start3A = arith.constant 0 : i32
      %dma_start3A_43 = arith.constant 0 : i32
      %dma_start3A_44 = tpu.memref_slice %arg8[%dma_start3A, %dma_start3A_43] : memref<100x128xf32, #tpu.memory_space<vmem>> -> memref<100x128xf32, #tpu.memory_space<vmem>>
      %dma_start3A_45 = arith.constant 0 : i32
      %dma_start3A_46 = tpu.memref_slice %arg9[%add3A_12, %dma_start3A_45] : memref<10112x128xf32, #tpu.memory_space<vmem_shared>> -> memref<100x128xf32, #tpu.memory_space<vmem_shared>>
      %dma_start3A_47 = arith.constant 0 : i32
      %dma_start3A_48 = tpu.memref_slice %arg9[%add3A_12, %dma_start3A_47] : memref<10112x128xf32, #tpu.memory_space<vmem_shared>> -> memref<100x128xf32, #tpu.memory_space<vmem_shared>>
      %dma_start3A_49 = arith.constant 0 : i32
      %dma_start3A_50 = arith.constant 0 : i32
      %dma_start3A_51 = tpu.memref_slice %arg8[%dma_start3A_49, %dma_start3A_50] : memref<100x128xf32, #tpu.memory_space<vmem>> -> memref<100x128xf32, #tpu.memory_space<vmem>>
      tpu.enqueue_dma source(%dma_start3A_51 : memref<100x128xf32, #tpu.memory_space<vmem>>) target(%dma_start3A_48 : memref<100x128xf32, #tpu.memory_space<vmem_shared>>) target_semaphore(%run_scoped3A : memref<!tpu.dma_semaphore, #tpu.memory_space<semaphore_mem>>)
      %dma_wait3A = arith.constant 0 : i32
      %dma_wait3A_52 = arith.constant 0 : i32
      %dma_wait3A_53 = tpu.memref_slice %arg8[%dma_wait3A, %dma_wait3A_52] : memref<100x128xf32, #tpu.memory_space<vmem>> -> memref<100x128xf32, #tpu.memory_space<vmem>>
      %dma_wait3A_54 = arith.constant 0 : i32
      %dma_wait3A_55 = tpu.memref_slice %arg9[%add3A_12, %dma_wait3A_54] : memref<10112x128xf32, #tpu.memory_space<vmem_shared>> -> memref<100x128xf32, #tpu.memory_space<vmem_shared>>
      %dma_wait3A_56 = arith.constant 0 : i32
      %dma_wait3A_57 = tpu.memref_slice %arg9[%add3A_12, %dma_wait3A_56] : memref<10112x128xf32, #tpu.memory_space<vmem_shared>> -> memref<100x128xf32, #tpu.memory_space<vmem_shared>>
      %dma_wait3A_58 = arith.constant 0 : i32
      %dma_wait3A_59 = arith.constant 0 : i32
      %dma_wait3A_60 = tpu.memref_slice %arg8[%dma_wait3A_58, %dma_wait3A_59] : memref<100x128xf32, #tpu.memory_space<vmem>> -> memref<100x128xf32, #tpu.memory_space<vmem>>
      tpu.wait_dma2 semaphore(%run_scoped3A : memref<!tpu.dma_semaphore, #tpu.memory_space<semaphore_mem>>) src(%dma_wait3A_60 : memref<100x128xf32, #tpu.memory_space<vmem>>) dst(%dma_wait3A_57 : memref<100x128xf32, #tpu.memory_space<vmem_shared>>)
      tpu.yield
    }) : () -> ()
    %mul3A_13 = arith.constant 632 : i32
    %mul3A_14 = arith.muli %arg1, %mul3A_13 : i32
    %add3A_15 = arith.constant 200 : i32
    %add3A_16 = arith.addi %mul3A_14, %add3A_15 : i32
    "tpu.region"() ({
      %run_scoped3A = tpu.sem_alloc : memref<!tpu.dma_semaphore, #tpu.memory_space<semaphore_mem>>
      %dma_start3A = arith.constant 0 : i32
      %dma_start3A_43 = arith.constant 0 : i32
      %dma_start3A_44 = tpu.memref_slice %arg8[%dma_start3A, %dma_start3A_43] : memref<100x128xf32, #tpu.memory_space<vmem>> -> memref<100x128xf32, #tpu.memory_space<vmem>>
      %dma_start3A_45 = arith.constant 0 : i32
      %dma_start3A_46 = tpu.memref_slice %arg9[%add3A_16, %dma_start3A_45] : memref<10112x128xf32, #tpu.memory_space<vmem_shared>> -> memref<100x128xf32, #tpu.memory_space<vmem_shared>>
      %dma_start3A_47 = arith.constant 0 : i32
      %dma_start3A_48 = tpu.memref_slice %arg9[%add3A_16, %dma_start3A_47] : memref<10112x128xf32, #tpu.memory_space<vmem_shared>> -> memref<100x128xf32, #tpu.memory_space<vmem_shared>>
      %dma_start3A_49 = arith.constant 0 : i32
      %dma_start3A_50 = arith.constant 0 : i32
      %dma_start3A_51 = tpu.memref_slice %arg8[%dma_start3A_49, %dma_start3A_50] : memref<100x128xf32, #tpu.memory_space<vmem>> -> memref<100x128xf32, #tpu.memory_space<vmem>>
      tpu.enqueue_dma source(%dma_start3A_51 : memref<100x128xf32, #tpu.memory_space<vmem>>) target(%dma_start3A_48 : memref<100x128xf32, #tpu.memory_space<vmem_shared>>) target_semaphore(%run_scoped3A : memref<!tpu.dma_semaphore, #tpu.memory_space<semaphore_mem>>)
      %dma_wait3A = arith.constant 0 : i32
      %dma_wait3A_52 = arith.constant 0 : i32
      %dma_wait3A_53 = tpu.memref_slice %arg8[%dma_wait3A, %dma_wait3A_52] : memref<100x128xf32, #tpu.memory_space<vmem>> -> memref<100x128xf32, #tpu.memory_space<vmem>>
      %dma_wait3A_54 = arith.constant 0 : i32
      %dma_wait3A_55 = tpu.memref_slice %arg9[%add3A_16, %dma_wait3A_54] : memref<10112x128xf32, #tpu.memory_space<vmem_shared>> -> memref<100x128xf32, #tpu.memory_space<vmem_shared>>
      %dma_wait3A_56 = arith.constant 0 : i32
      %dma_wait3A_57 = tpu.memref_slice %arg9[%add3A_16, %dma_wait3A_56] : memref<10112x128xf32, #tpu.memory_space<vmem_shared>> -> memref<100x128xf32, #tpu.memory_space<vmem_shared>>
      %dma_wait3A_58 = arith.constant 0 : i32
      %dma_wait3A_59 = arith.constant 0 : i32
      %dma_wait3A_60 = tpu.memref_slice %arg8[%dma_wait3A_58, %dma_wait3A_59] : memref<100x128xf32, #tpu.memory_space<vmem>> -> memref<100x128xf32, #tpu.memory_space<vmem>>
      tpu.wait_dma2 semaphore(%run_scoped3A : memref<!tpu.dma_semaphore, #tpu.memory_space<semaphore_mem>>) src(%dma_wait3A_60 : memref<100x128xf32, #tpu.memory_space<vmem>>) dst(%dma_wait3A_57 : memref<100x128xf32, #tpu.memory_space<vmem_shared>>)
      tpu.yield
    }) : () -> ()
    %mul3A_17 = arith.constant 632 : i32
    %mul3A_18 = arith.muli %arg1, %mul3A_17 : i32
    %add3A_19 = arith.constant 300 : i32
    %add3A_20 = arith.addi %mul3A_18, %add3A_19 : i32
    "tpu.region"() ({
      %run_scoped3A = tpu.sem_alloc : memref<!tpu.dma_semaphore, #tpu.memory_space<semaphore_mem>>
      %dma_start3A = arith.constant 0 : i32
      %dma_start3A_43 = arith.constant 0 : i32
      %dma_start3A_44 = tpu.memref_slice %arg8[%dma_start3A, %dma_start3A_43] : memref<100x128xf32, #tpu.memory_space<vmem>> -> memref<100x128xf32, #tpu.memory_space<vmem>>
      %dma_start3A_45 = arith.constant 0 : i32
      %dma_start3A_46 = tpu.memref_slice %arg9[%add3A_20, %dma_start3A_45] : memref<10112x128xf32, #tpu.memory_space<vmem_shared>> -> memref<100x128xf32, #tpu.memory_space<vmem_shared>>
      %dma_start3A_47 = arith.constant 0 : i32
      %dma_start3A_48 = tpu.memref_slice %arg9[%add3A_20, %dma_start3A_47] : memref<10112x128xf32, #tpu.memory_space<vmem_shared>> -> memref<100x128xf32, #tpu.memory_space<vmem_shared>>
      %dma_start3A_49 = arith.constant 0 : i32
      %dma_start3A_50 = arith.constant 0 : i32
      %dma_start3A_51 = tpu.memref_slice %arg8[%dma_start3A_49, %dma_start3A_50] : memref<100x128xf32, #tpu.memory_space<vmem>> -> memref<100x128xf32, #tpu.memory_space<vmem>>
      tpu.enqueue_dma source(%dma_start3A_51 : memref<100x128xf32, #tpu.memory_space<vmem>>) target(%dma_start3A_48 : memref<100x128xf32, #tpu.memory_space<vmem_shared>>) target_semaphore(%run_scoped3A : memref<!tpu.dma_semaphore, #tpu.memory_space<semaphore_mem>>)
      %dma_wait3A = arith.constant 0 : i32
      %dma_wait3A_52 = arith.constant 0 : i32
      %dma_wait3A_53 = tpu.memref_slice %arg8[%dma_wait3A, %dma_wait3A_52] : memref<100x128xf32, #tpu.memory_space<vmem>> -> memref<100x128xf32, #tpu.memory_space<vmem>>
      %dma_wait3A_54 = arith.constant 0 : i32
      %dma_wait3A_55 = tpu.memref_slice %arg9[%add3A_20, %dma_wait3A_54] : memref<10112x128xf32, #tpu.memory_space<vmem_shared>> -> memref<100x128xf32, #tpu.memory_space<vmem_shared>>
      %dma_wait3A_56 = arith.constant 0 : i32
      %dma_wait3A_57 = tpu.memref_slice %arg9[%add3A_20, %dma_wait3A_56] : memref<10112x128xf32, #tpu.memory_space<vmem_shared>> -> memref<100x128xf32, #tpu.memory_space<vmem_shared>>
      %dma_wait3A_58 = arith.constant 0 : i32
      %dma_wait3A_59 = arith.constant 0 : i32
      %dma_wait3A_60 = tpu.memref_slice %arg8[%dma_wait3A_58, %dma_wait3A_59] : memref<100x128xf32, #tpu.memory_space<vmem>> -> memref<100x128xf32, #tpu.memory_space<vmem>>
      tpu.wait_dma2 semaphore(%run_scoped3A : memref<!tpu.dma_semaphore, #tpu.memory_space<semaphore_mem>>) src(%dma_wait3A_60 : memref<100x128xf32, #tpu.memory_space<vmem>>) dst(%dma_wait3A_57 : memref<100x128xf32, #tpu.memory_space<vmem_shared>>)
      tpu.yield
    }) : () -> ()
    %mul3A_21 = arith.constant 632 : i32
    %mul3A_22 = arith.muli %arg1, %mul3A_21 : i32
    %add3A_23 = arith.constant 400 : i32
    %add3A_24 = arith.addi %mul3A_22, %add3A_23 : i32
    "tpu.region"() ({
      %run_scoped3A = tpu.sem_alloc : memref<!tpu.dma_semaphore, #tpu.memory_space<semaphore_mem>>
      %dma_start3A = arith.constant 0 : i32
      %dma_start3A_43 = arith.constant 0 : i32
      %dma_start3A_44 = tpu.memref_slice %arg8[%dma_start3A, %dma_start3A_43] : memref<100x128xf32, #tpu.memory_space<vmem>> -> memref<100x128xf32, #tpu.memory_space<vmem>>
      %dma_start3A_45 = arith.constant 0 : i32
      %dma_start3A_46 = tpu.memref_slice %arg9[%add3A_24, %dma_start3A_45] : memref<10112x128xf32, #tpu.memory_space<vmem_shared>> -> memref<100x128xf32, #tpu.memory_space<vmem_shared>>
      %dma_start3A_47 = arith.constant 0 : i32
      %dma_start3A_48 = tpu.memref_slice %arg9[%add3A_24, %dma_start3A_47] : memref<10112x128xf32, #tpu.memory_space<vmem_shared>> -> memref<100x128xf32, #tpu.memory_space<vmem_shared>>
      %dma_start3A_49 = arith.constant 0 : i32
      %dma_start3A_50 = arith.constant 0 : i32
      %dma_start3A_51 = tpu.memref_slice %arg8[%dma_start3A_49, %dma_start3A_50] : memref<100x128xf32, #tpu.memory_space<vmem>> -> memref<100x128xf32, #tpu.memory_space<vmem>>
      tpu.enqueue_dma source(%dma_start3A_51 : memref<100x128xf32, #tpu.memory_space<vmem>>) target(%dma_start3A_48 : memref<100x128xf32, #tpu.memory_space<vmem_shared>>) target_semaphore(%run_scoped3A : memref<!tpu.dma_semaphore, #tpu.memory_space<semaphore_mem>>)
      %dma_wait3A = arith.constant 0 : i32
      %dma_wait3A_52 = arith.constant 0 : i32
      %dma_wait3A_53 = tpu.memref_slice %arg8[%dma_wait3A, %dma_wait3A_52] : memref<100x128xf32, #tpu.memory_space<vmem>> -> memref<100x128xf32, #tpu.memory_space<vmem>>
      %dma_wait3A_54 = arith.constant 0 : i32
      %dma_wait3A_55 = tpu.memref_slice %arg9[%add3A_24, %dma_wait3A_54] : memref<10112x128xf32, #tpu.memory_space<vmem_shared>> -> memref<100x128xf32, #tpu.memory_space<vmem_shared>>
      %dma_wait3A_56 = arith.constant 0 : i32
      %dma_wait3A_57 = tpu.memref_slice %arg9[%add3A_24, %dma_wait3A_56] : memref<10112x128xf32, #tpu.memory_space<vmem_shared>> -> memref<100x128xf32, #tpu.memory_space<vmem_shared>>
      %dma_wait3A_58 = arith.constant 0 : i32
      %dma_wait3A_59 = arith.constant 0 : i32
      %dma_wait3A_60 = tpu.memref_slice %arg8[%dma_wait3A_58, %dma_wait3A_59] : memref<100x128xf32, #tpu.memory_space<vmem>> -> memref<100x128xf32, #tpu.memory_space<vmem>>
      tpu.wait_dma2 semaphore(%run_scoped3A : memref<!tpu.dma_semaphore, #tpu.memory_space<semaphore_mem>>) src(%dma_wait3A_60 : memref<100x128xf32, #tpu.memory_space<vmem>>) dst(%dma_wait3A_57 : memref<100x128xf32, #tpu.memory_space<vmem_shared>>)
      tpu.yield
    }) : () -> ()
    %mul3A_25 = arith.constant 632 : i32
    %mul3A_26 = arith.muli %arg1, %mul3A_25 : i32
    %add3A_27 = arith.constant 500 : i32
    %add3A_28 = arith.addi %mul3A_26, %add3A_27 : i32
    "tpu.region"() ({
      %run_scoped3A = tpu.sem_alloc : memref<!tpu.dma_semaphore, #tpu.memory_space<semaphore_mem>>
      %dma_start3A = arith.constant 0 : i32
      %dma_start3A_43 = arith.constant 0 : i32
      %dma_start3A_44 = tpu.memref_slice %arg8[%dma_start3A, %dma_start3A_43] : memref<100x128xf32, #tpu.memory_space<vmem>> -> memref<100x128xf32, #tpu.memory_space<vmem>>
      %dma_start3A_45 = arith.constant 0 : i32
      %dma_start3A_46 = tpu.memref_slice %arg9[%add3A_28, %dma_start3A_45] : memref<10112x128xf32, #tpu.memory_space<vmem_shared>> -> memref<100x128xf32, #tpu.memory_space<vmem_shared>>
      %dma_start3A_47 = arith.constant 0 : i32
      %dma_start3A_48 = tpu.memref_slice %arg9[%add3A_28, %dma_start3A_47] : memref<10112x128xf32, #tpu.memory_space<vmem_shared>> -> memref<100x128xf32, #tpu.memory_space<vmem_shared>>
      %dma_start3A_49 = arith.constant 0 : i32
      %dma_start3A_50 = arith.constant 0 : i32
      %dma_start3A_51 = tpu.memref_slice %arg8[%dma_start3A_49, %dma_start3A_50] : memref<100x128xf32, #tpu.memory_space<vmem>> -> memref<100x128xf32, #tpu.memory_space<vmem>>
      tpu.enqueue_dma source(%dma_start3A_51 : memref<100x128xf32, #tpu.memory_space<vmem>>) target(%dma_start3A_48 : memref<100x128xf32, #tpu.memory_space<vmem_shared>>) target_semaphore(%run_scoped3A : memref<!tpu.dma_semaphore, #tpu.memory_space<semaphore_mem>>)
      %dma_wait3A = arith.constant 0 : i32
      %dma_wait3A_52 = arith.constant 0 : i32
      %dma_wait3A_53 = tpu.memref_slice %arg8[%dma_wait3A, %dma_wait3A_52] : memref<100x128xf32, #tpu.memory_space<vmem>> -> memref<100x128xf32, #tpu.memory_space<vmem>>
      %dma_wait3A_54 = arith.constant 0 : i32
      %dma_wait3A_55 = tpu.memref_slice %arg9[%add3A_28, %dma_wait3A_54] : memref<10112x128xf32, #tpu.memory_space<vmem_shared>> -> memref<100x128xf32, #tpu.memory_space<vmem_shared>>
      %dma_wait3A_56 = arith.constant 0 : i32
      %dma_wait3A_57 = tpu.memref_slice %arg9[%add3A_28, %dma_wait3A_56] : memref<10112x128xf32, #tpu.memory_space<vmem_shared>> -> memref<100x128xf32, #tpu.memory_space<vmem_shared>>
      %dma_wait3A_58 = arith.constant 0 : i32
      %dma_wait3A_59 = arith.constant 0 : i32
      %dma_wait3A_60 = tpu.memref_slice %arg8[%dma_wait3A_58, %dma_wait3A_59] : memref<100x128xf32, #tpu.memory_space<vmem>> -> memref<100x128xf32, #tpu.memory_space<vmem>>
      tpu.wait_dma2 semaphore(%run_scoped3A : memref<!tpu.dma_semaphore, #tpu.memory_space<semaphore_mem>>) src(%dma_wait3A_60 : memref<100x128xf32, #tpu.memory_space<vmem>>) dst(%dma_wait3A_57 : memref<100x128xf32, #tpu.memory_space<vmem_shared>>)
      tpu.yield
    }) : () -> ()
    %mul3A_29 = arith.constant 632 : i32
    %mul3A_30 = arith.muli %arg1, %mul3A_29 : i32
    %add3A_31 = arith.constant 600 : i32
    %add3A_32 = arith.addi %mul3A_30, %add3A_31 : i32
    "tpu.region"() ({
      %run_scoped3A = tpu.sem_alloc : memref<!tpu.dma_semaphore, #tpu.memory_space<semaphore_mem>>
      %dma_start3A = arith.constant 0 : i32
      %dma_start3A_43 = arith.constant 0 : i32
      %dma_start3A_44 = tpu.memref_slice %arg8[%dma_start3A, %dma_start3A_43] : memref<100x128xf32, #tpu.memory_space<vmem>> -> memref<32x128xf32, #tpu.memory_space<vmem>>
      %dma_start3A_45 = arith.constant 0 : i32
      %dma_start3A_46 = tpu.memref_slice %arg9[%add3A_32, %dma_start3A_45] : memref<10112x128xf32, #tpu.memory_space<vmem_shared>> -> memref<32x128xf32, #tpu.memory_space<vmem_shared>>
      %dma_start3A_47 = arith.constant 0 : i32
      %dma_start3A_48 = tpu.memref_slice %arg9[%add3A_32, %dma_start3A_47] : memref<10112x128xf32, #tpu.memory_space<vmem_shared>> -> memref<32x128xf32, #tpu.memory_space<vmem_shared>>
      %dma_start3A_49 = arith.constant 0 : i32
      %dma_start3A_50 = arith.constant 0 : i32
      %dma_start3A_51 = tpu.memref_slice %arg8[%dma_start3A_49, %dma_start3A_50] : memref<100x128xf32, #tpu.memory_space<vmem>> -> memref<32x128xf32, #tpu.memory_space<vmem>>
      tpu.enqueue_dma source(%dma_start3A_51 : memref<32x128xf32, #tpu.memory_space<vmem>>) target(%dma_start3A_48 : memref<32x128xf32, #tpu.memory_space<vmem_shared>>) target_semaphore(%run_scoped3A : memref<!tpu.dma_semaphore, #tpu.memory_space<semaphore_mem>>)
      %dma_wait3A = arith.constant 0 : i32
      %dma_wait3A_52 = arith.constant 0 : i32
      %dma_wait3A_53 = tpu.memref_slice %arg8[%dma_wait3A, %dma_wait3A_52] : memref<100x128xf32, #tpu.memory_space<vmem>> -> memref<32x128xf32, #tpu.memory_space<vmem>>
      %dma_wait3A_54 = arith.constant 0 : i32
      %dma_wait3A_55 = tpu.memref_slice %arg9[%add3A_32, %dma_wait3A_54] : memref<10112x128xf32, #tpu.memory_space<vmem_shared>> -> memref<32x128xf32, #tpu.memory_space<vmem_shared>>
      %dma_wait3A_56 = arith.constant 0 : i32
      %dma_wait3A_57 = tpu.memref_slice %arg9[%add3A_32, %dma_wait3A_56] : memref<10112x128xf32, #tpu.memory_space<vmem_shared>> -> memref<32x128xf32, #tpu.memory_space<vmem_shared>>
      %dma_wait3A_58 = arith.constant 0 : i32
      %dma_wait3A_59 = arith.constant 0 : i32
      %dma_wait3A_60 = tpu.memref_slice %arg8[%dma_wait3A_58, %dma_wait3A_59] : memref<100x128xf32, #tpu.memory_space<vmem>> -> memref<32x128xf32, #tpu.memory_space<vmem>>
      tpu.wait_dma2 semaphore(%run_scoped3A : memref<!tpu.dma_semaphore, #tpu.memory_space<semaphore_mem>>) src(%dma_wait3A_60 : memref<32x128xf32, #tpu.memory_space<vmem>>) dst(%dma_wait3A_57 : memref<32x128xf32, #tpu.memory_space<vmem_shared>>)
      tpu.yield
    }) : () -> ()
    "tpu.region"() ({
      %run_scoped3A = tpu.sem_alloc : memref<!tpu.dma_semaphore, #tpu.memory_space<semaphore_mem>>
      %dma_start3A = arith.constant 0 : i32
      %dma_start3A_43 = arith.constant 0 : i32
      %dma_start3A_44 = tpu.memref_slice %arg3[%add3A, %dma_start3A, %dma_start3A_43] : memref<32x100x100xi32, #tpu.memory_space<hbm>> -> memref<1x100x100xi32, #tpu.memory_space<hbm>>
      %dma_start3A_45 = tpu.memref_squeeze %dma_start3A_44 : memref<1x100x100xi32, #tpu.memory_space<hbm>> -> memref<100x100xi32, #tpu.memory_space<hbm>>
      %dma_start3A_46 = arith.constant 0 : i32
      %dma_start3A_47 = arith.constant 0 : i32
      %dma_start3A_48 = tpu.memref_slice %arg3[%add3A, %dma_start3A_46, %dma_start3A_47] : memref<32x100x100xi32, #tpu.memory_space<hbm>> -> memref<1x100x100xi32, #tpu.memory_space<hbm>>
      %dma_start3A_49 = tpu.memref_squeeze %dma_start3A_48 : memref<1x100x100xi32, #tpu.memory_space<hbm>> -> memref<100x100xi32, #tpu.memory_space<hbm>>
      tpu.enqueue_dma source(%dma_start3A_49 : memref<100x100xi32, #tpu.memory_space<hbm>>) target(%arg6 : memref<100x100xi32, #tpu.memory_space<vmem>>) target_semaphore(%run_scoped3A : memref<!tpu.dma_semaphore, #tpu.memory_space<semaphore_mem>>)
      %dma_wait3A = arith.constant 0 : i32
      %dma_wait3A_50 = arith.constant 0 : i32
      %dma_wait3A_51 = tpu.memref_slice %arg3[%add3A, %dma_wait3A, %dma_wait3A_50] : memref<32x100x100xi32, #tpu.memory_space<hbm>> -> memref<1x100x100xi32, #tpu.memory_space<hbm>>
      %dma_wait3A_52 = tpu.memref_squeeze %dma_wait3A_51 : memref<1x100x100xi32, #tpu.memory_space<hbm>> -> memref<100x100xi32, #tpu.memory_space<hbm>>
      %dma_wait3A_53 = arith.constant 0 : i32
      %dma_wait3A_54 = arith.constant 0 : i32
      %dma_wait3A_55 = tpu.memref_slice %arg3[%add3A, %dma_wait3A_53, %dma_wait3A_54] : memref<32x100x100xi32, #tpu.memory_space<hbm>> -> memref<1x100x100xi32, #tpu.memory_space<hbm>>
      %dma_wait3A_56 = tpu.memref_squeeze %dma_wait3A_55 : memref<1x100x100xi32, #tpu.memory_space<hbm>> -> memref<100x100xi32, #tpu.memory_space<hbm>>
      tpu.wait_dma2 semaphore(%run_scoped3A : memref<!tpu.dma_semaphore, #tpu.memory_space<semaphore_mem>>) src(%dma_wait3A_56 : memref<100x100xi32, #tpu.memory_space<hbm>>) dst(%arg6 : memref<100x100xi32, #tpu.memory_space<vmem>>)
      tpu.yield
    }) : () -> ()
    "tpu.region"() ({
      %run_scoped3A = tpu.sem_alloc : memref<!tpu.dma_semaphore, #tpu.memory_space<semaphore_mem>>
      %dma_start3A = arith.constant 0 : i32
      %dma_start3A_43 = arith.constant 0 : i32
      %dma_start3A_44 = tpu.memref_slice %arg4[%add3A, %dma_start3A, %dma_start3A_43] : memref<32x100x100xi32, #tpu.memory_space<hbm>> -> memref<1x100x100xi32, #tpu.memory_space<hbm>>
      %dma_start3A_45 = tpu.memref_squeeze %dma_start3A_44 : memref<1x100x100xi32, #tpu.memory_space<hbm>> -> memref<100x100xi32, #tpu.memory_space<hbm>>
      %dma_start3A_46 = arith.constant 0 : i32
      %dma_start3A_47 = arith.constant 0 : i32
      %dma_start3A_48 = tpu.memref_slice %arg4[%add3A, %dma_start3A_46, %dma_start3A_47] : memref<32x100x100xi32, #tpu.memory_space<hbm>> -> memref<1x100x100xi32, #tpu.memory_space<hbm>>
      %dma_start3A_49 = tpu.memref_squeeze %dma_start3A_48 : memref<1x100x100xi32, #tpu.memory_space<hbm>> -> memref<100x100xi32, #tpu.memory_space<hbm>>
      tpu.enqueue_dma source(%dma_start3A_49 : memref<100x100xi32, #tpu.memory_space<hbm>>) target(%arg7 : memref<100x100xi32, #tpu.memory_space<vmem>>) target_semaphore(%run_scoped3A : memref<!tpu.dma_semaphore, #tpu.memory_space<semaphore_mem>>)
      %dma_wait3A = arith.constant 0 : i32
      %dma_wait3A_50 = arith.constant 0 : i32
      %dma_wait3A_51 = tpu.memref_slice %arg4[%add3A, %dma_wait3A, %dma_wait3A_50] : memref<32x100x100xi32, #tpu.memory_space<hbm>> -> memref<1x100x100xi32, #tpu.memory_space<hbm>>
      %dma_wait3A_52 = tpu.memref_squeeze %dma_wait3A_51 : memref<1x100x100xi32, #tpu.memory_space<hbm>> -> memref<100x100xi32, #tpu.memory_space<hbm>>
      %dma_wait3A_53 = arith.constant 0 : i32
      %dma_wait3A_54 = arith.constant 0 : i32
      %dma_wait3A_55 = tpu.memref_slice %arg4[%add3A, %dma_wait3A_53, %dma_wait3A_54] : memref<32x100x100xi32, #tpu.memory_space<hbm>> -> memref<1x100x100xi32, #tpu.memory_space<hbm>>
      %dma_wait3A_56 = tpu.memref_squeeze %dma_wait3A_55 : memref<1x100x100xi32, #tpu.memory_space<hbm>> -> memref<100x100xi32, #tpu.memory_space<hbm>>
      tpu.wait_dma2 semaphore(%run_scoped3A : memref<!tpu.dma_semaphore, #tpu.memory_space<semaphore_mem>>) src(%dma_wait3A_56 : memref<100x100xi32, #tpu.memory_space<hbm>>) dst(%arg7 : memref<100x100xi32, #tpu.memory_space<vmem>>)
      tpu.yield
    }) : () -> ()
    %barrier3A = arith.constant 0 : index
    tpu.barrier barrier_id(%barrier3A)
    %scan3A_33 = arith.constant 0 : i32
    %scan3A_34 = arith.constant 100 : i32
    %scan3A_35 = arith.addi %scan3A_33, %scan3A_34 : i32
    %scan3A_36 = arith.constant 1 : i32
    scf.for %scan3A_43 = %scan3A_33 to %scan3A_35 step %scan3A_36  : i32 {
      %mul3A_44 = arith.constant 1 : i32
      %mul3A_45 = arith.muli %scan3A_43, %mul3A_44 : i32
      %add3A_46 = arith.constant 0 : i32
      %add3A_47 = arith.addi %add3A_46, %mul3A_45 : i32
      "tpu.region"() ({
        %run_scoped3A = tpu.sem_alloc : memref<!tpu.dma_semaphore, #tpu.memory_space<semaphore_mem>>
        %dma_start3A = arith.constant 0 : i32
        %dma_start3A_48 = tpu.memref_slice %arg6[%add3A_47, %dma_start3A] : memref<100x100xi32, #tpu.memory_space<vmem>> -> memref<1x100xi32, #tpu.memory_space<vmem>>
        %dma_start3A_49 = tpu.memref_squeeze %dma_start3A_48 : memref<1x100xi32, #tpu.memory_space<vmem>> -> memref<100xi32, #tpu.memory_space<vmem>>
        %dma_start3A_50 = arith.constant 0 : i32
        %dma_start3A_51 = arith.constant 0 : i32
        %dma_start3A_52 = tpu.memref_slice %arg2[%dma_start3A_50, %dma_start3A_51] : memref<10112x128xf32, #tpu.memory_space<hbm>> -> memref<10112x128xf32, #tpu.memory_space<hbm>>
        tpu.enqueue_indirect_dma source(%dma_start3A_52 : memref<10112x128xf32, #tpu.memory_space<hbm>>) target(%arg8 : memref<100x128xf32, #tpu.memory_space<vmem>>) offsets(%dma_start3A_49 : memref<100xi32, #tpu.memory_space<vmem>>) semaphore(%run_scoped3A : memref<!tpu.dma_semaphore, #tpu.memory_space<semaphore_mem>>)
        %dma_wait3A = arith.constant 0 : i32
        %dma_wait3A_53 = tpu.memref_slice %arg6[%add3A_47, %dma_wait3A] : memref<100x100xi32, #tpu.memory_space<vmem>> -> memref<1x100xi32, #tpu.memory_space<vmem>>
        %dma_wait3A_54 = tpu.memref_squeeze %dma_wait3A_53 : memref<1x100xi32, #tpu.memory_space<vmem>> -> memref<100xi32, #tpu.memory_space<vmem>>
        %dma_wait3A_55 = arith.constant 0 : i32
        %dma_wait3A_56 = arith.constant 0 : i32
        %dma_wait3A_57 = tpu.memref_slice %arg2[%dma_wait3A_55, %dma_wait3A_56] : memref<10112x128xf32, #tpu.memory_space<hbm>> -> memref<10112x128xf32, #tpu.memory_space<hbm>>
        tpu.wait_indirect_dma semaphore(%run_scoped3A : memref<!tpu.dma_semaphore, #tpu.memory_space<semaphore_mem>>) src(%dma_wait3A_57 : memref<10112x128xf32, #tpu.memory_space<hbm>>) dst(%arg8 : memref<100x128xf32, #tpu.memory_space<vmem>>)
        tpu.yield
      }) : () -> ()
      "tpu.region"() ({
        %run_scoped3A = tpu.sem_alloc : memref<!tpu.dma_semaphore, #tpu.memory_space<semaphore_mem>>
        %dma_start3A = arith.constant 0 : i32
        %dma_start3A_48 = tpu.memref_slice %arg7[%add3A_47, %dma_start3A] : memref<100x100xi32, #tpu.memory_space<vmem>> -> memref<1x100xi32, #tpu.memory_space<vmem>>
        %dma_start3A_49 = tpu.memref_squeeze %dma_start3A_48 : memref<1x100xi32, #tpu.memory_space<vmem>> -> memref<100xi32, #tpu.memory_space<vmem>>
        %dma_start3A_50 = arith.constant 0 : i32
        %dma_start3A_51 = arith.constant 0 : i32
        %dma_start3A_52 = tpu.memref_slice %arg9[%dma_start3A_50, %dma_start3A_51] : memref<10112x128xf32, #tpu.memory_space<vmem_shared>> -> memref<10112x128xf32, #tpu.memory_space<vmem_shared>>
        tpu.enqueue_indirect_dma source(%arg8 : memref<100x128xf32, #tpu.memory_space<vmem>>) target(%dma_start3A_52 : memref<10112x128xf32, #tpu.memory_space<vmem_shared>>) offsets(%dma_start3A_49 : memref<100xi32, #tpu.memory_space<vmem>>) semaphore(%run_scoped3A : memref<!tpu.dma_semaphore, #tpu.memory_space<semaphore_mem>>) {add = true}
        %dma_wait3A = arith.constant 0 : i32
        %dma_wait3A_53 = tpu.memref_slice %arg7[%add3A_47, %dma_wait3A] : memref<100x100xi32, #tpu.memory_space<vmem>> -> memref<1x100xi32, #tpu.memory_space<vmem>>
        %dma_wait3A_54 = tpu.memref_squeeze %dma_wait3A_53 : memref<1x100xi32, #tpu.memory_space<vmem>> -> memref<100xi32, #tpu.memory_space<vmem>>
        %dma_wait3A_55 = arith.constant 0 : i32
        %dma_wait3A_56 = arith.constant 0 : i32
        %dma_wait3A_57 = tpu.memref_slice %arg9[%dma_wait3A_55, %dma_wait3A_56] : memref<10112x128xf32, #tpu.memory_space<vmem_shared>> -> memref<10112x128xf32, #tpu.memory_space<vmem_shared>>
        tpu.wait_indirect_dma semaphore(%run_scoped3A : memref<!tpu.dma_semaphore, #tpu.memory_space<semaphore_mem>>) src(%arg8 : memref<100x128xf32, #tpu.memory_space<vmem>>) dst(%dma_wait3A_57 : memref<10112x128xf32, #tpu.memory_space<vmem_shared>>)
        tpu.yield
      }) : () -> ()
    }
    %scan3A_37 = arith.constant 100 : i32
    %barrier3A_38 = arith.constant 0 : index
    tpu.barrier barrier_id(%barrier3A_38)
    %mul3A_39 = arith.constant 632 : i32
    %mul3A_40 = arith.muli %arg1, %mul3A_39 : i32
    %mul3A_41 = arith.constant 632 : i32
    %mul3A_42 = arith.muli %arg1, %mul3A_41 : i32
    "tpu.region"() ({
      %run_scoped3A = tpu.sem_alloc : memref<!tpu.dma_semaphore, #tpu.memory_space<semaphore_mem>>
      %dma_start3A = arith.constant 0 : i32
      %dma_start3A_43 = arith.constant 0 : i32
      %dma_start3A_44 = tpu.memref_slice %arg5[%arg0, %dma_start3A, %dma_start3A_43] : memref<2x10112x128xf32, #tpu.memory_space<hbm>> -> memref<1x10112x128xf32, #tpu.memory_space<hbm>>
      %dma_start3A_45 = tpu.memref_squeeze %dma_start3A_44 : memref<1x10112x128xf32, #tpu.memory_space<hbm>> -> memref<10112x128xf32, #tpu.memory_space<hbm>>
      %dma_start3A_46 = arith.constant 0 : i32
      %dma_start3A_47 = tpu.memref_slice %dma_start3A_45[%mul3A_42, %dma_start3A_46] : memref<10112x128xf32, #tpu.memory_space<hbm>> -> memref<632x128xf32, #tpu.memory_space<hbm>>
      %dma_start3A_48 = arith.constant 0 : i32
      %dma_start3A_49 = tpu.memref_slice %arg9[%mul3A_40, %dma_start3A_48] : memref<10112x128xf32, #tpu.memory_space<vmem_shared>> -> memref<632x128xf32, #tpu.memory_space<vmem_shared>>
      tpu.enqueue_dma source(%dma_start3A_49 : memref<632x128xf32, #tpu.memory_space<vmem_shared>>) target(%dma_start3A_47 : memref<632x128xf32, #tpu.memory_space<hbm>>) target_semaphore(%run_scoped3A : memref<!tpu.dma_semaphore, #tpu.memory_space<semaphore_mem>>)
      %dma_wait3A = arith.constant 0 : i32
      %dma_wait3A_50 = arith.constant 0 : i32
      %dma_wait3A_51 = tpu.memref_slice %arg5[%arg0, %dma_wait3A, %dma_wait3A_50] : memref<2x10112x128xf32, #tpu.memory_space<hbm>> -> memref<1x10112x128xf32, #tpu.memory_space<hbm>>
      %dma_wait3A_52 = tpu.memref_squeeze %dma_wait3A_51 : memref<1x10112x128xf32, #tpu.memory_space<hbm>> -> memref<10112x128xf32, #tpu.memory_space<hbm>>
      %dma_wait3A_53 = arith.constant 0 : i32
      %dma_wait3A_54 = tpu.memref_slice %dma_wait3A_52[%mul3A_42, %dma_wait3A_53] : memref<10112x128xf32, #tpu.memory_space<hbm>> -> memref<632x128xf32, #tpu.memory_space<hbm>>
      %dma_wait3A_55 = arith.constant 0 : i32
      %dma_wait3A_56 = tpu.memref_slice %arg9[%mul3A_40, %dma_wait3A_55] : memref<10112x128xf32, #tpu.memory_space<vmem_shared>> -> memref<632x128xf32, #tpu.memory_space<vmem_shared>>
      tpu.wait_dma2 semaphore(%run_scoped3A : memref<!tpu.dma_semaphore, #tpu.memory_space<semaphore_mem>>) src(%dma_wait3A_56 : memref<632x128xf32, #tpu.memory_space<vmem_shared>>) dst(%dma_wait3A_54 : memref<632x128xf32, #tpu.memory_space<hbm>>)
      tpu.yield
    }) : () -> ()
    return
  }
}

#map = affine_map<(d0, d1) -> (0, 0)>
#map1 = affine_map<(d0, d1) -> (0, 0, 0)>
module attributes {stable_mosaic.version = 14 : i64} {
  func.func @_sc_aggregate(%arg0: i32, %arg1: i32, %arg2: memref<10112x128xf32, #tpu.memory_space<hbm>>, %arg3: memref<32x100x100xi32, #tpu.memory_space<hbm>>, %arg4: memref<32x100x100xi32, #tpu.memory_space<hbm>>, %arg5: memref<2x10112x128xf32, #tpu.memory_space<hbm>>, %arg6: memref<100x100xi32, #tpu.memory_space<vmem>>, %arg7: memref<100x100xi32, #tpu.memory_space<vmem>>, %arg8: memref<100x128xf32, #tpu.memory_space<vmem>>, %arg9: memref<10112x128xf32, #tpu.memory_space<vmem_shared>>) attributes {dimension_semantics = [#tpu.dimension_semantics<core_parallel>, #tpu.dimension_semantics<subcore_parallel>], iteration_bounds = array<i64: 2, 16>, scalar_prefetch = 0 : i64, scratch_operands = 4 : i64, tpu.core_type = #tpu.core_type<sc_vector_subcore>, window_params = [{transform_indices = #map}, {transform_indices = #map1}, {transform_indices = #map1}, {transform_indices = #map1}]} {
    %mul3A = arith.constant 16 : i32
    %mul3A_0 = arith.muli %arg0, %mul3A : i32
    %add3A = arith.addi %mul3A_0, %arg1 : i32
    %scan3A = arith.constant 0 : i32
    %scan3A_1 = arith.constant 100 : i32
    %scan3A_2 = arith.addi %scan3A, %scan3A_1 : i32
    %scan3A_3 = arith.constant 1 : i32
    scf.for %scan3A_43 = %scan3A to %scan3A_2 step %scan3A_3  : i32 {
      %mul3A_44 = arith.constant 1 : i32
      %mul3A_45 = arith.muli %scan3A_43, %mul3A_44 : i32
      %add3A_46 = arith.constant 0 : i32
      %add3A_47 = arith.addi %add3A_46, %mul3A_45 : i32
      %broadcast_in_dim3A = arith.constant 0.000000e+00 : f32
      %broadcast_in_dim3A_48 = vector.broadcast %broadcast_in_dim3A : f32 to vector<16xf32>
      %swap3A = arith.index_cast %add3A_47 : i32 to index
      %swap3A_49 = arith.constant 0 : index
      %swap3A_50 = tpu.vector_load %arg8[%swap3A, %swap3A_49] {strides = array<i32>} : memref<100x128xf32, #tpu.memory_space<vmem>>, vector<1x16xf32>,
      %swap3A_51 = vector.shape_cast %swap3A_50 : vector<1x16xf32> to vector<16xf32>
      %swap3A_52 = vector.shape_cast %broadcast_in_dim3A_48 : vector<16xf32> to vector<1x16xf32>
      tpu.vector_store %arg8[%swap3A, %swap3A_49], %swap3A_52 {strides = array<i32>} : memref<100x128xf32, #tpu.memory_space<vmem>>, vector<1x16xf32>,
      %broadcast_in_dim3A_53 = arith.constant 0.000000e+00 : f32
      %broadcast_in_dim3A_54 = vector.broadcast %broadcast_in_dim3A_53 : f32 to vector<16xf32>
      %swap3A_55 = arith.index_cast %add3A_47 : i32 to index
      %swap3A_56 = arith.constant 16 : index
      %swap3A_57 = tpu.vector_load %arg8[%swap3A_55, %swap3A_56] {strides = array<i32>} : memref<100x128xf32, #tpu.memory_space<vmem>>, vector<1x16xf32>,
      %swap3A_58 = vector.shape_cast %swap3A_57 : vector<1x16xf32> to vector<16xf32>
      %swap3A_59 = vector.shape_cast %broadcast_in_dim3A_54 : vector<16xf32> to vector<1x16xf32>
      tpu.vector_store %arg8[%swap3A_55, %swap3A_56], %swap3A_59 {strides = array<i32>} : memref<100x128xf32, #tpu.memory_space<vmem>>, vector<1x16xf32>,
      %broadcast_in_dim3A_60 = arith.constant 0.000000e+00 : f32
      %broadcast_in_dim3A_61 = vector.broadcast %broadcast_in_dim3A_60 : f32 to vector<16xf32>
      %swap3A_62 = arith.index_cast %add3A_47 : i32 to index
      %swap3A_63 = arith.constant 32 : index
      %swap3A_64 = tpu.vector_load %arg8[%swap3A_62, %swap3A_63] {strides = array<i32>} : memref<100x128xf32, #tpu.memory_space<vmem>>, vector<1x16xf32>,
      %swap3A_65 = vector.shape_cast %swap3A_64 : vector<1x16xf32> to vector<16xf32>
      %swap3A_66 = vector.shape_cast %broadcast_in_dim3A_61 : vector<16xf32> to vector<1x16xf32>
      tpu.vector_store %arg8[%swap3A_62, %swap3A_63], %swap3A_66 {strides = array<i32>} : memref<100x128xf32, #tpu.memory_space<vmem>>, vector<1x16xf32>,
      %broadcast_in_dim3A_67 = arith.constant 0.000000e+00 : f32
      %broadcast_in_dim3A_68 = vector.broadcast %broadcast_in_dim3A_67 : f32 to vector<16xf32>
      %swap3A_69 = arith.index_cast %add3A_47 : i32 to index
      %swap3A_70 = arith.constant 48 : index
      %swap3A_71 = tpu.vector_load %arg8[%swap3A_69, %swap3A_70] {strides = array<i32>} : memref<100x128xf32, #tpu.memory_space<vmem>>, vector<1x16xf32>,
      %swap3A_72 = vector.shape_cast %swap3A_71 : vector<1x16xf32> to vector<16xf32>
      %swap3A_73 = vector.shape_cast %broadcast_in_dim3A_68 : vector<16xf32> to vector<1x16xf32>
      tpu.vector_store %arg8[%swap3A_69, %swap3A_70], %swap3A_73 {strides = array<i32>} : memref<100x128xf32, #tpu.memory_space<vmem>>, vector<1x16xf32>,
      %broadcast_in_dim3A_74 = arith.constant 0.000000e+00 : f32
      %broadcast_in_dim3A_75 = vector.broadcast %broadcast_in_dim3A_74 : f32 to vector<16xf32>
      %swap3A_76 = arith.index_cast %add3A_47 : i32 to index
      %swap3A_77 = arith.constant 64 : index
      %swap3A_78 = tpu.vector_load %arg8[%swap3A_76, %swap3A_77] {strides = array<i32>} : memref<100x128xf32, #tpu.memory_space<vmem>>, vector<1x16xf32>,
      %swap3A_79 = vector.shape_cast %swap3A_78 : vector<1x16xf32> to vector<16xf32>
      %swap3A_80 = vector.shape_cast %broadcast_in_dim3A_75 : vector<16xf32> to vector<1x16xf32>
      tpu.vector_store %arg8[%swap3A_76, %swap3A_77], %swap3A_80 {strides = array<i32>} : memref<100x128xf32, #tpu.memory_space<vmem>>, vector<1x16xf32>,
      %broadcast_in_dim3A_81 = arith.constant 0.000000e+00 : f32
      %broadcast_in_dim3A_82 = vector.broadcast %broadcast_in_dim3A_81 : f32 to vector<16xf32>
      %swap3A_83 = arith.index_cast %add3A_47 : i32 to index
      %swap3A_84 = arith.constant 80 : index
      %swap3A_85 = tpu.vector_load %arg8[%swap3A_83, %swap3A_84] {strides = array<i32>} : memref<100x128xf32, #tpu.memory_space<vmem>>, vector<1x16xf32>,
      %swap3A_86 = vector.shape_cast %swap3A_85 : vector<1x16xf32> to vector<16xf32>
      %swap3A_87 = vector.shape_cast %broadcast_in_dim3A_82 : vector<16xf32> to vector<1x16xf32>
      tpu.vector_store %arg8[%swap3A_83, %swap3A_84], %swap3A_87 {strides = array<i32>} : memref<100x128xf32, #tpu.memory_space<vmem>>, vector<1x16xf32>,
      %broadcast_in_dim3A_88 = arith.constant 0.000000e+00 : f32
      %broadcast_in_dim3A_89 = vector.broadcast %broadcast_in_dim3A_88 : f32 to vector<16xf32>
      %swap3A_90 = arith.index_cast %add3A_47 : i32 to index
      %swap3A_91 = arith.constant 96 : index
      %swap3A_92 = tpu.vector_load %arg8[%swap3A_90, %swap3A_91] {strides = array<i32>} : memref<100x128xf32, #tpu.memory_space<vmem>>, vector<1x16xf32>,
      %swap3A_93 = vector.shape_cast %swap3A_92 : vector<1x16xf32> to vector<16xf32>
      %swap3A_94 = vector.shape_cast %broadcast_in_dim3A_89 : vector<16xf32> to vector<1x16xf32>
      tpu.vector_store %arg8[%swap3A_90, %swap3A_91], %swap3A_94 {strides = array<i32>} : memref<100x128xf32, #tpu.memory_space<vmem>>, vector<1x16xf32>,
      %broadcast_in_dim3A_95 = arith.constant 0.000000e+00 : f32
      %broadcast_in_dim3A_96 = vector.broadcast %broadcast_in_dim3A_95 : f32 to vector<16xf32>
      %swap3A_97 = arith.index_cast %add3A_47 : i32 to index
      %swap3A_98 = arith.constant 112 : index
      %swap3A_99 = tpu.vector_load %arg8[%swap3A_97, %swap3A_98] {strides = array<i32>} : memref<100x128xf32, #tpu.memory_space<vmem>>, vector<1x16xf32>,
      %swap3A_100 = vector.shape_cast %swap3A_99 : vector<1x16xf32> to vector<16xf32>
      %swap3A_101 = vector.shape_cast %broadcast_in_dim3A_96 : vector<16xf32> to vector<1x16xf32>
      tpu.vector_store %arg8[%swap3A_97, %swap3A_98], %swap3A_101 {strides = array<i32>} : memref<100x128xf32, #tpu.memory_space<vmem>>, vector<1x16xf32>,
    }
    %scan3A_4 = arith.constant 100 : i32
    %mul3A_5 = arith.constant 632 : i32
    %mul3A_6 = arith.muli %arg1, %mul3A_5 : i32
    %add3A_7 = arith.constant 0 : i32
    %add3A_8 = arith.addi %mul3A_6, %add3A_7 : i32
    "tpu.region"() ({
      %run_scoped3A = tpu.sem_alloc : memref<!tpu.dma_semaphore, #tpu.memory_space<semaphore_mem>>
      %dma_start3A = arith.constant 0 : i32
      %dma_start3A_43 = arith.constant 0 : i32
      %dma_start3A_44 = tpu.memref_slice %arg8[%dma_start3A, %dma_start3A_43] : memref<100x128xf32, #tpu.memory_space<vmem>> -> memref<100x128xf32, #tpu.memory_space<vmem>>
      %dma_start3A_45 = arith.constant 0 : i32
      %dma_start3A_46 = tpu.memref_slice %arg9[%add3A_8, %dma_start3A_45] : memref<10112x128xf32, #tpu.memory_space<vmem_shared>> -> memref<100x128xf32, #tpu.memory_space<vmem_shared>>
      %dma_start3A_47 = arith.constant 0 : i32
      %dma_start3A_48 = tpu.memref_slice %arg9[%add3A_8, %dma_start3A_47] : memref<10112x128xf32, #tpu.memory_space<vmem_shared>> -> memref<100x128xf32, #tpu.memory_space<vmem_shared>>
      %dma_start3A_49 = arith.constant 0 : i32
      %dma_start3A_50 = arith.constant 0 : i32
      %dma_start3A_51 = tpu.memref_slice %arg8[%dma_start3A_49, %dma_start3A_50] : memref<100x128xf32, #tpu.memory_space<vmem>> -> memref<100x128xf32, #tpu.memory_space<vmem>>
      tpu.enqueue_dma source(%dma_start3A_51 : memref<100x128xf32, #tpu.memory_space<vmem>>) target(%dma_start3A_48 : memref<100x128xf32, #tpu.memory_space<vmem_shared>>) target_semaphore(%run_scoped3A : memref<!tpu.dma_semaphore, #tpu.memory_space<semaphore_mem>>)
      %dma_wait3A = arith.constant 0 : i32
      %dma_wait3A_52 = arith.constant 0 : i32
      %dma_wait3A_53 = tpu.memref_slice %arg8[%dma_wait3A, %dma_wait3A_52] : memref<100x128xf32, #tpu.memory_space<vmem>> -> memref<100x128xf32, #tpu.memory_space<vmem>>
      %dma_wait3A_54 = arith.constant 0 : i32
      %dma_wait3A_55 = tpu.memref_slice %arg9[%add3A_8, %dma_wait3A_54] : memref<10112x128xf32, #tpu.memory_space<vmem_shared>> -> memref<100x128xf32, #tpu.memory_space<vmem_shared>>
      %dma_wait3A_56 = arith.constant 0 : i32
      %dma_wait3A_57 = tpu.memref_slice %arg9[%add3A_8, %dma_wait3A_56] : memref<10112x128xf32, #tpu.memory_space<vmem_shared>> -> memref<100x128xf32, #tpu.memory_space<vmem_shared>>
      %dma_wait3A_58 = arith.constant 0 : i32
      %dma_wait3A_59 = arith.constant 0 : i32
      %dma_wait3A_60 = tpu.memref_slice %arg8[%dma_wait3A_58, %dma_wait3A_59] : memref<100x128xf32, #tpu.memory_space<vmem>> -> memref<100x128xf32, #tpu.memory_space<vmem>>
      tpu.wait_dma2 semaphore(%run_scoped3A : memref<!tpu.dma_semaphore, #tpu.memory_space<semaphore_mem>>) src(%dma_wait3A_60 : memref<100x128xf32, #tpu.memory_space<vmem>>) dst(%dma_wait3A_57 : memref<100x128xf32, #tpu.memory_space<vmem_shared>>)
      tpu.yield
    }) : () -> ()
    %mul3A_9 = arith.constant 632 : i32
    %mul3A_10 = arith.muli %arg1, %mul3A_9 : i32
    %add3A_11 = arith.constant 100 : i32
    %add3A_12 = arith.addi %mul3A_10, %add3A_11 : i32
    "tpu.region"() ({
      %run_scoped3A = tpu.sem_alloc : memref<!tpu.dma_semaphore, #tpu.memory_space<semaphore_mem>>
      %dma_start3A = arith.constant 0 : i32
      %dma_start3A_43 = arith.constant 0 : i32
      %dma_start3A_44 = tpu.memref_slice %arg8[%dma_start3A, %dma_start3A_43] : memref<100x128xf32, #tpu.memory_space<vmem>> -> memref<100x128xf32, #tpu.memory_space<vmem>>
      %dma_start3A_45 = arith.constant 0 : i32
      %dma_start3A_46 = tpu.memref_slice %arg9[%add3A_12, %dma_start3A_45] : memref<10112x128xf32, #tpu.memory_space<vmem_shared>> -> memref<100x128xf32, #tpu.memory_space<vmem_shared>>
      %dma_start3A_47 = arith.constant 0 : i32
      %dma_start3A_48 = tpu.memref_slice %arg9[%add3A_12, %dma_start3A_47] : memref<10112x128xf32, #tpu.memory_space<vmem_shared>> -> memref<100x128xf32, #tpu.memory_space<vmem_shared>>
      %dma_start3A_49 = arith.constant 0 : i32
      %dma_start3A_50 = arith.constant 0 : i32
      %dma_start3A_51 = tpu.memref_slice %arg8[%dma_start3A_49, %dma_start3A_50] : memref<100x128xf32, #tpu.memory_space<vmem>> -> memref<100x128xf32, #tpu.memory_space<vmem>>
      tpu.enqueue_dma source(%dma_start3A_51 : memref<100x128xf32, #tpu.memory_space<vmem>>) target(%dma_start3A_48 : memref<100x128xf32, #tpu.memory_space<vmem_shared>>) target_semaphore(%run_scoped3A : memref<!tpu.dma_semaphore, #tpu.memory_space<semaphore_mem>>)
      %dma_wait3A = arith.constant 0 : i32
      %dma_wait3A_52 = arith.constant 0 : i32
      %dma_wait3A_53 = tpu.memref_slice %arg8[%dma_wait3A, %dma_wait3A_52] : memref<100x128xf32, #tpu.memory_space<vmem>> -> memref<100x128xf32, #tpu.memory_space<vmem>>
      %dma_wait3A_54 = arith.constant 0 : i32
      %dma_wait3A_55 = tpu.memref_slice %arg9[%add3A_12, %dma_wait3A_54] : memref<10112x128xf32, #tpu.memory_space<vmem_shared>> -> memref<100x128xf32, #tpu.memory_space<vmem_shared>>
      %dma_wait3A_56 = arith.constant 0 : i32
      %dma_wait3A_57 = tpu.memref_slice %arg9[%add3A_12, %dma_wait3A_56] : memref<10112x128xf32, #tpu.memory_space<vmem_shared>> -> memref<100x128xf32, #tpu.memory_space<vmem_shared>>
      %dma_wait3A_58 = arith.constant 0 : i32
      %dma_wait3A_59 = arith.constant 0 : i32
      %dma_wait3A_60 = tpu.memref_slice %arg8[%dma_wait3A_58, %dma_wait3A_59] : memref<100x128xf32, #tpu.memory_space<vmem>> -> memref<100x128xf32, #tpu.memory_space<vmem>>
      tpu.wait_dma2 semaphore(%run_scoped3A : memref<!tpu.dma_semaphore, #tpu.memory_space<semaphore_mem>>) src(%dma_wait3A_60 : memref<100x128xf32, #tpu.memory_space<vmem>>) dst(%dma_wait3A_57 : memref<100x128xf32, #tpu.memory_space<vmem_shared>>)
      tpu.yield
    }) : () -> ()
    %mul3A_13 = arith.constant 632 : i32
    %mul3A_14 = arith.muli %arg1, %mul3A_13 : i32
    %add3A_15 = arith.constant 200 : i32
    %add3A_16 = arith.addi %mul3A_14, %add3A_15 : i32
    "tpu.region"() ({
      %run_scoped3A = tpu.sem_alloc : memref<!tpu.dma_semaphore, #tpu.memory_space<semaphore_mem>>
      %dma_start3A = arith.constant 0 : i32
      %dma_start3A_43 = arith.constant 0 : i32
      %dma_start3A_44 = tpu.memref_slice %arg8[%dma_start3A, %dma_start3A_43] : memref<100x128xf32, #tpu.memory_space<vmem>> -> memref<100x128xf32, #tpu.memory_space<vmem>>
      %dma_start3A_45 = arith.constant 0 : i32
      %dma_start3A_46 = tpu.memref_slice %arg9[%add3A_16, %dma_start3A_45] : memref<10112x128xf32, #tpu.memory_space<vmem_shared>> -> memref<100x128xf32, #tpu.memory_space<vmem_shared>>
      %dma_start3A_47 = arith.constant 0 : i32
      %dma_start3A_48 = tpu.memref_slice %arg9[%add3A_16, %dma_start3A_47] : memref<10112x128xf32, #tpu.memory_space<vmem_shared>> -> memref<100x128xf32, #tpu.memory_space<vmem_shared>>
      %dma_start3A_49 = arith.constant 0 : i32
      %dma_start3A_50 = arith.constant 0 : i32
      %dma_start3A_51 = tpu.memref_slice %arg8[%dma_start3A_49, %dma_start3A_50] : memref<100x128xf32, #tpu.memory_space<vmem>> -> memref<100x128xf32, #tpu.memory_space<vmem>>
      tpu.enqueue_dma source(%dma_start3A_51 : memref<100x128xf32, #tpu.memory_space<vmem>>) target(%dma_start3A_48 : memref<100x128xf32, #tpu.memory_space<vmem_shared>>) target_semaphore(%run_scoped3A : memref<!tpu.dma_semaphore, #tpu.memory_space<semaphore_mem>>)
      %dma_wait3A = arith.constant 0 : i32
      %dma_wait3A_52 = arith.constant 0 : i32
      %dma_wait3A_53 = tpu.memref_slice %arg8[%dma_wait3A, %dma_wait3A_52] : memref<100x128xf32, #tpu.memory_space<vmem>> -> memref<100x128xf32, #tpu.memory_space<vmem>>
      %dma_wait3A_54 = arith.constant 0 : i32
      %dma_wait3A_55 = tpu.memref_slice %arg9[%add3A_16, %dma_wait3A_54] : memref<10112x128xf32, #tpu.memory_space<vmem_shared>> -> memref<100x128xf32, #tpu.memory_space<vmem_shared>>
      %dma_wait3A_56 = arith.constant 0 : i32
      %dma_wait3A_57 = tpu.memref_slice %arg9[%add3A_16, %dma_wait3A_56] : memref<10112x128xf32, #tpu.memory_space<vmem_shared>> -> memref<100x128xf32, #tpu.memory_space<vmem_shared>>
      %dma_wait3A_58 = arith.constant 0 : i32
      %dma_wait3A_59 = arith.constant 0 : i32
      %dma_wait3A_60 = tpu.memref_slice %arg8[%dma_wait3A_58, %dma_wait3A_59] : memref<100x128xf32, #tpu.memory_space<vmem>> -> memref<100x128xf32, #tpu.memory_space<vmem>>
      tpu.wait_dma2 semaphore(%run_scoped3A : memref<!tpu.dma_semaphore, #tpu.memory_space<semaphore_mem>>) src(%dma_wait3A_60 : memref<100x128xf32, #tpu.memory_space<vmem>>) dst(%dma_wait3A_57 : memref<100x128xf32, #tpu.memory_space<vmem_shared>>)
      tpu.yield
    }) : () -> ()
    %mul3A_17 = arith.constant 632 : i32
    %mul3A_18 = arith.muli %arg1, %mul3A_17 : i32
    %add3A_19 = arith.constant 300 : i32
    %add3A_20 = arith.addi %mul3A_18, %add3A_19 : i32
    "tpu.region"() ({
      %run_scoped3A = tpu.sem_alloc : memref<!tpu.dma_semaphore, #tpu.memory_space<semaphore_mem>>
      %dma_start3A = arith.constant 0 : i32
      %dma_start3A_43 = arith.constant 0 : i32
      %dma_start3A_44 = tpu.memref_slice %arg8[%dma_start3A, %dma_start3A_43] : memref<100x128xf32, #tpu.memory_space<vmem>> -> memref<100x128xf32, #tpu.memory_space<vmem>>
      %dma_start3A_45 = arith.constant 0 : i32
      %dma_start3A_46 = tpu.memref_slice %arg9[%add3A_20, %dma_start3A_45] : memref<10112x128xf32, #tpu.memory_space<vmem_shared>> -> memref<100x128xf32, #tpu.memory_space<vmem_shared>>
      %dma_start3A_47 = arith.constant 0 : i32
      %dma_start3A_48 = tpu.memref_slice %arg9[%add3A_20, %dma_start3A_47] : memref<10112x128xf32, #tpu.memory_space<vmem_shared>> -> memref<100x128xf32, #tpu.memory_space<vmem_shared>>
      %dma_start3A_49 = arith.constant 0 : i32
      %dma_start3A_50 = arith.constant 0 : i32
      %dma_start3A_51 = tpu.memref_slice %arg8[%dma_start3A_49, %dma_start3A_50] : memref<100x128xf32, #tpu.memory_space<vmem>> -> memref<100x128xf32, #tpu.memory_space<vmem>>
      tpu.enqueue_dma source(%dma_start3A_51 : memref<100x128xf32, #tpu.memory_space<vmem>>) target(%dma_start3A_48 : memref<100x128xf32, #tpu.memory_space<vmem_shared>>) target_semaphore(%run_scoped3A : memref<!tpu.dma_semaphore, #tpu.memory_space<semaphore_mem>>)
      %dma_wait3A = arith.constant 0 : i32
      %dma_wait3A_52 = arith.constant 0 : i32
      %dma_wait3A_53 = tpu.memref_slice %arg8[%dma_wait3A, %dma_wait3A_52] : memref<100x128xf32, #tpu.memory_space<vmem>> -> memref<100x128xf32, #tpu.memory_space<vmem>>
      %dma_wait3A_54 = arith.constant 0 : i32
      %dma_wait3A_55 = tpu.memref_slice %arg9[%add3A_20, %dma_wait3A_54] : memref<10112x128xf32, #tpu.memory_space<vmem_shared>> -> memref<100x128xf32, #tpu.memory_space<vmem_shared>>
      %dma_wait3A_56 = arith.constant 0 : i32
      %dma_wait3A_57 = tpu.memref_slice %arg9[%add3A_20, %dma_wait3A_56] : memref<10112x128xf32, #tpu.memory_space<vmem_shared>> -> memref<100x128xf32, #tpu.memory_space<vmem_shared>>
      %dma_wait3A_58 = arith.constant 0 : i32
      %dma_wait3A_59 = arith.constant 0 : i32
      %dma_wait3A_60 = tpu.memref_slice %arg8[%dma_wait3A_58, %dma_wait3A_59] : memref<100x128xf32, #tpu.memory_space<vmem>> -> memref<100x128xf32, #tpu.memory_space<vmem>>
      tpu.wait_dma2 semaphore(%run_scoped3A : memref<!tpu.dma_semaphore, #tpu.memory_space<semaphore_mem>>) src(%dma_wait3A_60 : memref<100x128xf32, #tpu.memory_space<vmem>>) dst(%dma_wait3A_57 : memref<100x128xf32, #tpu.memory_space<vmem_shared>>)
      tpu.yield
    }) : () -> ()
    %mul3A_21 = arith.constant 632 : i32
    %mul3A_22 = arith.muli %arg1, %mul3A_21 : i32
    %add3A_23 = arith.constant 400 : i32
    %add3A_24 = arith.addi %mul3A_22, %add3A_23 : i32
    "tpu.region"() ({
      %run_scoped3A = tpu.sem_alloc : memref<!tpu.dma_semaphore, #tpu.memory_space<semaphore_mem>>
      %dma_start3A = arith.constant 0 : i32
      %dma_start3A_43 = arith.constant 0 : i32
      %dma_start3A_44 = tpu.memref_slice %arg8[%dma_start3A, %dma_start3A_43] : memref<100x128xf32, #tpu.memory_space<vmem>> -> memref<100x128xf32, #tpu.memory_space<vmem>>
      %dma_start3A_45 = arith.constant 0 : i32
      %dma_start3A_46 = tpu.memref_slice %arg9[%add3A_24, %dma_start3A_45] : memref<10112x128xf32, #tpu.memory_space<vmem_shared>> -> memref<100x128xf32, #tpu.memory_space<vmem_shared>>
      %dma_start3A_47 = arith.constant 0 : i32
      %dma_start3A_48 = tpu.memref_slice %arg9[%add3A_24, %dma_start3A_47] : memref<10112x128xf32, #tpu.memory_space<vmem_shared>> -> memref<100x128xf32, #tpu.memory_space<vmem_shared>>
      %dma_start3A_49 = arith.constant 0 : i32
      %dma_start3A_50 = arith.constant 0 : i32
      %dma_start3A_51 = tpu.memref_slice %arg8[%dma_start3A_49, %dma_start3A_50] : memref<100x128xf32, #tpu.memory_space<vmem>> -> memref<100x128xf32, #tpu.memory_space<vmem>>
      tpu.enqueue_dma source(%dma_start3A_51 : memref<100x128xf32, #tpu.memory_space<vmem>>) target(%dma_start3A_48 : memref<100x128xf32, #tpu.memory_space<vmem_shared>>) target_semaphore(%run_scoped3A : memref<!tpu.dma_semaphore, #tpu.memory_space<semaphore_mem>>)
      %dma_wait3A = arith.constant 0 : i32
      %dma_wait3A_52 = arith.constant 0 : i32
      %dma_wait3A_53 = tpu.memref_slice %arg8[%dma_wait3A, %dma_wait3A_52] : memref<100x128xf32, #tpu.memory_space<vmem>> -> memref<100x128xf32, #tpu.memory_space<vmem>>
      %dma_wait3A_54 = arith.constant 0 : i32
      %dma_wait3A_55 = tpu.memref_slice %arg9[%add3A_24, %dma_wait3A_54] : memref<10112x128xf32, #tpu.memory_space<vmem_shared>> -> memref<100x128xf32, #tpu.memory_space<vmem_shared>>
      %dma_wait3A_56 = arith.constant 0 : i32
      %dma_wait3A_57 = tpu.memref_slice %arg9[%add3A_24, %dma_wait3A_56] : memref<10112x128xf32, #tpu.memory_space<vmem_shared>> -> memref<100x128xf32, #tpu.memory_space<vmem_shared>>
      %dma_wait3A_58 = arith.constant 0 : i32
      %dma_wait3A_59 = arith.constant 0 : i32
      %dma_wait3A_60 = tpu.memref_slice %arg8[%dma_wait3A_58, %dma_wait3A_59] : memref<100x128xf32, #tpu.memory_space<vmem>> -> memref<100x128xf32, #tpu.memory_space<vmem>>
      tpu.wait_dma2 semaphore(%run_scoped3A : memref<!tpu.dma_semaphore, #tpu.memory_space<semaphore_mem>>) src(%dma_wait3A_60 : memref<100x128xf32, #tpu.memory_space<vmem>>) dst(%dma_wait3A_57 : memref<100x128xf32, #tpu.memory_space<vmem_shared>>)
      tpu.yield
    }) : () -> ()
    %mul3A_25 = arith.constant 632 : i32
    %mul3A_26 = arith.muli %arg1, %mul3A_25 : i32
    %add3A_27 = arith.constant 500 : i32
    %add3A_28 = arith.addi %mul3A_26, %add3A_27 : i32
    "tpu.region"() ({
      %run_scoped3A = tpu.sem_alloc : memref<!tpu.dma_semaphore, #tpu.memory_space<semaphore_mem>>
      %dma_start3A = arith.constant 0 : i32
      %dma_start3A_43 = arith.constant 0 : i32
      %dma_start3A_44 = tpu.memref_slice %arg8[%dma_start3A, %dma_start3A_43] : memref<100x128xf32, #tpu.memory_space<vmem>> -> memref<100x128xf32, #tpu.memory_space<vmem>>
      %dma_start3A_45 = arith.constant 0 : i32
      %dma_start3A_46 = tpu.memref_slice %arg9[%add3A_28, %dma_start3A_45] : memref<10112x128xf32, #tpu.memory_space<vmem_shared>> -> memref<100x128xf32, #tpu.memory_space<vmem_shared>>
      %dma_start3A_47 = arith.constant 0 : i32
      %dma_start3A_48 = tpu.memref_slice %arg9[%add3A_28, %dma_start3A_47] : memref<10112x128xf32, #tpu.memory_space<vmem_shared>> -> memref<100x128xf32, #tpu.memory_space<vmem_shared>>
      %dma_start3A_49 = arith.constant 0 : i32
      %dma_start3A_50 = arith.constant 0 : i32
      %dma_start3A_51 = tpu.memref_slice %arg8[%dma_start3A_49, %dma_start3A_50] : memref<100x128xf32, #tpu.memory_space<vmem>> -> memref<100x128xf32, #tpu.memory_space<vmem>>
      tpu.enqueue_dma source(%dma_start3A_51 : memref<100x128xf32, #tpu.memory_space<vmem>>) target(%dma_start3A_48 : memref<100x128xf32, #tpu.memory_space<vmem_shared>>) target_semaphore(%run_scoped3A : memref<!tpu.dma_semaphore, #tpu.memory_space<semaphore_mem>>)
      %dma_wait3A = arith.constant 0 : i32
      %dma_wait3A_52 = arith.constant 0 : i32
      %dma_wait3A_53 = tpu.memref_slice %arg8[%dma_wait3A, %dma_wait3A_52] : memref<100x128xf32, #tpu.memory_space<vmem>> -> memref<100x128xf32, #tpu.memory_space<vmem>>
      %dma_wait3A_54 = arith.constant 0 : i32
      %dma_wait3A_55 = tpu.memref_slice %arg9[%add3A_28, %dma_wait3A_54] : memref<10112x128xf32, #tpu.memory_space<vmem_shared>> -> memref<100x128xf32, #tpu.memory_space<vmem_shared>>
      %dma_wait3A_56 = arith.constant 0 : i32
      %dma_wait3A_57 = tpu.memref_slice %arg9[%add3A_28, %dma_wait3A_56] : memref<10112x128xf32, #tpu.memory_space<vmem_shared>> -> memref<100x128xf32, #tpu.memory_space<vmem_shared>>
      %dma_wait3A_58 = arith.constant 0 : i32
      %dma_wait3A_59 = arith.constant 0 : i32
      %dma_wait3A_60 = tpu.memref_slice %arg8[%dma_wait3A_58, %dma_wait3A_59] : memref<100x128xf32, #tpu.memory_space<vmem>> -> memref<100x128xf32, #tpu.memory_space<vmem>>
      tpu.wait_dma2 semaphore(%run_scoped3A : memref<!tpu.dma_semaphore, #tpu.memory_space<semaphore_mem>>) src(%dma_wait3A_60 : memref<100x128xf32, #tpu.memory_space<vmem>>) dst(%dma_wait3A_57 : memref<100x128xf32, #tpu.memory_space<vmem_shared>>)
      tpu.yield
    }) : () -> ()
    %mul3A_29 = arith.constant 632 : i32
    %mul3A_30 = arith.muli %arg1, %mul3A_29 : i32
    %add3A_31 = arith.constant 600 : i32
    %add3A_32 = arith.addi %mul3A_30, %add3A_31 : i32
    "tpu.region"() ({
      %run_scoped3A = tpu.sem_alloc : memref<!tpu.dma_semaphore, #tpu.memory_space<semaphore_mem>>
      %dma_start3A = arith.constant 0 : i32
      %dma_start3A_43 = arith.constant 0 : i32
      %dma_start3A_44 = tpu.memref_slice %arg8[%dma_start3A, %dma_start3A_43] : memref<100x128xf32, #tpu.memory_space<vmem>> -> memref<32x128xf32, #tpu.memory_space<vmem>>
      %dma_start3A_45 = arith.constant 0 : i32
      %dma_start3A_46 = tpu.memref_slice %arg9[%add3A_32, %dma_start3A_45] : memref<10112x128xf32, #tpu.memory_space<vmem_shared>> -> memref<32x128xf32, #tpu.memory_space<vmem_shared>>
      %dma_start3A_47 = arith.constant 0 : i32
      %dma_start3A_48 = tpu.memref_slice %arg9[%add3A_32, %dma_start3A_47] : memref<10112x128xf32, #tpu.memory_space<vmem_shared>> -> memref<32x128xf32, #tpu.memory_space<vmem_shared>>
      %dma_start3A_49 = arith.constant 0 : i32
      %dma_start3A_50 = arith.constant 0 : i32
      %dma_start3A_51 = tpu.memref_slice %arg8[%dma_start3A_49, %dma_start3A_50] : memref<100x128xf32, #tpu.memory_space<vmem>> -> memref<32x128xf32, #tpu.memory_space<vmem>>
      tpu.enqueue_dma source(%dma_start3A_51 : memref<32x128xf32, #tpu.memory_space<vmem>>) target(%dma_start3A_48 : memref<32x128xf32, #tpu.memory_space<vmem_shared>>) target_semaphore(%run_scoped3A : memref<!tpu.dma_semaphore, #tpu.memory_space<semaphore_mem>>)
      %dma_wait3A = arith.constant 0 : i32
      %dma_wait3A_52 = arith.constant 0 : i32
      %dma_wait3A_53 = tpu.memref_slice %arg8[%dma_wait3A, %dma_wait3A_52] : memref<100x128xf32, #tpu.memory_space<vmem>> -> memref<32x128xf32, #tpu.memory_space<vmem>>
      %dma_wait3A_54 = arith.constant 0 : i32
      %dma_wait3A_55 = tpu.memref_slice %arg9[%add3A_32, %dma_wait3A_54] : memref<10112x128xf32, #tpu.memory_space<vmem_shared>> -> memref<32x128xf32, #tpu.memory_space<vmem_shared>>
      %dma_wait3A_56 = arith.constant 0 : i32
      %dma_wait3A_57 = tpu.memref_slice %arg9[%add3A_32, %dma_wait3A_56] : memref<10112x128xf32, #tpu.memory_space<vmem_shared>> -> memref<32x128xf32, #tpu.memory_space<vmem_shared>>
      %dma_wait3A_58 = arith.constant 0 : i32
      %dma_wait3A_59 = arith.constant 0 : i32
      %dma_wait3A_60 = tpu.memref_slice %arg8[%dma_wait3A_58, %dma_wait3A_59] : memref<100x128xf32, #tpu.memory_space<vmem>> -> memref<32x128xf32, #tpu.memory_space<vmem>>
      tpu.wait_dma2 semaphore(%run_scoped3A : memref<!tpu.dma_semaphore, #tpu.memory_space<semaphore_mem>>) src(%dma_wait3A_60 : memref<32x128xf32, #tpu.memory_space<vmem>>) dst(%dma_wait3A_57 : memref<32x128xf32, #tpu.memory_space<vmem_shared>>)
      tpu.yield
    }) : () -> ()
    "tpu.region"() ({
      %run_scoped3A = tpu.sem_alloc : memref<!tpu.dma_semaphore, #tpu.memory_space<semaphore_mem>>
      %dma_start3A = arith.constant 0 : i32
      %dma_start3A_43 = arith.constant 0 : i32
      %dma_start3A_44 = tpu.memref_slice %arg3[%add3A, %dma_start3A, %dma_start3A_43] : memref<32x100x100xi32, #tpu.memory_space<hbm>> -> memref<1x100x100xi32, #tpu.memory_space<hbm>>
      %dma_start3A_45 = tpu.memref_squeeze %dma_start3A_44 : memref<1x100x100xi32, #tpu.memory_space<hbm>> -> memref<100x100xi32, #tpu.memory_space<hbm>>
      %dma_start3A_46 = arith.constant 0 : i32
      %dma_start3A_47 = arith.constant 0 : i32
      %dma_start3A_48 = tpu.memref_slice %arg3[%add3A, %dma_start3A_46, %dma_start3A_47] : memref<32x100x100xi32, #tpu.memory_space<hbm>> -> memref<1x100x100xi32, #tpu.memory_space<hbm>>
      %dma_start3A_49 = tpu.memref_squeeze %dma_start3A_48 : memref<1x100x100xi32, #tpu.memory_space<hbm>> -> memref<100x100xi32, #tpu.memory_space<hbm>>
      tpu.enqueue_dma source(%dma_start3A_49 : memref<100x100xi32, #tpu.memory_space<hbm>>) target(%arg6 : memref<100x100xi32, #tpu.memory_space<vmem>>) target_semaphore(%run_scoped3A : memref<!tpu.dma_semaphore, #tpu.memory_space<semaphore_mem>>)
      %dma_wait3A = arith.constant 0 : i32
      %dma_wait3A_50 = arith.constant 0 : i32
      %dma_wait3A_51 = tpu.memref_slice %arg3[%add3A, %dma_wait3A, %dma_wait3A_50] : memref<32x100x100xi32, #tpu.memory_space<hbm>> -> memref<1x100x100xi32, #tpu.memory_space<hbm>>
      %dma_wait3A_52 = tpu.memref_squeeze %dma_wait3A_51 : memref<1x100x100xi32, #tpu.memory_space<hbm>> -> memref<100x100xi32, #tpu.memory_space<hbm>>
      %dma_wait3A_53 = arith.constant 0 : i32
      %dma_wait3A_54 = arith.constant 0 : i32
      %dma_wait3A_55 = tpu.memref_slice %arg3[%add3A, %dma_wait3A_53, %dma_wait3A_54] : memref<32x100x100xi32, #tpu.memory_space<hbm>> -> memref<1x100x100xi32, #tpu.memory_space<hbm>>
      %dma_wait3A_56 = tpu.memref_squeeze %dma_wait3A_55 : memref<1x100x100xi32, #tpu.memory_space<hbm>> -> memref<100x100xi32, #tpu.memory_space<hbm>>
      tpu.wait_dma2 semaphore(%run_scoped3A : memref<!tpu.dma_semaphore, #tpu.memory_space<semaphore_mem>>) src(%dma_wait3A_56 : memref<100x100xi32, #tpu.memory_space<hbm>>) dst(%arg6 : memref<100x100xi32, #tpu.memory_space<vmem>>)
      tpu.yield
    }) : () -> ()
    "tpu.region"() ({
      %run_scoped3A = tpu.sem_alloc : memref<!tpu.dma_semaphore, #tpu.memory_space<semaphore_mem>>
      %dma_start3A = arith.constant 0 : i32
      %dma_start3A_43 = arith.constant 0 : i32
      %dma_start3A_44 = tpu.memref_slice %arg4[%add3A, %dma_start3A, %dma_start3A_43] : memref<32x100x100xi32, #tpu.memory_space<hbm>> -> memref<1x100x100xi32, #tpu.memory_space<hbm>>
      %dma_start3A_45 = tpu.memref_squeeze %dma_start3A_44 : memref<1x100x100xi32, #tpu.memory_space<hbm>> -> memref<100x100xi32, #tpu.memory_space<hbm>>
      %dma_start3A_46 = arith.constant 0 : i32
      %dma_start3A_47 = arith.constant 0 : i32
      %dma_start3A_48 = tpu.memref_slice %arg4[%add3A, %dma_start3A_46, %dma_start3A_47] : memref<32x100x100xi32, #tpu.memory_space<hbm>> -> memref<1x100x100xi32, #tpu.memory_space<hbm>>
      %dma_start3A_49 = tpu.memref_squeeze %dma_start3A_48 : memref<1x100x100xi32, #tpu.memory_space<hbm>> -> memref<100x100xi32, #tpu.memory_space<hbm>>
      tpu.enqueue_dma source(%dma_start3A_49 : memref<100x100xi32, #tpu.memory_space<hbm>>) target(%arg7 : memref<100x100xi32, #tpu.memory_space<vmem>>) target_semaphore(%run_scoped3A : memref<!tpu.dma_semaphore, #tpu.memory_space<semaphore_mem>>)
      %dma_wait3A = arith.constant 0 : i32
      %dma_wait3A_50 = arith.constant 0 : i32
      %dma_wait3A_51 = tpu.memref_slice %arg4[%add3A, %dma_wait3A, %dma_wait3A_50] : memref<32x100x100xi32, #tpu.memory_space<hbm>> -> memref<1x100x100xi32, #tpu.memory_space<hbm>>
      %dma_wait3A_52 = tpu.memref_squeeze %dma_wait3A_51 : memref<1x100x100xi32, #tpu.memory_space<hbm>> -> memref<100x100xi32, #tpu.memory_space<hbm>>
      %dma_wait3A_53 = arith.constant 0 : i32
      %dma_wait3A_54 = arith.constant 0 : i32
      %dma_wait3A_55 = tpu.memref_slice %arg4[%add3A, %dma_wait3A_53, %dma_wait3A_54] : memref<32x100x100xi32, #tpu.memory_space<hbm>> -> memref<1x100x100xi32, #tpu.memory_space<hbm>>
      %dma_wait3A_56 = tpu.memref_squeeze %dma_wait3A_55 : memref<1x100x100xi32, #tpu.memory_space<hbm>> -> memref<100x100xi32, #tpu.memory_space<hbm>>
      tpu.wait_dma2 semaphore(%run_scoped3A : memref<!tpu.dma_semaphore, #tpu.memory_space<semaphore_mem>>) src(%dma_wait3A_56 : memref<100x100xi32, #tpu.memory_space<hbm>>) dst(%arg7 : memref<100x100xi32, #tpu.memory_space<vmem>>)
      tpu.yield
    }) : () -> ()
    %barrier3A = arith.constant 0 : index
    tpu.barrier barrier_id(%barrier3A)
    %scan3A_33 = arith.constant 0 : i32
    %scan3A_34 = arith.constant 100 : i32
    %scan3A_35 = arith.addi %scan3A_33, %scan3A_34 : i32
    %scan3A_36 = arith.constant 1 : i32
    scf.for %scan3A_43 = %scan3A_33 to %scan3A_35 step %scan3A_36  : i32 {
      %mul3A_44 = arith.constant 1 : i32
      %mul3A_45 = arith.muli %scan3A_43, %mul3A_44 : i32
      %add3A_46 = arith.constant 0 : i32
      %add3A_47 = arith.addi %add3A_46, %mul3A_45 : i32
      "tpu.region"() ({
        %run_scoped3A = tpu.sem_alloc : memref<!tpu.dma_semaphore, #tpu.memory_space<semaphore_mem>>
        %dma_start3A = arith.constant 0 : i32
        %dma_start3A_48 = tpu.memref_slice %arg6[%add3A_47, %dma_start3A] : memref<100x100xi32, #tpu.memory_space<vmem>> -> memref<1x100xi32, #tpu.memory_space<vmem>>
        %dma_start3A_49 = tpu.memref_squeeze %dma_start3A_48 : memref<1x100xi32, #tpu.memory_space<vmem>> -> memref<100xi32, #tpu.memory_space<vmem>>
        %dma_start3A_50 = arith.constant 0 : i32
        %dma_start3A_51 = arith.constant 0 : i32
        %dma_start3A_52 = tpu.memref_slice %arg2[%dma_start3A_50, %dma_start3A_51] : memref<10112x128xf32, #tpu.memory_space<hbm>> -> memref<10112x128xf32, #tpu.memory_space<hbm>>
        tpu.enqueue_indirect_dma source(%dma_start3A_52 : memref<10112x128xf32, #tpu.memory_space<hbm>>) target(%arg8 : memref<100x128xf32, #tpu.memory_space<vmem>>) offsets(%dma_start3A_49 : memref<100xi32, #tpu.memory_space<vmem>>) semaphore(%run_scoped3A : memref<!tpu.dma_semaphore, #tpu.memory_space<semaphore_mem>>)
        %dma_wait3A = arith.constant 0 : i32
        %dma_wait3A_53 = tpu.memref_slice %arg6[%add3A_47, %dma_wait3A] : memref<100x100xi32, #tpu.memory_space<vmem>> -> memref<1x100xi32, #tpu.memory_space<vmem>>
        %dma_wait3A_54 = tpu.memref_squeeze %dma_wait3A_53 : memref<1x100xi32, #tpu.memory_space<vmem>> -> memref<100xi32, #tpu.memory_space<vmem>>
        %dma_wait3A_55 = arith.constant 0 : i32
        %dma_wait3A_56 = arith.constant 0 : i32
        %dma_wait3A_57 = tpu.memref_slice %arg2[%dma_wait3A_55, %dma_wait3A_56] : memref<10112x128xf32, #tpu.memory_space<hbm>> -> memref<10112x128xf32, #tpu.memory_space<hbm>>
        tpu.wait_indirect_dma semaphore(%run_scoped3A : memref<!tpu.dma_semaphore, #tpu.memory_space<semaphore_mem>>) src(%dma_wait3A_57 : memref<10112x128xf32, #tpu.memory_space<hbm>>) dst(%arg8 : memref<100x128xf32, #tpu.memory_space<vmem>>)
        tpu.yield
      }) : () -> ()
      "tpu.region"() ({
        %run_scoped3A = tpu.sem_alloc : memref<!tpu.dma_semaphore, #tpu.memory_space<semaphore_mem>>
        %dma_start3A = arith.constant 0 : i32
        %dma_start3A_48 = tpu.memref_slice %arg7[%add3A_47, %dma_start3A] : memref<100x100xi32, #tpu.memory_space<vmem>> -> memref<1x100xi32, #tpu.memory_space<vmem>>
        %dma_start3A_49 = tpu.memref_squeeze %dma_start3A_48 : memref<1x100xi32, #tpu.memory_space<vmem>> -> memref<100xi32, #tpu.memory_space<vmem>>
        %dma_start3A_50 = arith.constant 0 : i32
        %dma_start3A_51 = arith.constant 0 : i32
        %dma_start3A_52 = tpu.memref_slice %arg9[%dma_start3A_50, %dma_start3A_51] : memref<10112x128xf32, #tpu.memory_space<vmem_shared>> -> memref<10112x128xf32, #tpu.memory_space<vmem_shared>>
        tpu.enqueue_indirect_dma source(%arg8 : memref<100x128xf32, #tpu.memory_space<vmem>>) target(%dma_start3A_52 : memref<10112x128xf32, #tpu.memory_space<vmem_shared>>) offsets(%dma_start3A_49 : memref<100xi32, #tpu.memory_space<vmem>>) semaphore(%run_scoped3A : memref<!tpu.dma_semaphore, #tpu.memory_space<semaphore_mem>>) {add = true}
        %dma_wait3A = arith.constant 0 : i32
        %dma_wait3A_53 = tpu.memref_slice %arg7[%add3A_47, %dma_wait3A] : memref<100x100xi32, #tpu.memory_space<vmem>> -> memref<1x100xi32, #tpu.memory_space<vmem>>
        %dma_wait3A_54 = tpu.memref_squeeze %dma_wait3A_53 : memref<1x100xi32, #tpu.memory_space<vmem>> -> memref<100xi32, #tpu.memory_space<vmem>>
        %dma_wait3A_55 = arith.constant 0 : i32
        %dma_wait3A_56 = arith.constant 0 : i32
        %dma_wait3A_57 = tpu.memref_slice %arg9[%dma_wait3A_55, %dma_wait3A_56] : memref<10112x128xf32, #tpu.memory_space<vmem_shared>> -> memref<10112x128xf32, #tpu.memory_space<vmem_shared>>
        tpu.wait_indirect_dma semaphore(%run_scoped3A : memref<!tpu.dma_semaphore, #tpu.memory_space<semaphore_mem>>) src(%arg8 : memref<100x128xf32, #tpu.memory_space<vmem>>) dst(%dma_wait3A_57 : memref<10112x128xf32, #tpu.memory_space<vmem_shared>>)
        tpu.yield
      }) : () -> ()
    }
    %scan3A_37 = arith.constant 100 : i32
    %barrier3A_38 = arith.constant 0 : index
    tpu.barrier barrier_id(%barrier3A_38)
    %mul3A_39 = arith.constant 632 : i32
    %mul3A_40 = arith.muli %arg1, %mul3A_39 : i32
    %mul3A_41 = arith.constant 632 : i32
    %mul3A_42 = arith.muli %arg1, %mul3A_41 : i32
    "tpu.region"() ({
      %run_scoped3A = tpu.sem_alloc : memref<!tpu.dma_semaphore, #tpu.memory_space<semaphore_mem>>
      %dma_start3A = arith.constant 0 : i32
      %dma_start3A_43 = arith.constant 0 : i32
      %dma_start3A_44 = tpu.memref_slice %arg5[%arg0, %dma_start3A, %dma_start3A_43] : memref<2x10112x128xf32, #tpu.memory_space<hbm>> -> memref<1x10112x128xf32, #tpu.memory_space<hbm>>
      %dma_start3A_45 = tpu.memref_squeeze %dma_start3A_44 : memref<1x10112x128xf32, #tpu.memory_space<hbm>> -> memref<10112x128xf32, #tpu.memory_space<hbm>>
      %dma_start3A_46 = arith.constant 0 : i32
      %dma_start3A_47 = tpu.memref_slice %dma_start3A_45[%mul3A_42, %dma_start3A_46] : memref<10112x128xf32, #tpu.memory_space<hbm>> -> memref<632x128xf32, #tpu.memory_space<hbm>>
      %dma_start3A_48 = arith.constant 0 : i32
      %dma_start3A_49 = tpu.memref_slice %arg9[%mul3A_40, %dma_start3A_48] : memref<10112x128xf32, #tpu.memory_space<vmem_shared>> -> memref<632x128xf32, #tpu.memory_space<vmem_shared>>
      tpu.enqueue_dma source(%dma_start3A_49 : memref<632x128xf32, #tpu.memory_space<vmem_shared>>) target(%dma_start3A_47 : memref<632x128xf32, #tpu.memory_space<hbm>>) target_semaphore(%run_scoped3A : memref<!tpu.dma_semaphore, #tpu.memory_space<semaphore_mem>>)
      %dma_wait3A = arith.constant 0 : i32
      %dma_wait3A_50 = arith.constant 0 : i32
      %dma_wait3A_51 = tpu.memref_slice %arg5[%arg0, %dma_wait3A, %dma_wait3A_50] : memref<2x10112x128xf32, #tpu.memory_space<hbm>> -> memref<1x10112x128xf32, #tpu.memory_space<hbm>>
      %dma_wait3A_52 = tpu.memref_squeeze %dma_wait3A_51 : memref<1x10112x128xf32, #tpu.memory_space<hbm>> -> memref<10112x128xf32, #tpu.memory_space<hbm>>
      %dma_wait3A_53 = arith.constant 0 : i32
      %dma_wait3A_54 = tpu.memref_slice %dma_wait3A_52[%mul3A_42, %dma_wait3A_53] : memref<10112x128xf32, #tpu.memory_space<hbm>> -> memref<632x128xf32, #tpu.memory_space<hbm>>
      %dma_wait3A_55 = arith.constant 0 : i32
      %dma_wait3A_56 = tpu.memref_slice %arg9[%mul3A_40, %dma_wait3A_55] : memref<10112x128xf32, #tpu.memory_space<vmem_shared>> -> memref<632x128xf32, #tpu.memory_space<vmem_shared>>
      tpu.wait_dma2 semaphore(%run_scoped3A : memref<!tpu.dma_semaphore, #tpu.memory_space<semaphore_mem>>) src(%dma_wait3A_56 : memref<632x128xf32, #tpu.memory_space<vmem_shared>>) dst(%dma_wait3A_54 : memref<632x128xf32, #tpu.memory_space<hbm>>)
      tpu.yield
    }) : () -> ()
    return
  }
}

module attributes {stable_mosaic.version = 14 : i64} {
  func.func @_mm1_body(%arg0: i32, %arg1: memref<1264x128xf32, #tpu.memory_space<vmem>>, %arg2: memref<128x128xf32, #tpu.memory_space<vmem>>, %arg3: memref<1264x128xf32, #tpu.memory_space<vmem>>) attributes {dimension_semantics = [#tpu.dimension_semantics<arbitrary>], iteration_bounds = array<i64: 8>, scalar_prefetch = 0 : i64, scratch_operands = 0 : i64, tpu.core_type = #tpu.core_type<tc>, window_params = [{transform_indices = @transform_0, window_bounds = array<i64: 1264, 128>}, {pipeline_mode = #tpu.pipeline_mode<synchronous>, transform_indices = @transform_1, window_bounds = array<i64: 128, 128>}, {transform_indices = @transform_2, window_bounds = array<i64: 1264, 128>}]} {
    %get3A = arith.constant 0 : index
    %get3A_0 = arith.constant 0 : index
    %get3A_1 = vector.load %arg1[%get3A, %get3A_0] : memref<1264x128xf32, #tpu.memory_space<vmem>>, vector<1264x128xf32>
    %get3A_2 = arith.constant 0 : index
    %get3A_3 = arith.constant 0 : index
    %get3A_4 = vector.load %arg2[%get3A_2, %get3A_3] : memref<128x128xf32, #tpu.memory_space<vmem>>, vector<128x128xf32>
    %dot_general3A = arith.constant dense<0.000000e+00> : vector<1264x128xf32>
    %dot_general3A_5 = tpu.matmul %get3A_1, %get3A_4, %dot_general3A {dimension_numbers = #tpu.dot_dimension_numbers<[1], [0], [0], [1], [0, 0, 1, 1], [], []>, precision = #tpu.contract_precision<fp32>, transpose_lhs_hint = false} : vector<1264x128xf32>, vector<128x128xf32>, vector<1264x128xf32> -> vector<1264x128xf32>
    %swap3A = arith.constant 0 : index
    %swap3A_6 = arith.constant 0 : index
    %swap3A_7 = vector.load %arg3[%swap3A, %swap3A_6] : memref<1264x128xf32, #tpu.memory_space<vmem>>, vector<1264x128xf32>
    tpu.vector_store %arg3[%swap3A, %swap3A_6], %dot_general3A_5 {strides = array<i32>} : memref<1264x128xf32, #tpu.memory_space<vmem>>, vector<1264x128xf32>,
    return
  }
  func.func @transform_0(%arg0: i32) -> (i32, i32) {
    %c0_i32 = arith.constant 0 : i32
    %c0_i32_0 = arith.constant 0 : i32
    return %arg0, %c0_i32 : i32, i32
  }
  func.func @transform_1(%arg0: i32) -> (i32, i32) {
    %c0_i32 = arith.constant 0 : i32
    %c0_i32_0 = arith.constant 0 : i32
    %c0_i32_1 = arith.constant 0 : i32
    return %c0_i32, %c0_i32_0 : i32, i32
  }
  func.func @transform_2(%arg0: i32) -> (i32, i32) {
    %c0_i32 = arith.constant 0 : i32
    %c0_i32_0 = arith.constant 0 : i32
    return %arg0, %c0_i32 : i32, i32
  }
}

module attributes {stable_mosaic.version = 14 : i64} {
  func.func @_prep_body(%arg0: i32, %arg1: memref<1264x128xf32, #tpu.memory_space<vmem>>, %arg2: memref<1264x128xf32, #tpu.memory_space<vmem>>, %arg3: memref<1264x128xf32, #tpu.memory_space<vmem>>, %arg4: memref<1264x128xf32, #tpu.memory_space<vmem>>, %arg5: memref<1264x128xf32, #tpu.memory_space<vmem>>) attributes {dimension_semantics = [#tpu.dimension_semantics<arbitrary>], iteration_bounds = array<i64: 8>, scalar_prefetch = 0 : i64, scratch_operands = 0 : i64, tpu.core_type = #tpu.core_type<tc>, window_params = [{transform_indices = @transform_0, window_bounds = array<i64: 1264, 128>}, {transform_indices = @transform_1, window_bounds = array<i64: 1264, 128>}, {transform_indices = @transform_2, window_bounds = array<i64: 1264, 128>}, {transform_indices = @transform_3, window_bounds = array<i64: 1264, 128>}, {transform_indices = @transform_4, window_bounds = array<i64: 1264, 128>}]} {
    %get3A = arith.constant 0 : index
    %get3A_0 = arith.constant 0 : index
    %get3A_1 = vector.load %arg1[%get3A, %get3A_0] : memref<1264x128xf32, #tpu.memory_space<vmem>>, vector<1264x128xf32>
    %get3A_2 = arith.constant 0 : index
    %get3A_3 = arith.constant 0 : index
    %get3A_4 = vector.load %arg2[%get3A_2, %get3A_3] : memref<1264x128xf32, #tpu.memory_space<vmem>>, vector<1264x128xf32>
    %add3A = arith.addf %get3A_1, %get3A_4 : vector<1264x128xf32>
    %add3A_5 = arith.constant 1.000000e+00 : f32
    %add3A_6 = vector.broadcast %add3A_5 : f32 to vector<1264x128xf32>
    %add3A_7 = arith.addf %add3A, %add3A_6 : vector<1264x128xf32>
    %rsqrt3A = math.rsqrt %add3A_7 : vector<1264x128xf32>
    %swap3A = arith.constant 0 : index
    %swap3A_8 = arith.constant 0 : index
    %swap3A_9 = vector.load %arg4[%swap3A, %swap3A_8] : memref<1264x128xf32, #tpu.memory_space<vmem>>, vector<1264x128xf32>
    tpu.vector_store %arg4[%swap3A, %swap3A_8], %rsqrt3A {strides = array<i32>} : memref<1264x128xf32, #tpu.memory_space<vmem>>, vector<1264x128xf32>,
    %get3A_10 = arith.constant 0 : index
    %get3A_11 = arith.constant 0 : index
    %get3A_12 = vector.load %arg3[%get3A_10, %get3A_11] : memref<1264x128xf32, #tpu.memory_space<vmem>>, vector<1264x128xf32>
    %mul3A = arith.mulf %get3A_12, %rsqrt3A : vector<1264x128xf32>
    %swap3A_13 = arith.constant 0 : index
    %swap3A_14 = arith.constant 0 : index
    %swap3A_15 = vector.load %arg5[%swap3A_13, %swap3A_14] : memref<1264x128xf32, #tpu.memory_space<vmem>>, vector<1264x128xf32>
    tpu.vector_store %arg5[%swap3A_13, %swap3A_14], %mul3A {strides = array<i32>} : memref<1264x128xf32, #tpu.memory_space<vmem>>, vector<1264x128xf32>,
    return
  }
  func.func @transform_0(%arg0: i32) -> (i32, i32) {
    %c0_i32 = arith.constant 0 : i32
    %c0_i32_0 = arith.constant 0 : i32
    return %arg0, %c0_i32 : i32, i32
  }
  func.func @transform_1(%arg0: i32) -> (i32, i32) {
    %c0_i32 = arith.constant 0 : i32
    %c0_i32_0 = arith.constant 0 : i32
    return %arg0, %c0_i32 : i32, i32
  }
  func.func @transform_2(%arg0: i32) -> (i32, i32) {
    %c0_i32 = arith.constant 0 : i32
    %c0_i32_0 = arith.constant 0 : i32
    return %arg0, %c0_i32 : i32, i32
  }
  func.func @transform_3(%arg0: i32) -> (i32, i32) {
    %c0_i32 = arith.constant 0 : i32
    %c0_i32_0 = arith.constant 0 : i32
    return %arg0, %c0_i32 : i32, i32
  }
  func.func @transform_4(%arg0: i32) -> (i32, i32) {
    %c0_i32 = arith.constant 0 : i32
    %c0_i32_0 = arith.constant 0 : i32
    return %arg0, %c0_i32 : i32, i32
  }
}

module attributes {stable_mosaic.version = 14 : i64} {
  func.func @_layer_body(%arg0: i32, %arg1: memref<1264x128xf32, #tpu.memory_space<vmem>>, %arg2: memref<1264x128xf32, #tpu.memory_space<vmem>>, %arg3: memref<1264x128xf32, #tpu.memory_space<vmem>>, %arg4: memref<1264x128xf32, #tpu.memory_space<vmem>>, %arg5: memref<1x128xf32, #tpu.memory_space<vmem>>, %arg6: memref<128x128xf32, #tpu.memory_space<vmem>>, %arg7: memref<1264x128xf32, #tpu.memory_space<vmem>>) attributes {dimension_semantics = [#tpu.dimension_semantics<arbitrary>], iteration_bounds = array<i64: 8>, scalar_prefetch = 0 : i64, scratch_operands = 0 : i64, tpu.core_type = #tpu.core_type<tc>, window_params = [{transform_indices = @transform_0, window_bounds = array<i64: 1264, 128>}, {transform_indices = @transform_1, window_bounds = array<i64: 1264, 128>}, {transform_indices = @transform_2, window_bounds = array<i64: 1264, 128>}, {transform_indices = @transform_3, window_bounds = array<i64: 1264, 128>}, {pipeline_mode = #tpu.pipeline_mode<synchronous>, transform_indices = @transform_4, window_bounds = array<i64: 1, 128>}, {pipeline_mode = #tpu.pipeline_mode<synchronous>, transform_indices = @transform_5, window_bounds = array<i64: 128, 128>}, {transform_indices = @transform_6, window_bounds = array<i64: 1264, 128>}]} {
    %get3A = arith.constant 0 : index
    %get3A_0 = arith.constant 0 : index
    %get3A_1 = vector.load %arg4[%get3A, %get3A_0] : memref<1264x128xf32, #tpu.memory_space<vmem>>, vector<1264x128xf32>
    %get3A_2 = arith.constant 0 : index
    %get3A_3 = arith.constant 0 : index
    %get3A_4 = vector.load %arg1[%get3A_2, %get3A_3] : memref<1264x128xf32, #tpu.memory_space<vmem>>, vector<1264x128xf32>
    %get3A_5 = arith.constant 0 : index
    %get3A_6 = arith.constant 0 : index
    %get3A_7 = vector.load %arg2[%get3A_5, %get3A_6] : memref<1264x128xf32, #tpu.memory_space<vmem>>, vector<1264x128xf32>
    %add3A = arith.addf %get3A_4, %get3A_7 : vector<1264x128xf32>
    %get3A_8 = arith.constant 0 : index
    %get3A_9 = arith.constant 0 : index
    %get3A_10 = vector.load %arg3[%get3A_8, %get3A_9] : memref<1264x128xf32, #tpu.memory_space<vmem>>, vector<1264x128xf32>
    %add3A_11 = arith.addf %add3A, %get3A_10 : vector<1264x128xf32>
    %mul3A = arith.mulf %get3A_1, %add3A_11 : vector<1264x128xf32>
    %get3A_12 = arith.constant 0 : index
    %get3A_13 = arith.constant 0 : index
    %get3A_14 = vector.load %arg5[%get3A_12, %get3A_13] : memref<1x128xf32, #tpu.memory_space<vmem>>, vector<1x128xf32>
    %add3A_15 = vector.broadcast %get3A_14 : vector<1x128xf32> to vector<1264x128xf32>
    %add3A_16 = arith.addf %mul3A, %add3A_15 : vector<1264x128xf32>
    %max3A = arith.constant 0.000000e+00 : f32
    %max3A_17 = vector.broadcast %max3A : f32 to vector<1264x128xf32>
    %max3A_18 = arith.maximumf %add3A_16, %max3A_17 : vector<1264x128xf32>
    %get3A_19 = arith.constant 0 : index
    %get3A_20 = arith.constant 0 : index
    %get3A_21 = vector.load %arg6[%get3A_19, %get3A_20] : memref<128x128xf32, #tpu.memory_space<vmem>>, vector<128x128xf32>
    %dot_general3A = arith.constant dense<0.000000e+00> : vector<1264x128xf32>
    %dot_general3A_22 = tpu.matmul %max3A_18, %get3A_21, %dot_general3A {dimension_numbers = #tpu.dot_dimension_numbers<[1], [0], [0], [1], [0, 0, 1, 1], [], []>, precision = #tpu.contract_precision<fp32>, transpose_lhs_hint = false} : vector<1264x128xf32>, vector<128x128xf32>, vector<1264x128xf32> -> vector<1264x128xf32>
    %mul3A_23 = arith.mulf %dot_general3A_22, %get3A_1 : vector<1264x128xf32>
    %swap3A = arith.constant 0 : index
    %swap3A_24 = arith.constant 0 : index
    %swap3A_25 = vector.load %arg7[%swap3A, %swap3A_24] : memref<1264x128xf32, #tpu.memory_space<vmem>>, vector<1264x128xf32>
    tpu.vector_store %arg7[%swap3A, %swap3A_24], %mul3A_23 {strides = array<i32>} : memref<1264x128xf32, #tpu.memory_space<vmem>>, vector<1264x128xf32>,
    return
  }
  func.func @transform_0(%arg0: i32) -> (i32, i32) {
    %c0_i32 = arith.constant 0 : i32
    %c0_i32_0 = arith.constant 0 : i32
    return %arg0, %c0_i32 : i32, i32
  }
  func.func @transform_1(%arg0: i32) -> (i32, i32) {
    %c0_i32 = arith.constant 0 : i32
    %c0_i32_0 = arith.constant 0 : i32
    return %arg0, %c0_i32 : i32, i32
  }
  func.func @transform_2(%arg0: i32) -> (i32, i32) {
    %c0_i32 = arith.constant 0 : i32
    %c0_i32_0 = arith.constant 0 : i32
    return %arg0, %c0_i32 : i32, i32
  }
  func.func @transform_3(%arg0: i32) -> (i32, i32) {
    %c0_i32 = arith.constant 0 : i32
    %c0_i32_0 = arith.constant 0 : i32
    return %arg0, %c0_i32 : i32, i32
  }
  func.func @transform_4(%arg0: i32) -> (i32, i32) {
    %c0_i32 = arith.constant 0 : i32
    %c0_i32_0 = arith.constant 0 : i32
    %c0_i32_1 = arith.constant 0 : i32
    return %c0_i32, %c0_i32_0 : i32, i32
  }
  func.func @transform_5(%arg0: i32) -> (i32, i32) {
    %c0_i32 = arith.constant 0 : i32
    %c0_i32_0 = arith.constant 0 : i32
    %c0_i32_1 = arith.constant 0 : i32
    return %c0_i32, %c0_i32_0 : i32, i32
  }
  func.func @transform_6(%arg0: i32) -> (i32, i32) {
    %c0_i32 = arith.constant 0 : i32
    %c0_i32_0 = arith.constant 0 : i32
    return %arg0, %c0_i32 : i32, i32
  }
}

module attributes {stable_mosaic.version = 14 : i64} {
  func.func @_final_body(%arg0: i32, %arg1: memref<1264x128xf32, #tpu.memory_space<vmem>>, %arg2: memref<1264x128xf32, #tpu.memory_space<vmem>>, %arg3: memref<1264x128xf32, #tpu.memory_space<vmem>>, %arg4: memref<1264x128xf32, #tpu.memory_space<vmem>>, %arg5: memref<1x128xf32, #tpu.memory_space<vmem>>, %arg6: memref<1264x128xf32, #tpu.memory_space<vmem>>) attributes {dimension_semantics = [#tpu.dimension_semantics<arbitrary>], iteration_bounds = array<i64: 8>, scalar_prefetch = 0 : i64, scratch_operands = 0 : i64, tpu.core_type = #tpu.core_type<tc>, window_params = [{transform_indices = @transform_0, window_bounds = array<i64: 1264, 128>}, {transform_indices = @transform_1, window_bounds = array<i64: 1264, 128>}, {transform_indices = @transform_2, window_bounds = array<i64: 1264, 128>}, {transform_indices = @transform_3, window_bounds = array<i64: 1264, 128>}, {pipeline_mode = #tpu.pipeline_mode<synchronous>, transform_indices = @transform_4, window_bounds = array<i64: 1, 128>}, {transform_indices = @transform_5, window_bounds = array<i64: 1264, 128>}]} {
    %get3A = arith.constant 0 : index
    %get3A_0 = arith.constant 0 : index
    %get3A_1 = vector.load %arg4[%get3A, %get3A_0] : memref<1264x128xf32, #tpu.memory_space<vmem>>, vector<1264x128xf32>
    %get3A_2 = arith.constant 0 : index
    %get3A_3 = arith.constant 0 : index
    %get3A_4 = vector.load %arg1[%get3A_2, %get3A_3] : memref<1264x128xf32, #tpu.memory_space<vmem>>, vector<1264x128xf32>
    %get3A_5 = arith.constant 0 : index
    %get3A_6 = arith.constant 0 : index
    %get3A_7 = vector.load %arg2[%get3A_5, %get3A_6] : memref<1264x128xf32, #tpu.memory_space<vmem>>, vector<1264x128xf32>
    %add3A = arith.addf %get3A_4, %get3A_7 : vector<1264x128xf32>
    %get3A_8 = arith.constant 0 : index
    %get3A_9 = arith.constant 0 : index
    %get3A_10 = vector.load %arg3[%get3A_8, %get3A_9] : memref<1264x128xf32, #tpu.memory_space<vmem>>, vector<1264x128xf32>
    %add3A_11 = arith.addf %add3A, %get3A_10 : vector<1264x128xf32>
    %mul3A = arith.mulf %get3A_1, %add3A_11 : vector<1264x128xf32>
    %get3A_12 = arith.constant 0 : index
    %get3A_13 = arith.constant 0 : index
    %get3A_14 = vector.load %arg5[%get3A_12, %get3A_13] : memref<1x128xf32, #tpu.memory_space<vmem>>, vector<1x128xf32>
    %add3A_15 = vector.broadcast %get3A_14 : vector<1x128xf32> to vector<1264x128xf32>
    %add3A_16 = arith.addf %mul3A, %add3A_15 : vector<1264x128xf32>
    %swap3A = arith.constant 0 : index
    %swap3A_17 = arith.constant 0 : index
    %swap3A_18 = vector.load %arg6[%swap3A, %swap3A_17] : memref<1264x128xf32, #tpu.memory_space<vmem>>, vector<1264x128xf32>
    tpu.vector_store %arg6[%swap3A, %swap3A_17], %add3A_16 {strides = array<i32>} : memref<1264x128xf32, #tpu.memory_space<vmem>>, vector<1264x128xf32>,
    return
  }
  func.func @transform_0(%arg0: i32) -> (i32, i32) {
    %c0_i32 = arith.constant 0 : i32
    %c0_i32_0 = arith.constant 0 : i32
    return %arg0, %c0_i32 : i32, i32
  }
  func.func @transform_1(%arg0: i32) -> (i32, i32) {
    %c0_i32 = arith.constant 0 : i32
    %c0_i32_0 = arith.constant 0 : i32
    return %arg0, %c0_i32 : i32, i32
  }
  func.func @transform_2(%arg0: i32) -> (i32, i32) {
    %c0_i32 = arith.constant 0 : i32
    %c0_i32_0 = arith.constant 0 : i32
    return %arg0, %c0_i32 : i32, i32
  }
  func.func @transform_3(%arg0: i32) -> (i32, i32) {
    %c0_i32 = arith.constant 0 : i32
    %c0_i32_0 = arith.constant 0 : i32
    return %arg0, %c0_i32 : i32, i32
  }
  func.func @transform_4(%arg0: i32) -> (i32, i32) {
    %c0_i32 = arith.constant 0 : i32
    %c0_i32_0 = arith.constant 0 : i32
    %c0_i32_1 = arith.constant 0 : i32
    return %c0_i32, %c0_i32_0 : i32, i32
  }
  func.func @transform_5(%arg0: i32) -> (i32, i32) {
    %c0_i32 = arith.constant 0 : i32
    %c0_i32_0 = arith.constant 0 : i32
    return %arg0, %c0_i32 : i32, i32
  }
}

</mosaic_0001>

<sc_bundles>
// kernel: kernel.11.cloned.1.call-start
scs
__scs_entry_jumppad:
0x0: {  	(pc) =	sbr.rel $0x88, $3  }
0x1: {  	(tag) =	ssettag $0x0;
	lr =	simm.s32 $0x1  }
0x2: {  	[smem:$0x3F99] =	sst lr;
	_ =	strace $0xD0000000  }
0x3: {  	_ = 	snop  }
0x4: {  	_ = 	snop  }
0x5: {  	_ = 	snop  }
0x6: {  	_ = 	snop  }
0x7: {  	_ = 	snop  }
__scs_overlays_trampoline_lowered:
0x8: {  	[smem:$0x3FA8] =	sst s0  }
0x9: {  	[smem:$0x3FA9] =	sst s1  }
0xa: {  	[smem:$0x3FAA] =	sst s2  }
0xb: {  	[smem:$0x3FAB] =	sst s3  }
0xc: {  	[smem:$0x3FAC] =	sst s4  }
0xd: {  	[smem:$0x3FAD] =	sst s5  }
0xe: {  	[smem:$0x3FAE] =	sst s6  }
0xf: {  	[smem:$0x3FAF] =	sst s7  }
0x10: {  	[smem:$0x3FB0] =	sst s8  }
0x11: {  	[smem:$0x3FB1] =	sst s9;
	s0 =	simm.s32 @!p0 $0x0  }
0x12: {  	s1 =	sld [smem:$0x3F97];
	s0 =	simm.s32 @p0 $0x1  }
0x13: {  	[smem:$0x3FB2] =	sst s0;
	s0 =	simm.s32 @!p1 $0x0  }
0x14: {  	s2 =	sld [smem:$0x3F96];
	s0 =	simm.s32 @p1 $0x1  }
0x15: {  	[smem:$0x3FB3] =	sst s0;
	s0 =	simm.s32 @!p2 $0x0  }
0x16: {  	s3 =	sld [smem:$0x3FDB];
	s0 =	simm.s32 @p2 $0x1  }
0x17: {  	s4 =	simm.s32 $0x1BF5;
	[smem:$0x3FB5] =	sst s0  }
0x18: {  	s0 =	sld [smem:$0x3F98];
	_ =	swait.ge [sflag:s4], $0x0  }
0x19: {  	s7 =	sld [smem:$0x3F99]  }
0x1a: {  	s8 =	sadd.s32 $0xFFFFE003, lr  }
0x1b: {  	s9 =	sadd.s32 $0xFFFFFEF7, lr;
	s5 =	simm.s32 $0xFFFFFFFF;
	p2 =	slt.u32 s8, $0xFFFFF086  }
0x1c: {  	p1 =	slt.u32 s9, $0xF7A;
	s5 =	simm.s32 @!p2 $0x0  }
0x1d: {  	s5 =	simm.s32 @p1 $0x1;
	p0 =	seq.s32 s7, s2  }
0x1e: {  	s7 =	smul.u32 @!p0 $0xF7A, s2;
	p2 =	seq.s32 @!p0 s5, $0x0  }
0x1f: {  	s9 =	smul.u32 $0xF7A, s1;
	s8 =	simm.s32 @!p0 $0x1BF5;
	p2 =	por !p2, p0  }
0x20: {  	[sflag:s8] =	ssyncset.s32 @!p0 $0xFFFFF086;
	s6 =	sadd.s32 @!p0 s3, s7;
	s7 =	simm.s32 @!p0 $0x108  }
0x21: {  	s3 =	sadd.s32 s3, s9;
	s6 =	sadd.s32 @!p0 $0x88, s6;
	s7 =	simm.s32 @p2 $0x1082  }
0x22: {  	[simem:s7], [sflag:s8] =	dma.local @!p0 [hbm:s6], $0xF7A  }
0x23: {  	s9 =	sor.u32 $0xD0000000, s2;
	s6 =	simm.s32 $0x108;
	_ =	swait.ge @!p0 [sflag:s8], $0x0  }
0x24: {  	s3 =	sadd.s32 $0x88, s3;
	s6 =	simm.s32 @!p1 $0x1082;
	[sflag:s4] =	ssyncset.s32 $0xFFFFF086  }
0x25: {  	[simem:s6], [sflag:s4] =	dma.local [hbm:s3], $0xF7A  }
0x26: {  	[smem:$0x3F99] =	sst s1;
	(tag) =	ssettag s2;
	_ =	strace s9  }
0x27: {  	s1 =	sld [smem:$0x3FA9]  }
0x28: {  	s2 =	sld [smem:$0x3FAA]  }
0x29: {  	s4 =	sld [smem:$0x3FAC]  }
0x2a: {  	p0 =	seq.s32 s5, $0x0;
	s5 =	sld [smem:$0x3FAD]  }
0x2b: {  	s6 =	sld [smem:$0x3FAE]  }
0x2c: {  	s7 =	sld [smem:$0x3FAF]  }
0x2d: {  	s3 =	simm.s32 $0x108;
	s8 =	sld [smem:$0x3FB0]  }
0x2e: {  	s3 =	simm.s32 @!p0 $0x1082;
	s9 =	sld [smem:$0x3FB1]  }
0x2f: {  	lr =	sadd.s32 s0, s3;
	s0 =	sld [smem:$0x3FA8]  }
0x30: {  	s3 =	sld [smem:$0x3FAB]  }
0x31: {  	[smem:$0x3FB4] =	sst s10  }
0x32: {  	s10 =	sld [smem:$0x3FB2];
	_ =	sdelay $0x3  }
0x33: {  	p0 =	seq.s32 s10, $0x1;
	s10 =	sld [smem:$0x3FB4];
	_ =	sdelay $0x3  }
0x34: {  	[smem:$0x3FB4] =	sst s10  }
0x35: {  	s10 =	sld [smem:$0x3FB3];
	_ =	sdelay $0x3  }
0x36: {  	p1 =	seq.s32 s10, $0x1;
	s10 =	sld [smem:$0x3FB4];
	_ =	sdelay $0x3  }
0x37: {  	[smem:$0x3FB4] =	sst s10  }
0x38: {  	s10 =	sld [smem:$0x3FB5]  }
0x39: {  	_ = 	snop;
	(pc) =	sbr.ind lr, $3  }
0x3a: {  	_ = 	snop  }
0x3b: {  	_ = 	snop  }
0x3c: {  	p2 =	seq.s32 s10, $0x1;
	s10 =	sld [smem:$0x3FB4]  }
0x3d: {  	_ =	shalt  }
0x3e: {  	_ =	shalt  }
0x3f: {  	_ =	shalt  }
0x40: {  	_ =	shalt  }
0x41: {  	_ =	shalt  }
0x42: {  	_ =	shalt  }
0x43: {  	_ =	shalt  }
0x44: {  	_ =	shalt  }
0x45: {  	_ =	shalt  }
0x46: {  	_ =	shalt  }
0x47: {  	_ =	shalt  }
0x48: {  	_ =	shalt  }
0x49: {  	_ =	shalt  }
0x4a: {  	_ =	shalt  }
0x4b: {  	_ =	shalt  }
0x4c: {  	_ =	shalt  }
0x4d: {  	_ =	shalt  }
0x4e: {  	_ =	shalt  }
0x4f: {  	_ =	shalt  }
0x50: {  	_ =	shalt  }
0x51: {  	_ =	shalt  }
0x52: {  	_ =	shalt  }
0x53: {  	_ =	shalt  }
0x54: {  	_ =	shalt  }
0x55: {  	_ =	shalt  }
0x56: {  	_ =	shalt  }
0x57: {  	_ =	shalt  }
0x58: {  	_ =	shalt  }
0x59: {  	_ =	shalt  }
0x5a: {  	_ =	shalt  }
0x5b: {  	_ =	shalt  }
0x5c: {  	_ =	shalt  }
0x5d: {  	_ =	shalt  }
0x5e: {  	_ =	shalt  }
0x5f: {  	_ =	shalt  }
0x60: {  	_ =	shalt  }
0x61: {  	_ =	shalt  }
0x62: {  	_ =	shalt  }
0x63: {  	_ =	shalt  }
0x64: {  	_ =	shalt  }
0x65: {  	_ =	shalt  }
0x66: {  	_ =	shalt  }
0x67: {  	_ =	shalt  }
0x68: {  	_ =	shalt  }
0x69: {  	_ =	shalt  }
0x6a: {  	_ =	shalt  }
0x6b: {  	_ =	shalt  }
0x6c: {  	_ =	shalt  }
0x6d: {  	_ =	shalt  }
0x6e: {  	_ =	shalt  }
0x6f: {  	_ =	shalt  }
0x70: {  	_ =	shalt  }
0x71: {  	_ =	shalt  }
0x72: {  	_ =	shalt  }
0x73: {  	_ =	shalt  }
0x74: {  	_ =	shalt  }
0x75: {  	_ =	shalt  }
0x76: {  	_ =	shalt  }
0x77: {  	_ =	shalt  }
0x78: {  	_ =	shalt  }
0x79: {  	_ =	shalt  }
0x7a: {  	_ =	shalt  }
0x7b: {  	_ =	shalt  }
0x7c: {  	_ =	shalt  }
0x7d: {  	_ =	shalt  }
0x7e: {  	_ =	shalt  }
0x7f: {  	_ =	shalt  }
0x80: {  	_ =	shalt  }
0x81: {  	_ =	shalt  }
0x82: {  	_ =	shalt  }
0x83: {  	_ =	shalt  }
0x84: {  	_ =	shalt  }
0x85: {  	_ =	shalt  }
0x86: {  	_ =	shalt  }
0x87: {  	_ =	shalt  }
.Lfunc_end0:
.L_simem_size_0:
called_computation_lowered:
.L_overlay_start_0:
0x88: {  	s2 =	sld [smem:$0x3FD9]  }
0x89: {  	s3 =	sld [smem:$0x3FFE];
	_ =	sdelay $0x1  }
0x8a: {  	s1 =	srdreg.scid  }
0x8b: {  	s0 =	sand.u32 $0x1, s1  }
0x8c: {  	s17 =	sshll.u32 s0, $0xA;
	s2 =	sadd.s32 s3, s2  }
0x8d: {  	s2 =	sadd.s32 s2, s17  }
0x8e: {  	[smem:$0x3FC0] =	sst s2  }
0x8f: {  	_ = 	snop  }
0x90: {  	s2 =	sld [smem:$0x3FD0];
	(tm) =	ssettm $0x1  }
0x91: {  	s18 =	sld [smem:$0x3FFB];
	_ =	sdelay $0x3  }
0x92: {  	_ =	strace s18  }
0x93: {  	s3 =	sld [smem:$0x3FFC];
	_ =	sdelay $0x3  }
0x94: {  	_ =	strace s3  }
0x95: {  	s3 =	sld [smem:$0x3FFD];
	_ =	sdelay $0x3  }
0x96: {  	_ =	strace s3  }
0x97: {  	_ =	strace $0x8FFFFFFF  }
0x98: {  	s19 =	sld [smem:$0x3FDB];
	_ =	sdelay $0x1  }
0x99: {  	s4 =	simm.s32 $_scs_section_size  }
0x9a: {  	s5 =	simm.s32 $_size__tile_overlayer_lowered;
	s6 =	simm.s32 $_tile_overlayer_lowered  }
0x9b: {  	s22 =	simm.s32 $0x1BFF;
	s21 =	sshll.u32 s6, $0x1;
	s3 =	sadd.s32 s4, s19  }
0x9c: {  	s7 =	simm.s32 $0x0;
	s20 =	sshll.u32 s5, $0x1;
	s5 =	sadd.s32 s21, s3  }
0x9d: {  	[timem:s7], [sflag:s22] =	dma.local [hbm:s5], s20  }
0x9e: {  	_ =	swait.ge [sflag:s22], s20  }
0x9f: {  	s4 =	ssub.s32 $0x0, s20;
	[sflag:s22] =	ssyncset.done $0x0  }
0xa0: {  	[sflag:s22] =	ssyncadd.s32 s4;
	_ =	sdelay $0x1  }
0xa1: {  	s23 =	simm.s32 $0x1B8B  }
0xa2: {  	_ =	swait.ge [sflag:s23], $0x1  }
0xa3: {  	[sflag:s23] =	ssyncset.done $0x0  }
0xa4: {  	s25 =	simm.s32 $0x1B8E;
	s24 =	sld [smem:$0x3FFE];
	[sflag:s23] =	ssyncadd.s32 $0xFFFFFFFF  }
0xa5: {  	s26 =	simm.s32 $execute0_lowered;
	[smem:$0x3FD2] =	sst s25  }
0xa6: {  	s5 =	sshll.u32 s26, $0x1;
	_ =	strace $0x80000046;
	[dreg:$0x1] =	wrdreg $0xFFFFFFFF  }
0xa7: {  	s28 =	simm.s32 $_size_execute0_lowered;
	s3 =	sadd.s32 s3, s5;
	[dreg:$0x0] =	wrdreg $0x0  }
0xa8: {  	s5 =	sshll.u32 s28, $0x1;
	[dreg:$0x2] =	wrdreg s3  }
0xa9: {  	[dreg:$0x3] =	wrdreg s5  }
0xaa: {  	[dreg:$0x4] =	wrdreg $0xC0  }
0xab: {  	_ =	task [dreg:s7], $0x5FFFF  }
0xac: {  	[dreg:$0x1] =	wrdreg $0xFFFFFFFF  }
0xad: {  	[dreg:$0x0] =	wrdreg $0x60  }
0xae: {  	[dreg:$0x2] =	wrdreg s2  }
0xaf: {  	[dreg:$0x3] =	wrdreg s24  }
0xb0: {  	[dreg:$0x4] =	wrdreg $0x68000  }
0xb1: {  	[dreg:$0x5] =	wrdreg $0x9  }
0xb2: {  	_ =	task.clear_ibuf [dreg:s7], $0x6FFFF;
	_ =	strace $0x90000046  }
0xb3: {  	s29 =	simm.s32 $0x9;
	_ =	strace $0x80000048  }
0xb4: {  	_ =	swait.ge [sflag:s29], $0x1  }
0xb5: {  	[sflag:s29] =	ssyncadd.s32 $0xFFFFFFFF  }
0xb6: {  	_ =	strace $0x90000048  }
0xb7: {  	_ =	sfence  }
0xb8: {  	s30 =	sld [smem:$0x0];
	_ =	sdelay $0x2  }
0xb9: {  	s31 =	sshll.u32 s1, $0xD;
	s1 =	sshrl.u32 s1, $0x2  }
0xba: {  	s3 =	sand.u32 $0x4000, s31;
	s1 =	sadd.s32 s1, s30  }
0xbb: {  	s0 =	sor.u32 s3, s0;
	s1 =	sshll.u32 s1, $0x11  }
0xbc: {  	s0 =	sor.u32 s1, s0  }
0xbd: {  	s0 =	sadd.s32 $0x8F2B, s0  }
0xbe: {  	[sflag:s0] =	ssyncadd.remote.s32 $0x1  }
0xbf: {  	_ =	sfence.sel $0xFFFF  }
0xc0: {  	[dreg:$0x0] =	wrdreg $0xFFFFFFFF;
	(pc) =	sbr.abs _section_cstart, $3  }
0xc1: {  	[dreg:$0x1] =	wrdreg $0xFFFFFFFF  }
0xc2: {  	_ =	task.clear_ibuf [dreg:s7], $0x2FFFF;
	_ =	strace $0x9FFFFFFF  }
0xc3: {  	(tm) =	ssettm $0x7FFFFFFF  }
tec
execute0_lowered:
.L_overlay_start_1:
0x0: {  	(tag) =	ssettag $0x1  }
0x1: {  	s11 =	rddreg [dreg:$0x0]  }
0x2: {  	s4 =	rddreg [dreg:$0x1]  }
0x3: {  	s1 =	rddreg [dreg:$0x2]  }
0x4: {  	s2 =	srdreg.scid;
	s0 =	rddreg [dreg:$0x3]  }
0x5: {  	s3 =	simm.s32 $0x0;
	s5 =	sand.u32 $0x1, s2;
	s2 =	stileid.u32  }
0x6: {  	s15 =	simm.s32 $0x64;
	[smem:$0x7FF] =	sst s3;
	s6 =	smul.u32 $0x27800, s5  }
0x7: {  	s7 =	smul.u32 $0x4F000, s2;
	_ =	strace $0x80000047;
	s30 =	ssub.s32 $0x2, s5  }
0x8: {  	s5 =	sshll.u32 s5, $0x4;
	s17 =	smul.u32 $0x2780, s2;
	s18 =	sshll.u32 s2, $0x6  }
0x9: {  	s31 =	sshrl.u32 s30, $0x1;
	s8 =	sor.u32 s2, s5;
	s12 =	sadd.s32 s6, s4  }
0xa: {  	s7 =	sshrl.u32 s7, $0x2;
	s13 =	ssub.s32 s30, s31;
	s14 =	smul.u32 $0x680, s8  }
0xb: {  	s4 =	sadd.s32 s7, s1;
	s16 =	sadd.s32 $0x4200, s12;
	s12 =	smax.u32 s13, $0x1  }
0xc: {  	s13 =	simm.s32 $0x3400;
	s5 =	sadd.s32 $0x3200, s4;
	s6 =	sadd.s32 $0x6400, s4  }
0xd: {  	s7 =	sadd.s32 $0x9600, s4;
	s8 =	sadd.s32 $0xC800, s4;
	s9 =	sadd.s32 $0xFA00, s4  }
0xe: {  	s10 =	sadd.s32 $0x12C00, s4;
	s11 =	sadd.s32 s11, s14;
	s14 =	simm.s32 $0x1  }
0xf: {  	v0 =	vimm.f32 $0.0e+00;
	v1 =	vimm.f32 $1.000000000e+00;
	s16 =	sadd.s32 s17, s16;
	s17 =	sor.u32 $0x1C01, s18;
	s18 =	sshrl.u32 s4, $0x3  }
.LBB2_1:
0x10: {  	s19 =	simm.s32 $0x0;
	s20 =	simm.s32 $0x200  }
.LBB2_2:
0x11: {  	p0 =	sne.s32 s20, $0xC600;
	[tilespmem:s19+$0x3470] =	vst v0  }
0x12: {  	[tilespmem:s19+$0x3400] =	vst v0  }
0x13: {  	[tilespmem:s19+$0x3410] =	vst v0  }
.Ltmp0:
0x14: {  	[tilespmem:s19+$0x3420] =	vst v0;
	(pc) =	sbr.rel @p0 .LBB2_2-.Ltmp0, $4  }
0x15: {  	[tilespmem:s19+$0x3430] =	vst v0  }
0x16: {  	[tilespmem:s19+$0x3440] =	vst v0  }
0x17: {  	[tilespmem:s19+$0x3450] =	vst v0  }
0x18: {  	[tilespmem:s19+$0x3460] =	vst v0;
	s19 =	sshra.s32 s20, $0x2;
	s20 =	sadd.s32 $0x200, s20  }
0x19: {  	[tilespmem:s19+$0x3470] =	vst v0  }
0x1a: {  	[tilespmem:s19+$0x3400] =	vst v0  }
0x1b: {  	[tilespmem:s19+$0x3410] =	vst v0  }
0x1c: {  	[tilespmem:s19+$0x3420] =	vst v0  }
0x1d: {  	[tilespmem:s19+$0x3430] =	vst v0  }
0x1e: {  	[tilespmem:s19+$0x3440] =	vst v0  }
0x1f: {  	[tilespmem:s19+$0x3450] =	vst v0  }
0x20: {  	[tilespmem:s19+$0x3460] =	vst v0  }
0x21: {  	[spmem:s4] =	stream.linear.scatter [tilespmem:s13], [sflag:$0x1], $0x3200, $0x38;
	[tilespmem:$0x1A400] =	vst v63  }
0x22: {  	_ =	swait.ge [sflag:s14], $0x3200  }
0x23: {  	[sflag:s14] =	ssyncset.done $0x0  }
0x24: {  	[sflag:s14] =	ssyncadd.s32 $0xFFFFCE00  }
0x25: {  	[spmem:s5] =	stream.linear.scatter [tilespmem:s13], [sflag:$0x1], $0x3200, $0x38;
	[tilespmem:$0x1A400] =	vst v63  }
0x26: {  	_ =	swait.ge [sflag:s14], $0x3200  }
0x27: {  	[sflag:s14] =	ssyncset.done $0x0  }
0x28: {  	[sflag:s14] =	ssyncadd.s32 $0xFFFFCE00  }
0x29: {  	[spmem:s6] =	stream.linear.scatter [tilespmem:s13], [sflag:$0x1], $0x3200, $0x38;
	[tilespmem:$0x1A400] =	vst v63  }
0x2a: {  	_ =	swait.ge [sflag:s14], $0x3200  }
0x2b: {  	[sflag:s14] =	ssyncset.done $0x0  }
0x2c: {  	[sflag:s14] =	ssyncadd.s32 $0xFFFFCE00  }
0x2d: {  	[spmem:s7] =	stream.linear.scatter [tilespmem:s13], [sflag:$0x1], $0x3200, $0x38;
	[tilespmem:$0x1A400] =	vst v63  }
0x2e: {  	_ =	swait.ge [sflag:s14], $0x3200  }
0x2f: {  	[sflag:s14] =	ssyncset.done $0x0  }
0x30: {  	[sflag:s14] =	ssyncadd.s32 $0xFFFFCE00  }
0x31: {  	[spmem:s8] =	stream.linear.scatter [tilespmem:s13], [sflag:$0x1], $0x3200, $0x38;
	[tilespmem:$0x1A400] =	vst v63  }
0x32: {  	_ =	swait.ge [sflag:s14], $0x3200  }
0x33: {  	[sflag:s14] =	ssyncset.done $0x0  }
0x34: {  	[sflag:s14] =	ssyncadd.s32 $0xFFFFCE00  }
0x35: {  	[spmem:s9] =	stream.linear.scatter [tilespmem:s13], [sflag:$0x1], $0x3200, $0x38;
	[tilespmem:$0x1A400] =	vst v63  }
0x36: {  	_ =	swait.ge [sflag:s14], $0x3200  }
0x37: {  	[sflag:s14] =	ssyncset.done $0x0  }
0x38: {  	[sflag:s14] =	ssyncadd.s32 $0xFFFFCE00  }
0x39: {  	[spmem:s10] =	stream.linear.scatter [tilespmem:s13], [sflag:$0x1], $0x1000, $0x38;
	[tilespmem:$0x1A400] =	vst v63  }
0x3a: {  	_ =	swait.ge [sflag:s14], $0x1000  }
0x3b: {  	[sflag:s14] =	ssyncset.done $0x0  }
0x3c: {  	s31 =	simm.s32 $0x0;
	[sflag:s14] =	ssyncadd.s32 $0xFFFFF000  }
0x3d: {  	[tilespmem:s31], [sflag:$0x1] =	stream.linear.gather [hbm4b:s11+s31], $0x3200, $0x38;
	[tilespmem:$0x1A400] =	vst v63  }
0x3e: {  	_ =	swait.ge [sflag:s14], $0x3200  }
0x3f: {  	[sflag:s14] =	ssyncset.done $0x0  }
0x40: {  	s19 =	simm.s32 $0x0;
	s20 =	simm.s32 $0x200;
	[sflag:s14] =	ssyncadd.s32 $0xFFFFCE00  }
.LBB2_4:
0x41: {  	p0 =	sne.s32 s20, $0xC600;
	[tilespmem:s19+$0x3470] =	vst v1  }
0x42: {  	[tilespmem:s19+$0x3400] =	vst v1  }
0x43: {  	[tilespmem:s19+$0x3410] =	vst v1  }
.Ltmp1:
0x44: {  	[tilespmem:s19+$0x3420] =	vst v1;
	(pc) =	sbr.rel @p0 .LBB2_4-.Ltmp1, $4  }
0x45: {  	[tilespmem:s19+$0x3430] =	vst v1  }
0x46: {  	[tilespmem:s19+$0x3440] =	vst v1  }
0x47: {  	[tilespmem:s19+$0x3450] =	vst v1  }
0x48: {  	[tilespmem:s19+$0x3460] =	vst v1;
	s19 =	sshra.s32 s20, $0x2;
	s20 =	sadd.s32 $0x200, s20  }
0x49: {  	[tilespmem:s19+$0x3470] =	vst v1  }
0x4a: {  	[tilespmem:s19+$0x3400] =	vst v1  }
0x4b: {  	[tilespmem:s19+$0x3410] =	vst v1  }
0x4c: {  	[tilespmem:s19+$0x3420] =	vst v1  }
0x4d: {  	[tilespmem:s19+$0x3430] =	vst v1  }
0x4e: {  	[tilespmem:s19+$0x3440] =	vst v1  }
0x4f: {  	[tilespmem:s19+$0x3450] =	vst v1  }
0x50: {  	[tilespmem:s19+$0x3460] =	vst v1  }
0x51: {  	s31 =	simm.s32 $0x0;
	[bflag:$0x0] =	sbarrier.arrive $0xFFFF  }
0x52: {  	[spmem:s1] =	stream.indirect.scatter.add.f32 [tilespmem:s13], [sflag:$0x1], $0x80, s31, s15, $0xb8;
	[tilespmem:$0x1A400] =	vst v63  }
0x53: {  	_ =	swait.ge [sflag:s14], $0x3200  }
0x54: {  	s19 =	simm.s32 $0x200;
	[sflag:s14] =	ssyncset.done $0x0  }
.LBB2_6:
0x55: {  	s20 =	sshra.s32 s19, $0x2;
	[sflag:s14] =	ssyncadd.s32 $0xFFFFCE00;
	p0 =	sne.s32 s19, $0xC600  }
0x56: {  	[spmem:s1] =	stream.indirect.scatter.add.f32 [tilespmem:s13], [sflag:$0x1], $0x80, s20, s15, $0xb8;
	[tilespmem:$0x1A400] =	vst v63  }
.Ltmp2:
0x57: {  	_ = 	snop;
	(pc) =	sbr.rel @p0 .LBB2_6-.Ltmp2, $4  }
0x58: {  	_ = 	snop  }
0x59: {  	s19 =	sadd.s32 $0x200, s19  }
0x5a: {  	_ =	swait.ge [sflag:s14], $0x3200  }
0x5b: {  	[sflag:s14] =	ssyncset.done $0x0  }
0x5c: {  	s3 =	sadd.s32 $0x1, s3  }
0x5d: {  	[sflag:s14] =	ssyncadd.s32 $0xFFFFCE00;
	p0 =	sne.s32 s3, s12  }
.Ltmp3:
0x5e: {  	[bflag:$0x0] =	sbarrier.arrive $0xFFFF;
	(pc) =	sbr.rel @p0 .LBB2_1-.Ltmp3, $4  }
0x5f: {  	[hbm:s16], [sflag:s17] =	dma.local [spmem:s18], $0x2780  }
0x60: {  	_ =	swait.ge [sflag:s14], $0x2780  }
0x61: {  	[sflag:s14] =	ssyncset.done $0x0  }
0x62: {  	[sflag:s14] =	ssyncadd.s32 $0xFFFFD880  }
0x63: {  	_ =	sfence.sel $0x180000  }
0x64: {  	[bflag:$0x0] =	sbarrier.arrive $0xFFFF  }
0x65: {  	p0 =	sne.s32 s2, $0x0;
	_ =	strace $0x90000047  }
0x66: {  	s0 =	sadd.s32 @!p0 $0x100000, s0;
	[bflag:$0x2] =	sbarrier.arrive $0xFFFF  }
0x67: {  	[sflag:s0] =	ssyncadd.tile.s32 @!p0 $0x1;
	_ =	shalt  }
.Lfunc_end2:
_tile_overlayer_lowered:
.L_overlay_start_2:
0x68: {  	(tag) =	ssettag $0x2  }
0x69: {  	s0 =	rddreg [dreg:$0x0];
	s2 =	stileid.u32  }
0x6a: {  	s1 =	rddreg [dreg:$0x1];
	p0 =	sne.s32 s2, $0x0  }
0x6b: {  	s3 =	rddreg [dreg:$0x2];
	[bflag:$0x3] =	sbarrier.arrive $0xFFFF;
	s2 =	simm.s32 @!p0 $0x1C01  }
0x6c: {  	[timem:s3], [sflag:s2] =	dma.local @!p0 [hbm:s0], s1  }
0x6d: {  	s0 =	simm.s32 @!p0 $0x1  }
0x6e: {  	_ =	swait.ge @!p0 [sflag:s0], s1  }
0x6f: {  	s1 =	ssub.s32 @!p0 $0x0, s1;
	[sflag:s0] =	ssyncset.done @!p0 $0x0  }
0x70: {  	[sflag:s0] =	ssyncadd.s32 @!p0 s1  }
0x71: {  	[bflag:$0x3] =	sbarrier.arrive $0xFFFF  }
0x72: {  	_ =	shalt  }

// kernel: kernel.14.cloned.1.call-start
scs
__scs_entry_jumppad:
0x0: {  	(pc) =	sbr.rel $0x88, $3  }
0x1: {  	(tag) =	ssettag $0x0;
	lr =	simm.s32 $0x1  }
0x2: {  	[smem:$0x3F99] =	sst lr;
	_ =	strace $0xD0000000  }
0x3: {  	_ = 	snop  }
0x4: {  	_ = 	snop  }
0x5: {  	_ = 	snop  }
0x6: {  	_ = 	snop  }
0x7: {  	_ = 	snop  }
__scs_overlays_trampoline_lowered:
0x8: {  	[smem:$0x3FA8] =	sst s0  }
0x9: {  	[smem:$0x3FA9] =	sst s1  }
0xa: {  	[smem:$0x3FAA] =	sst s2  }
0xb: {  	[smem:$0x3FAB] =	sst s3  }
0xc: {  	[smem:$0x3FAC] =	sst s4  }
0xd: {  	[smem:$0x3FAD] =	sst s5  }
0xe: {  	[smem:$0x3FAE] =	sst s6  }
0xf: {  	[smem:$0x3FAF] =	sst s7  }
0x10: {  	[smem:$0x3FB0] =	sst s8  }
0x11: {  	[smem:$0x3FB1] =	sst s9;
	s0 =	simm.s32 @!p0 $0x0  }
0x12: {  	s1 =	sld [smem:$0x3F97];
	s0 =	simm.s32 @p0 $0x1  }
0x13: {  	[smem:$0x3FB2] =	sst s0;
	s0 =	simm.s32 @!p1 $0x0  }
0x14: {  	s2 =	sld [smem:$0x3F96];
	s0 =	simm.s32 @p1 $0x1  }
0x15: {  	[smem:$0x3FB3] =	sst s0;
	s0 =	simm.s32 @!p2 $0x0  }
0x16: {  	s3 =	sld [smem:$0x3FDB];
	s0 =	simm.s32 @p2 $0x1  }
0x17: {  	s4 =	simm.s32 $0x1BF5;
	[smem:$0x3FB5] =	sst s0  }
0x18: {  	s0 =	sld [smem:$0x3F98];
	_ =	swait.ge [sflag:s4], $0x0  }
0x19: {  	s7 =	sld [smem:$0x3F99]  }
0x1a: {  	s8 =	sadd.s32 $0xFFFFE003, lr  }
0x1b: {  	s9 =	sadd.s32 $0xFFFFFEF7, lr;
	s5 =	simm.s32 $0xFFFFFFFF;
	p2 =	slt.u32 s8, $0xFFFFF086  }
0x1c: {  	p1 =	slt.u32 s9, $0xF7A;
	s5 =	simm.s32 @!p2 $0x0  }
0x1d: {  	s5 =	simm.s32 @p1 $0x1;
	p0 =	seq.s32 s7, s2  }
0x1e: {  	s7 =	smul.u32 @!p0 $0xF7A, s2;
	p2 =	seq.s32 @!p0 s5, $0x0  }
0x1f: {  	s9 =	smul.u32 $0xF7A, s1;
	s8 =	simm.s32 @!p0 $0x1BF5;
	p2 =	por !p2, p0  }
0x20: {  	[sflag:s8] =	ssyncset.s32 @!p0 $0xFFFFF086;
	s6 =	sadd.s32 @!p0 s3, s7;
	s7 =	simm.s32 @!p0 $0x108  }
0x21: {  	s3 =	sadd.s32 s3, s9;
	s6 =	sadd.s32 @!p0 $0x88, s6;
	s7 =	simm.s32 @p2 $0x1082  }
0x22: {  	[simem:s7], [sflag:s8] =	dma.local @!p0 [hbm:s6], $0xF7A  }
0x23: {  	s9 =	sor.u32 $0xD0000000, s2;
	s6 =	simm.s32 $0x108;
	_ =	swait.ge @!p0 [sflag:s8], $0x0  }
0x24: {  	s3 =	sadd.s32 $0x88, s3;
	s6 =	simm.s32 @!p1 $0x1082;
	[sflag:s4] =	ssyncset.s32 $0xFFFFF086  }
0x25: {  	[simem:s6], [sflag:s4] =	dma.local [hbm:s3], $0xF7A  }
0x26: {  	[smem:$0x3F99] =	sst s1;
	(tag) =	ssettag s2;
	_ =	strace s9  }
0x27: {  	s1 =	sld [smem:$0x3FA9]  }
0x28: {  	s2 =	sld [smem:$0x3FAA]  }
0x29: {  	s4 =	sld [smem:$0x3FAC]  }
0x2a: {  	p0 =	seq.s32 s5, $0x0;
	s5 =	sld [smem:$0x3FAD]  }
0x2b: {  	s6 =	sld [smem:$0x3FAE]  }
0x2c: {  	s7 =	sld [smem:$0x3FAF]  }
0x2d: {  	s3 =	simm.s32 $0x108;
	s8 =	sld [smem:$0x3FB0]  }
0x2e: {  	s3 =	simm.s32 @!p0 $0x1082;
	s9 =	sld [smem:$0x3FB1]  }
0x2f: {  	lr =	sadd.s32 s0, s3;
	s0 =	sld [smem:$0x3FA8]  }
0x30: {  	s3 =	sld [smem:$0x3FAB]  }
0x31: {  	[smem:$0x3FB4] =	sst s10  }
0x32: {  	s10 =	sld [smem:$0x3FB2];
	_ =	sdelay $0x3  }
0x33: {  	p0 =	seq.s32 s10, $0x1;
	s10 =	sld [smem:$0x3FB4];
	_ =	sdelay $0x3  }
0x34: {  	[smem:$0x3FB4] =	sst s10  }
0x35: {  	s10 =	sld [smem:$0x3FB3];
	_ =	sdelay $0x3  }
0x36: {  	p1 =	seq.s32 s10, $0x1;
	s10 =	sld [smem:$0x3FB4];
	_ =	sdelay $0x3  }
0x37: {  	[smem:$0x3FB4] =	sst s10  }
0x38: {  	s10 =	sld [smem:$0x3FB5]  }
0x39: {  	_ = 	snop;
	(pc) =	sbr.ind lr, $3  }
0x3a: {  	_ = 	snop  }
0x3b: {  	_ = 	snop  }
0x3c: {  	p2 =	seq.s32 s10, $0x1;
	s10 =	sld [smem:$0x3FB4]  }
0x3d: {  	_ =	shalt  }
0x3e: {  	_ =	shalt  }
0x3f: {  	_ =	shalt  }
0x40: {  	_ =	shalt  }
0x41: {  	_ =	shalt  }
0x42: {  	_ =	shalt  }
0x43: {  	_ =	shalt  }
0x44: {  	_ =	shalt  }
0x45: {  	_ =	shalt  }
0x46: {  	_ =	shalt  }
0x47: {  	_ =	shalt  }
0x48: {  	_ =	shalt  }
0x49: {  	_ =	shalt  }
0x4a: {  	_ =	shalt  }
0x4b: {  	_ =	shalt  }
0x4c: {  	_ =	shalt  }
0x4d: {  	_ =	shalt  }
0x4e: {  	_ =	shalt  }
0x4f: {  	_ =	shalt  }
0x50: {  	_ =	shalt  }
0x51: {  	_ =	shalt  }
0x52: {  	_ =	shalt  }
0x53: {  	_ =	shalt  }
0x54: {  	_ =	shalt  }
0x55: {  	_ =	shalt  }
0x56: {  	_ =	shalt  }
0x57: {  	_ =	shalt  }
0x58: {  	_ =	shalt  }
0x59: {  	_ =	shalt  }
0x5a: {  	_ =	shalt  }
0x5b: {  	_ =	shalt  }
0x5c: {  	_ =	shalt  }
0x5d: {  	_ =	shalt  }
0x5e: {  	_ =	shalt  }
0x5f: {  	_ =	shalt  }
0x60: {  	_ =	shalt  }
0x61: {  	_ =	shalt  }
0x62: {  	_ =	shalt  }
0x63: {  	_ =	shalt  }
0x64: {  	_ =	shalt  }
0x65: {  	_ =	shalt  }
0x66: {  	_ =	shalt  }
0x67: {  	_ =	shalt  }
0x68: {  	_ =	shalt  }
0x69: {  	_ =	shalt  }
0x6a: {  	_ =	shalt  }
0x6b: {  	_ =	shalt  }
0x6c: {  	_ =	shalt  }
0x6d: {  	_ =	shalt  }
0x6e: {  	_ =	shalt  }
0x6f: {  	_ =	shalt  }
0x70: {  	_ =	shalt  }
0x71: {  	_ =	shalt  }
0x72: {  	_ =	shalt  }
0x73: {  	_ =	shalt  }
0x74: {  	_ =	shalt  }
0x75: {  	_ =	shalt  }
0x76: {  	_ =	shalt  }
0x77: {  	_ =	shalt  }
0x78: {  	_ =	shalt  }
0x79: {  	_ =	shalt  }
0x7a: {  	_ =	shalt  }
0x7b: {  	_ =	shalt  }
0x7c: {  	_ =	shalt  }
0x7d: {  	_ =	shalt  }
0x7e: {  	_ =	shalt  }
0x7f: {  	_ =	shalt  }
0x80: {  	_ =	shalt  }
0x81: {  	_ =	shalt  }
0x82: {  	_ =	shalt  }
0x83: {  	_ =	shalt  }
0x84: {  	_ =	shalt  }
0x85: {  	_ =	shalt  }
0x86: {  	_ =	shalt  }
0x87: {  	_ =	shalt  }
.Lfunc_end0:
.L_simem_size_0:
called_computation.1_lowered:
.L_overlay_start_0:
0x88: {  	s2 =	sld [smem:$0x3FD9]  }
0x89: {  	s3 =	sld [smem:$0x3FFE];
	_ =	sdelay $0x1  }
0x8a: {  	s1 =	srdreg.scid  }
0x8b: {  	s0 =	sand.u32 $0x1, s1  }
0x8c: {  	s17 =	sshll.u32 s0, $0xA;
	s2 =	sadd.s32 s3, s2  }
0x8d: {  	s2 =	sadd.s32 s2, s17  }
0x8e: {  	[smem:$0x3FC0] =	sst s2  }
0x8f: {  	_ = 	snop  }
0x90: {  	s2 =	sld [smem:$0x3FD0];
	(tm) =	ssettm $0x1  }
0x91: {  	s18 =	sld [smem:$0x3FFB];
	_ =	sdelay $0x3  }
0x92: {  	_ =	strace s18  }
0x93: {  	s3 =	sld [smem:$0x3FFC];
	_ =	sdelay $0x3  }
0x94: {  	_ =	strace s3  }
0x95: {  	s3 =	sld [smem:$0x3FFD];
	_ =	sdelay $0x3  }
0x96: {  	_ =	strace s3  }
0x97: {  	_ =	strace $0x8FFFFFFF  }
0x98: {  	s19 =	sld [smem:$0x3FDB];
	_ =	sdelay $0x1  }
0x99: {  	s4 =	simm.s32 $_scs_section_size  }
0x9a: {  	s5 =	simm.s32 $_size__tile_overlayer_lowered;
	s6 =	simm.s32 $_tile_overlayer_lowered  }
0x9b: {  	s22 =	simm.s32 $0x1BFF;
	s21 =	sshll.u32 s6, $0x1;
	s3 =	sadd.s32 s4, s19  }
0x9c: {  	s7 =	simm.s32 $0x0;
	s20 =	sshll.u32 s5, $0x1;
	s5 =	sadd.s32 s21, s3  }
0x9d: {  	[timem:s7], [sflag:s22] =	dma.local [hbm:s5], s20  }
0x9e: {  	_ =	swait.ge [sflag:s22], s20  }
0x9f: {  	s4 =	ssub.s32 $0x0, s20;
	[sflag:s22] =	ssyncset.done $0x0  }
0xa0: {  	[sflag:s22] =	ssyncadd.s32 s4;
	_ =	sdelay $0x1  }
0xa1: {  	s23 =	simm.s32 $0x1B8B  }
0xa2: {  	_ =	swait.ge [sflag:s23], $0x1  }
0xa3: {  	[sflag:s23] =	ssyncset.done $0x0  }
0xa4: {  	s25 =	simm.s32 $0x1B8E;
	s24 =	sld [smem:$0x3FFE];
	[sflag:s23] =	ssyncadd.s32 $0xFFFFFFFF  }
0xa5: {  	s26 =	simm.s32 $execute0_lowered;
	[smem:$0x3FD2] =	sst s25  }
0xa6: {  	s5 =	sshll.u32 s26, $0x1;
	_ =	strace $0x80000049;
	[dreg:$0x1] =	wrdreg $0xFFFFFFFF  }
0xa7: {  	s28 =	simm.s32 $_size_execute0_lowered;
	s3 =	sadd.s32 s3, s5;
	[dreg:$0x0] =	wrdreg $0x0  }
0xa8: {  	s5 =	sshll.u32 s28, $0x1;
	[dreg:$0x2] =	wrdreg s3  }
0xa9: {  	[dreg:$0x3] =	wrdreg s5  }
0xaa: {  	[dreg:$0x4] =	wrdreg $0xC0  }
0xab: {  	_ =	task [dreg:s7], $0x5FFFF  }
0xac: {  	[dreg:$0x1] =	wrdreg $0xFFFFFFFF  }
0xad: {  	[dreg:$0x0] =	wrdreg $0x60  }
0xae: {  	[dreg:$0x2] =	wrdreg s24  }
0xaf: {  	[dreg:$0x3] =	wrdreg s2  }
0xb0: {  	[dreg:$0x4] =	wrdreg $0x9C000  }
0xb1: {  	[dreg:$0x5] =	wrdreg $0x9  }
0xb2: {  	_ =	task.clear_ibuf [dreg:s7], $0x6FFFF;
	_ =	strace $0x90000049  }
0xb3: {  	s29 =	simm.s32 $0x9;
	_ =	strace $0x8000004B  }
0xb4: {  	_ =	swait.ge [sflag:s29], $0x1  }
0xb5: {  	[sflag:s29] =	ssyncadd.s32 $0xFFFFFFFF  }
0xb6: {  	_ =	strace $0x9000004B  }
0xb7: {  	_ =	sfence  }
0xb8: {  	s30 =	sld [smem:$0x0];
	_ =	sdelay $0x2  }
0xb9: {  	s31 =	sshll.u32 s1, $0xD;
	s1 =	sshrl.u32 s1, $0x2  }
0xba: {  	s3 =	sand.u32 $0x4000, s31;
	s1 =	sadd.s32 s1, s30  }
0xbb: {  	s0 =	sor.u32 s3, s0;
	s1 =	sshll.u32 s1, $0x11  }
0xbc: {  	s0 =	sor.u32 s1, s0  }
0xbd: {  	s0 =	sadd.s32 $0x8F2B, s0  }
0xbe: {  	[sflag:s0] =	ssyncadd.remote.s32 $0x1  }
0xbf: {  	_ =	sfence.sel $0xFFFF  }
0xc0: {  	[dreg:$0x0] =	wrdreg $0xFFFFFFFF;
	(pc) =	sbr.abs _section_cstart, $3  }
0xc1: {  	[dreg:$0x1] =	wrdreg $0xFFFFFFFF  }
0xc2: {  	_ =	task.clear_ibuf [dreg:s7], $0x2FFFF;
	_ =	strace $0x9FFFFFFF  }
0xc3: {  	(tm) =	ssettm $0x7FFFFFFF  }
tec
execute0_lowered:
.L_overlay_start_1:
0x0: {  	(tag) =	ssettag $0x1  }
0x1: {  	s6 =	rddreg [dreg:$0x0]  }
0x2: {  	s13 =	rddreg [dreg:$0x1]  }
0x3: {  	s1 =	rddreg [dreg:$0x2]  }
0x4: {  	s2 =	srdreg.scid;
	s0 =	rddreg [dreg:$0x3];
	s3 =	simm.s32 $0x0  }
0x5: {  	s17 =	simm.s32 $0x3400;
	s5 =	sand.u32 $0x1, s2;
	s2 =	stileid.u32  }
0x6: {  	s18 =	simm.s32 $0x64;
	[smem:$0x7FF] =	sst s3;
	s8 =	smul.u32 $0x4F000, s2  }
0x7: {  	s4 =	sshll.u32 s5, $0x4;
	_ =	strace $0x8000004A;
	s29 =	smul.u32 $0x27800, s5  }
0x8: {  	s9 =	ssub.s32 $0x2, s5;
	s20 =	smul.u32 $0x2780, s2;
	s21 =	sshll.u32 s2, $0x6  }
0x9: {  	s7 =	sor.u32 s2, s4;
	s4 =	sadd.s32 $0x4200, s6;
	s31 =	sshrl.u32 s9, $0x1  }
0xa: {  	s14 =	smul.u32 $0x680, s7;
	s30 =	sshrl.u32 s8, $0x2;
	s15 =	sadd.s32 s29, s6  }
0xb: {  	s16 =	ssub.s32 s9, s31;
	s5 =	sadd.s32 s30, s1;
	s19 =	sadd.s32 $0x60200, s15  }
0xc: {  	s15 =	simm.s32 $0x6800;
	s12 =	sadd.s32 s14, s6;
	s6 =	sadd.s32 $0x3200, s5  }
0xd: {  	s7 =	sadd.s32 $0x6400, s5;
	s8 =	sadd.s32 $0x9600, s5;
	s9 =	sadd.s32 $0xC800, s5  }
0xe: {  	s10 =	sadd.s32 $0xFA00, s5;
	s11 =	sadd.s32 $0x12C00, s5;
	s13 =	sadd.s32 s13, s14  }
0xf: {  	s14 =	smax.u32 s16, $0x1;
	s16 =	simm.s32 $0x1;
	s19 =	sadd.s32 s20, s19  }
0x10: {  	v0 =	vimm.f32 $0.0e+00;
	s20 =	sor.u32 $0x1C01, s21;
	s21 =	sshrl.u32 s5, $0x3;
	s12 =	sadd.s32 $0x53200, s12  }
.LBB2_1:
0x11: {  	s22 =	simm.s32 $0x0;
	s23 =	simm.s32 $0x200  }
.LBB2_2:
0x12: {  	p0 =	sne.s32 s23, $0xC600;
	[tilespmem:s22+$0x6870] =	vst v0  }
0x13: {  	[tilespmem:s22+$0x6800] =	vst v0  }
0x14: {  	[tilespmem:s22+$0x6810] =	vst v0  }
.Ltmp0:
0x15: {  	[tilespmem:s22+$0x6820] =	vst v0;
	(pc) =	sbr.rel @p0 .LBB2_2-.Ltmp0, $4  }
0x16: {  	[tilespmem:s22+$0x6830] =	vst v0  }
0x17: {  	[tilespmem:s22+$0x6840] =	vst v0  }
0x18: {  	[tilespmem:s22+$0x6850] =	vst v0  }
0x19: {  	[tilespmem:s22+$0x6860] =	vst v0;
	s22 =	sshra.s32 s23, $0x2;
	s23 =	sadd.s32 $0x200, s23  }
0x1a: {  	[tilespmem:s22+$0x6870] =	vst v0  }
0x1b: {  	[tilespmem:s22+$0x6800] =	vst v0  }
0x1c: {  	[tilespmem:s22+$0x6810] =	vst v0  }
0x1d: {  	[tilespmem:s22+$0x6820] =	vst v0  }
0x1e: {  	[tilespmem:s22+$0x6830] =	vst v0  }
0x1f: {  	[tilespmem:s22+$0x6840] =	vst v0  }
0x20: {  	[tilespmem:s22+$0x6850] =	vst v0  }
0x21: {  	[tilespmem:s22+$0x6860] =	vst v0  }
0x22: {  	[spmem:s5] =	stream.linear.scatter [tilespmem:s15], [sflag:$0x1], $0x3200, $0x38;
	[tilespmem:$0x1D800] =	vst v63  }
0x23: {  	_ =	swait.ge [sflag:s16], $0x3200  }
0x24: {  	[sflag:s16] =	ssyncset.done $0x0  }
0x25: {  	[sflag:s16] =	ssyncadd.s32 $0xFFFFCE00  }
0x26: {  	[spmem:s6] =	stream.linear.scatter [tilespmem:s15], [sflag:$0x1], $0x3200, $0x38;
	[tilespmem:$0x1D800] =	vst v63  }
0x27: {  	_ =	swait.ge [sflag:s16], $0x3200  }
0x28: {  	[sflag:s16] =	ssyncset.done $0x0  }
0x29: {  	[sflag:s16] =	ssyncadd.s32 $0xFFFFCE00  }
0x2a: {  	[spmem:s7] =	stream.linear.scatter [tilespmem:s15], [sflag:$0x1], $0x3200, $0x38;
	[tilespmem:$0x1D800] =	vst v63  }
0x2b: {  	_ =	swait.ge [sflag:s16], $0x3200  }
0x2c: {  	[sflag:s16] =	ssyncset.done $0x0  }
0x2d: {  	[sflag:s16] =	ssyncadd.s32 $0xFFFFCE00  }
0x2e: {  	[spmem:s8] =	stream.linear.scatter [tilespmem:s15], [sflag:$0x1], $0x3200, $0x38;
	[tilespmem:$0x1D800] =	vst v63  }
0x2f: {  	_ =	swait.ge [sflag:s16], $0x3200  }
0x30: {  	[sflag:s16] =	ssyncset.done $0x0  }
0x31: {  	[sflag:s16] =	ssyncadd.s32 $0xFFFFCE00  }
0x32: {  	[spmem:s9] =	stream.linear.scatter [tilespmem:s15], [sflag:$0x1], $0x3200, $0x38;
	[tilespmem:$0x1D800] =	vst v63  }
0x33: {  	_ =	swait.ge [sflag:s16], $0x3200  }
0x34: {  	[sflag:s16] =	ssyncset.done $0x0  }
0x35: {  	[sflag:s16] =	ssyncadd.s32 $0xFFFFCE00  }
0x36: {  	[spmem:s10] =	stream.linear.scatter [tilespmem:s15], [sflag:$0x1], $0x3200, $0x38;
	[tilespmem:$0x1D800] =	vst v63  }
0x37: {  	_ =	swait.ge [sflag:s16], $0x3200  }
0x38: {  	[sflag:s16] =	ssyncset.done $0x0  }
0x39: {  	[sflag:s16] =	ssyncadd.s32 $0xFFFFCE00  }
0x3a: {  	[spmem:s11] =	stream.linear.scatter [tilespmem:s15], [sflag:$0x1], $0x1000, $0x38;
	[tilespmem:$0x1D800] =	vst v63  }
0x3b: {  	_ =	swait.ge [sflag:s16], $0x1000  }
0x3c: {  	[sflag:s16] =	ssyncset.done $0x0  }
0x3d: {  	s29 =	simm.s32 $0x0;
	[sflag:s16] =	ssyncadd.s32 $0xFFFFF000  }
0x3e: {  	[tilespmem:s29], [sflag:$0x1] =	stream.linear.gather [hbm4b:s12+s29], $0x3200, $0x38;
	[tilespmem:$0x1D800] =	vst v63  }
0x3f: {  	_ =	swait.ge [sflag:s16], $0x3200  }
0x40: {  	[sflag:s16] =	ssyncset.done $0x0  }
0x41: {  	[sflag:s16] =	ssyncadd.s32 $0xFFFFCE00  }
0x42: {  	[tilespmem:s17], [sflag:$0x1] =	stream.linear.gather [hbm4b:s13+s29], $0x3200, $0x38;
	[tilespmem:$0x1D800] =	vst v63  }
0x43: {  	_ =	swait.ge [sflag:s16], $0x3200  }
0x44: {  	[sflag:s16] =	ssyncset.done $0x0  }
0x45: {  	[sflag:s16] =	ssyncadd.s32 $0xFFFFCE00  }
0x46: {  	s30 =	simm.s32 $0x0;
	[bflag:$0x0] =	sbarrier.arrive $0xFFFF  }
0x47: {  	[tilespmem:s15], [sflag:$0x1] =	stream.indirect.gather [hbm4b:s4+s18], $0x80, s30, s18, $0xb8;
	[tilespmem:$0x1D800] =	vst v63  }
0x48: {  	_ =	swait.ge [sflag:s16], $0x3200  }
0x49: {  	[sflag:s16] =	ssyncset.done $0x0  }
0x4a: {  	s31 =	simm.s32 $0x3400;
	[sflag:s16] =	ssyncadd.s32 $0xFFFFCE00  }
0x4b: {  	[spmem:s1] =	stream.indirect.scatter.add.f32 [tilespmem:s15], [sflag:$0x1], $0x80, s31, s18, $0xb8;
	[tilespmem:$0x1D800] =	vst v63  }
0x4c: {  	_ =	swait.ge [sflag:s16], $0x3200  }
0x4d: {  	s22 =	simm.s32 $0x200;
	s23 =	simm.s32 $0x400;
	[sflag:s16] =	ssyncset.done $0x0  }
.LBB2_4:
0x4e: {  	s24 =	sshra.s32 s22, $0x2  }
0x4f: {  	[sflag:s16] =	ssyncadd.s32 $0xFFFFCE00;
	s22 =	smov.u32 s23;
	s25 =	sadd.s32 $0x200, s23  }
0x50: {  	[tilespmem:s15], [sflag:$0x1] =	stream.indirect.gather [hbm4b:s4+s18], $0x80, s24, s18, $0xb8;
	[tilespmem:$0x1D800] =	vst v63  }
0x51: {  	p0 =	sne.s32 s23, $0xC600;
	_ =	swait.ge [sflag:s16], $0x3200  }
.Ltmp1:
0x52: {  	[sflag:s16] =	ssyncset.done $0x0;
	(pc) =	sbr.rel @p0 .LBB2_4-.Ltmp1, $4  }
0x53: {  	s23 =	sadd.s32 $0x3400, s24;
	[sflag:s16] =	ssyncadd.s32 $0xFFFFCE00  }
0x54: {  	[spmem:s1] =	stream.indirect.scatter.add.f32 [tilespmem:s15], [sflag:$0x1], $0x80, s23, s18, $0xb8;
	[tilespmem:$0x1D800] =	vst v63  }
0x55: {  	_ =	swait.ge [sflag:s16], $0x3200  }
0x56: {  	s23 =	smov.u32 s25;
	[sflag:s16] =	ssyncset.done $0x0  }
0x57: {  	s22 =	sshra.s32 s22, $0x2;
	[sflag:s16] =	ssyncadd.s32 $0xFFFFCE00  }
0x58: {  	[tilespmem:s15], [sflag:$0x1] =	stream.indirect.gather [hbm4b:s4+s18], $0x80, s22, s18, $0xb8;
	[tilespmem:$0x1D800] =	vst v63  }
0x59: {  	_ =	swait.ge [sflag:s16], $0x3200  }
0x5a: {  	[sflag:s16] =	ssyncset.done $0x0  }
0x5b: {  	s22 =	sadd.s32 $0x3400, s22;
	[sflag:s16] =	ssyncadd.s32 $0xFFFFCE00  }
0x5c: {  	[spmem:s1] =	stream.indirect.scatter.add.f32 [tilespmem:s15], [sflag:$0x1], $0x80, s22, s18, $0xb8;
	[tilespmem:$0x1D800] =	vst v63  }
0x5d: {  	_ =	swait.ge [sflag:s16], $0x3200  }
0x5e: {  	s3 =	sadd.s32 $0x1, s3;
	[sflag:s16] =	ssyncset.done $0x0  }
0x5f: {  	p0 =	sne.s32 s3, s14;
	[sflag:s16] =	ssyncadd.s32 $0xFFFFCE00  }
.Ltmp2:
0x60: {  	[bflag:$0x0] =	sbarrier.arrive $0xFFFF;
	(pc) =	sbr.rel @p0 .LBB2_1-.Ltmp2, $4  }
0x61: {  	[hbm:s19], [sflag:s20] =	dma.local [spmem:s21], $0x2780  }
0x62: {  	_ =	swait.ge [sflag:s16], $0x2780  }
0x63: {  	[sflag:s16] =	ssyncset.done $0x0  }
0x64: {  	[sflag:s16] =	ssyncadd.s32 $0xFFFFD880  }
0x65: {  	_ =	sfence.sel $0x180000  }
0x66: {  	[bflag:$0x0] =	sbarrier.arrive $0xFFFF  }
0x67: {  	p0 =	sne.s32 s2, $0x0;
	_ =	strace $0x9000004A  }
0x68: {  	s0 =	sadd.s32 @!p0 $0x100000, s0;
	[bflag:$0x2] =	sbarrier.arrive $0xFFFF  }
0x69: {  	[sflag:s0] =	ssyncadd.tile.s32 @!p0 $0x1;
	_ =	shalt  }
.Lfunc_end2:
_tile_overlayer_lowered:
.L_overlay_start_2:
0x6a: {  	(tag) =	ssettag $0x2  }
0x6b: {  	s0 =	rddreg [dreg:$0x0];
	s2 =	stileid.u32  }
0x6c: {  	s1 =	rddreg [dreg:$0x1];
	p0 =	sne.s32 s2, $0x0  }
0x6d: {  	s3 =	rddreg [dreg:$0x2];
	[bflag:$0x3] =	sbarrier.arrive $0xFFFF;
	s2 =	simm.s32 @!p0 $0x1C01  }
0x6e: {  	[timem:s3], [sflag:s2] =	dma.local @!p0 [hbm:s0], s1  }
0x6f: {  	s0 =	simm.s32 @!p0 $0x1  }
0x70: {  	_ =	swait.ge @!p0 [sflag:s0], s1  }
0x71: {  	s1 =	ssub.s32 @!p0 $0x0, s1;
	[sflag:s0] =	ssyncset.done @!p0 $0x0  }
0x72: {  	[sflag:s0] =	ssyncadd.s32 @!p0 s1  }
0x73: {  	[bflag:$0x3] =	sbarrier.arrive $0xFFFF  }
0x74: {  	_ =	shalt  }

// kernel: kernel.17.cloned.1.call-start
scs
__scs_entry_jumppad:
0x0: {  	(pc) =	sbr.rel $0x88, $3  }
0x1: {  	(tag) =	ssettag $0x0;
	lr =	simm.s32 $0x1  }
0x2: {  	[smem:$0x3F99] =	sst lr;
	_ =	strace $0xD0000000  }
0x3: {  	_ = 	snop  }
0x4: {  	_ = 	snop  }
0x5: {  	_ = 	snop  }
0x6: {  	_ = 	snop  }
0x7: {  	_ = 	snop  }
__scs_overlays_trampoline_lowered:
0x8: {  	[smem:$0x3FA8] =	sst s0  }
0x9: {  	[smem:$0x3FA9] =	sst s1  }
0xa: {  	[smem:$0x3FAA] =	sst s2  }
0xb: {  	[smem:$0x3FAB] =	sst s3  }
0xc: {  	[smem:$0x3FAC] =	sst s4  }
0xd: {  	[smem:$0x3FAD] =	sst s5  }
0xe: {  	[smem:$0x3FAE] =	sst s6  }
0xf: {  	[smem:$0x3FAF] =	sst s7  }
0x10: {  	[smem:$0x3FB0] =	sst s8  }
0x11: {  	[smem:$0x3FB1] =	sst s9;
	s0 =	simm.s32 @!p0 $0x0  }
0x12: {  	s1 =	sld [smem:$0x3F97];
	s0 =	simm.s32 @p0 $0x1  }
0x13: {  	[smem:$0x3FB2] =	sst s0;
	s0 =	simm.s32 @!p1 $0x0  }
0x14: {  	s2 =	sld [smem:$0x3F96];
	s0 =	simm.s32 @p1 $0x1  }
0x15: {  	[smem:$0x3FB3] =	sst s0;
	s0 =	simm.s32 @!p2 $0x0  }
0x16: {  	s3 =	sld [smem:$0x3FDB];
	s0 =	simm.s32 @p2 $0x1  }
0x17: {  	s4 =	simm.s32 $0x1BF5;
	[smem:$0x3FB5] =	sst s0  }
0x18: {  	s0 =	sld [smem:$0x3F98];
	_ =	swait.ge [sflag:s4], $0x0  }
0x19: {  	s7 =	sld [smem:$0x3F99]  }
0x1a: {  	s8 =	sadd.s32 $0xFFFFE003, lr  }
0x1b: {  	s9 =	sadd.s32 $0xFFFFFEF7, lr;
	s5 =	simm.s32 $0xFFFFFFFF;
	p2 =	slt.u32 s8, $0xFFFFF086  }
0x1c: {  	p1 =	slt.u32 s9, $0xF7A;
	s5 =	simm.s32 @!p2 $0x0  }
0x1d: {  	s5 =	simm.s32 @p1 $0x1;
	p0 =	seq.s32 s7, s2  }
0x1e: {  	s7 =	smul.u32 @!p0 $0xF7A, s2;
	p2 =	seq.s32 @!p0 s5, $0x0  }
0x1f: {  	s9 =	smul.u32 $0xF7A, s1;
	s8 =	simm.s32 @!p0 $0x1BF5;
	p2 =	por !p2, p0  }
0x20: {  	[sflag:s8] =	ssyncset.s32 @!p0 $0xFFFFF086;
	s6 =	sadd.s32 @!p0 s3, s7;
	s7 =	simm.s32 @!p0 $0x108  }
0x21: {  	s3 =	sadd.s32 s3, s9;
	s6 =	sadd.s32 @!p0 $0x88, s6;
	s7 =	simm.s32 @p2 $0x1082  }
0x22: {  	[simem:s7], [sflag:s8] =	dma.local @!p0 [hbm:s6], $0xF7A  }
0x23: {  	s9 =	sor.u32 $0xD0000000, s2;
	s6 =	simm.s32 $0x108;
	_ =	swait.ge @!p0 [sflag:s8], $0x0  }
0x24: {  	s3 =	sadd.s32 $0x88, s3;
	s6 =	simm.s32 @!p1 $0x1082;
	[sflag:s4] =	ssyncset.s32 $0xFFFFF086  }
0x25: {  	[simem:s6], [sflag:s4] =	dma.local [hbm:s3], $0xF7A  }
0x26: {  	[smem:$0x3F99] =	sst s1;
	(tag) =	ssettag s2;
	_ =	strace s9  }
0x27: {  	s1 =	sld [smem:$0x3FA9]  }
0x28: {  	s2 =	sld [smem:$0x3FAA]  }
0x29: {  	s4 =	sld [smem:$0x3FAC]  }
0x2a: {  	p0 =	seq.s32 s5, $0x0;
	s5 =	sld [smem:$0x3FAD]  }
0x2b: {  	s6 =	sld [smem:$0x3FAE]  }
0x2c: {  	s7 =	sld [smem:$0x3FAF]  }
0x2d: {  	s3 =	simm.s32 $0x108;
	s8 =	sld [smem:$0x3FB0]  }
0x2e: {  	s3 =	simm.s32 @!p0 $0x1082;
	s9 =	sld [smem:$0x3FB1]  }
0x2f: {  	lr =	sadd.s32 s0, s3;
	s0 =	sld [smem:$0x3FA8]  }
0x30: {  	s3 =	sld [smem:$0x3FAB]  }
0x31: {  	[smem:$0x3FB4] =	sst s10  }
0x32: {  	s10 =	sld [smem:$0x3FB2];
	_ =	sdelay $0x3  }
0x33: {  	p0 =	seq.s32 s10, $0x1;
	s10 =	sld [smem:$0x3FB4];
	_ =	sdelay $0x3  }
0x34: {  	[smem:$0x3FB4] =	sst s10  }
0x35: {  	s10 =	sld [smem:$0x3FB3];
	_ =	sdelay $0x3  }
0x36: {  	p1 =	seq.s32 s10, $0x1;
	s10 =	sld [smem:$0x3FB4];
	_ =	sdelay $0x3  }
0x37: {  	[smem:$0x3FB4] =	sst s10  }
0x38: {  	s10 =	sld [smem:$0x3FB5]  }
0x39: {  	_ = 	snop;
	(pc) =	sbr.ind lr, $3  }
0x3a: {  	_ = 	snop  }
0x3b: {  	_ = 	snop  }
0x3c: {  	p2 =	seq.s32 s10, $0x1;
	s10 =	sld [smem:$0x3FB4]  }
0x3d: {  	_ =	shalt  }
0x3e: {  	_ =	shalt  }
0x3f: {  	_ =	shalt  }
0x40: {  	_ =	shalt  }
0x41: {  	_ =	shalt  }
0x42: {  	_ =	shalt  }
0x43: {  	_ =	shalt  }
0x44: {  	_ =	shalt  }
0x45: {  	_ =	shalt  }
0x46: {  	_ =	shalt  }
0x47: {  	_ =	shalt  }
0x48: {  	_ =	shalt  }
0x49: {  	_ =	shalt  }
0x4a: {  	_ =	shalt  }
0x4b: {  	_ =	shalt  }
0x4c: {  	_ =	shalt  }
0x4d: {  	_ =	shalt  }
0x4e: {  	_ =	shalt  }
0x4f: {  	_ =	shalt  }
0x50: {  	_ =	shalt  }
0x51: {  	_ =	shalt  }
0x52: {  	_ =	shalt  }
0x53: {  	_ =	shalt  }
0x54: {  	_ =	shalt  }
0x55: {  	_ =	shalt  }
0x56: {  	_ =	shalt  }
0x57: {  	_ =	shalt  }
0x58: {  	_ =	shalt  }
0x59: {  	_ =	shalt  }
0x5a: {  	_ =	shalt  }
0x5b: {  	_ =	shalt  }
0x5c: {  	_ =	shalt  }
0x5d: {  	_ =	shalt  }
0x5e: {  	_ =	shalt  }
0x5f: {  	_ =	shalt  }
0x60: {  	_ =	shalt  }
0x61: {  	_ =	shalt  }
0x62: {  	_ =	shalt  }
0x63: {  	_ =	shalt  }
0x64: {  	_ =	shalt  }
0x65: {  	_ =	shalt  }
0x66: {  	_ =	shalt  }
0x67: {  	_ =	shalt  }
0x68: {  	_ =	shalt  }
0x69: {  	_ =	shalt  }
0x6a: {  	_ =	shalt  }
0x6b: {  	_ =	shalt  }
0x6c: {  	_ =	shalt  }
0x6d: {  	_ =	shalt  }
0x6e: {  	_ =	shalt  }
0x6f: {  	_ =	shalt  }
0x70: {  	_ =	shalt  }
0x71: {  	_ =	shalt  }
0x72: {  	_ =	shalt  }
0x73: {  	_ =	shalt  }
0x74: {  	_ =	shalt  }
0x75: {  	_ =	shalt  }
0x76: {  	_ =	shalt  }
0x77: {  	_ =	shalt  }
0x78: {  	_ =	shalt  }
0x79: {  	_ =	shalt  }
0x7a: {  	_ =	shalt  }
0x7b: {  	_ =	shalt  }
0x7c: {  	_ =	shalt  }
0x7d: {  	_ =	shalt  }
0x7e: {  	_ =	shalt  }
0x7f: {  	_ =	shalt  }
0x80: {  	_ =	shalt  }
0x81: {  	_ =	shalt  }
0x82: {  	_ =	shalt  }
0x83: {  	_ =	shalt  }
0x84: {  	_ =	shalt  }
0x85: {  	_ =	shalt  }
0x86: {  	_ =	shalt  }
0x87: {  	_ =	shalt  }
.Lfunc_end0:
.L_simem_size_0:
called_computation.2_lowered:
.L_overlay_start_0:
0x88: {  	s2 =	sld [smem:$0x3FD9]  }
0x89: {  	s3 =	sld [smem:$0x3FFE];
	_ =	sdelay $0x1  }
0x8a: {  	s1 =	srdreg.scid  }
0x8b: {  	s0 =	sand.u32 $0x1, s1  }
0x8c: {  	s17 =	sshll.u32 s0, $0xA;
	s2 =	sadd.s32 s3, s2  }
0x8d: {  	s2 =	sadd.s32 s2, s17  }
0x8e: {  	[smem:$0x3FC0] =	sst s2  }
0x8f: {  	_ = 	snop  }
0x90: {  	s2 =	sld [smem:$0x3FD0];
	(tm) =	ssettm $0x1  }
0x91: {  	s18 =	sld [smem:$0x3FFB];
	_ =	sdelay $0x3  }
0x92: {  	_ =	strace s18  }
0x93: {  	s3 =	sld [smem:$0x3FFC];
	_ =	sdelay $0x3  }
0x94: {  	_ =	strace s3  }
0x95: {  	s3 =	sld [smem:$0x3FFD];
	_ =	sdelay $0x3  }
0x96: {  	_ =	strace s3  }
0x97: {  	_ =	strace $0x8FFFFFFF  }
0x98: {  	s19 =	sld [smem:$0x3FDB];
	_ =	sdelay $0x1  }
0x99: {  	s4 =	simm.s32 $_scs_section_size  }
0x9a: {  	s5 =	simm.s32 $_size__tile_overlayer_lowered;
	s6 =	simm.s32 $_tile_overlayer_lowered  }
0x9b: {  	s22 =	simm.s32 $0x1BFF;
	s21 =	sshll.u32 s6, $0x1;
	s3 =	sadd.s32 s4, s19  }
0x9c: {  	s7 =	simm.s32 $0x0;
	s20 =	sshll.u32 s5, $0x1;
	s5 =	sadd.s32 s21, s3  }
0x9d: {  	[timem:s7], [sflag:s22] =	dma.local [hbm:s5], s20  }
0x9e: {  	_ =	swait.ge [sflag:s22], s20  }
0x9f: {  	s4 =	ssub.s32 $0x0, s20;
	[sflag:s22] =	ssyncset.done $0x0  }
0xa0: {  	[sflag:s22] =	ssyncadd.s32 s4;
	_ =	sdelay $0x1  }
0xa1: {  	s23 =	simm.s32 $0x1B8B  }
0xa2: {  	_ =	swait.ge [sflag:s23], $0x1  }
0xa3: {  	[sflag:s23] =	ssyncset.done $0x0  }
0xa4: {  	s25 =	simm.s32 $0x1B8E;
	s24 =	sld [smem:$0x3FFE];
	[sflag:s23] =	ssyncadd.s32 $0xFFFFFFFF  }
0xa5: {  	s26 =	simm.s32 $execute0_lowered;
	[smem:$0x3FD2] =	sst s25  }
0xa6: {  	s5 =	sshll.u32 s26, $0x1;
	_ =	strace $0x8000004C;
	[dreg:$0x1] =	wrdreg $0xFFFFFFFF  }
0xa7: {  	s28 =	simm.s32 $_size_execute0_lowered;
	s3 =	sadd.s32 s3, s5;
	[dreg:$0x0] =	wrdreg $0x0  }
0xa8: {  	s5 =	sshll.u32 s28, $0x1;
	[dreg:$0x2] =	wrdreg s3  }
0xa9: {  	[dreg:$0x3] =	wrdreg s5  }
0xaa: {  	[dreg:$0x4] =	wrdreg $0xC0  }
0xab: {  	_ =	task [dreg:s7], $0x5FFFF  }
0xac: {  	[dreg:$0x1] =	wrdreg $0xFFFFFFFF  }
0xad: {  	[dreg:$0x0] =	wrdreg $0x60  }
0xae: {  	[dreg:$0x2] =	wrdreg s24  }
0xaf: {  	[dreg:$0x3] =	wrdreg s2  }
0xb0: {  	[dreg:$0x4] =	wrdreg $0x9C000  }
0xb1: {  	[dreg:$0x5] =	wrdreg $0x9  }
0xb2: {  	_ =	task.clear_ibuf [dreg:s7], $0x6FFFF;
	_ =	strace $0x9000004C  }
0xb3: {  	s29 =	simm.s32 $0x9;
	_ =	strace $0x8000004E  }
0xb4: {  	_ =	swait.ge [sflag:s29], $0x1  }
0xb5: {  	[sflag:s29] =	ssyncadd.s32 $0xFFFFFFFF  }
0xb6: {  	_ =	strace $0x9000004E  }
0xb7: {  	_ =	sfence  }
0xb8: {  	s30 =	sld [smem:$0x0];
	_ =	sdelay $0x2  }
0xb9: {  	s31 =	sshll.u32 s1, $0xD;
	s1 =	sshrl.u32 s1, $0x2  }
0xba: {  	s3 =	sand.u32 $0x4000, s31;
	s1 =	sadd.s32 s1, s30  }
0xbb: {  	s0 =	sor.u32 s3, s0;
	s1 =	sshll.u32 s1, $0x11  }
0xbc: {  	s0 =	sor.u32 s1, s0  }
0xbd: {  	s0 =	sadd.s32 $0x8F2B, s0  }
0xbe: {  	[sflag:s0] =	ssyncadd.remote.s32 $0x1  }
0xbf: {  	_ =	sfence.sel $0xFFFF  }
0xc0: {  	[dreg:$0x0] =	wrdreg $0xFFFFFFFF;
	(pc) =	sbr.abs _section_cstart, $3  }
0xc1: {  	[dreg:$0x1] =	wrdreg $0xFFFFFFFF  }
0xc2: {  	_ =	task.clear_ibuf [dreg:s7], $0x2FFFF;
	_ =	strace $0x9FFFFFFF  }
0xc3: {  	(tm) =	ssettm $0x7FFFFFFF  }
tec
execute0_lowered:
.L_overlay_start_1:
0x0: {  	(tag) =	ssettag $0x1  }
0x1: {  	s6 =	rddreg [dreg:$0x0]  }
0x2: {  	s13 =	rddreg [dreg:$0x1]  }
0x3: {  	s1 =	rddreg [dreg:$0x2]  }
0x4: {  	s2 =	srdreg.scid;
	s0 =	rddreg [dreg:$0x3];
	s3 =	simm.s32 $0x0  }
0x5: {  	s17 =	simm.s32 $0x3400;
	s5 =	sand.u32 $0x1, s2;
	s2 =	stileid.u32  }
0x6: {  	s18 =	simm.s32 $0x64;
	[smem:$0x7FF] =	sst s3;
	s8 =	smul.u32 $0x4F000, s2  }
0x7: {  	s4 =	sshll.u32 s5, $0x4;
	_ =	strace $0x8000004D;
	s29 =	smul.u32 $0x27800, s5  }
0x8: {  	s9 =	ssub.s32 $0x2, s5;
	s20 =	smul.u32 $0x2780, s2;
	s21 =	sshll.u32 s2, $0x6  }
0x9: {  	s7 =	sor.u32 s2, s4;
	s4 =	sadd.s32 $0x4200, s6;
	s31 =	sshrl.u32 s9, $0x1  }
0xa: {  	s14 =	smul.u32 $0x680, s7;
	s30 =	sshrl.u32 s8, $0x2;
	s15 =	sadd.s32 s29, s6  }
0xb: {  	s16 =	ssub.s32 s9, s31;
	s5 =	sadd.s32 s30, s1;
	s19 =	sadd.s32 $0x60200, s15  }
0xc: {  	s15 =	simm.s32 $0x6800;
	s12 =	sadd.s32 s14, s6;
	s6 =	sadd.s32 $0x3200, s5  }
0xd: {  	s7 =	sadd.s32 $0x6400, s5;
	s8 =	sadd.s32 $0x9600, s5;
	s9 =	sadd.s32 $0xC800, s5  }
0xe: {  	s10 =	sadd.s32 $0xFA00, s5;
	s11 =	sadd.s32 $0x12C00, s5;
	s13 =	sadd.s32 s13, s14  }
0xf: {  	s14 =	smax.u32 s16, $0x1;
	s16 =	simm.s32 $0x1;
	s19 =	sadd.s32 s20, s19  }
0x10: {  	v0 =	vimm.f32 $0.0e+00;
	s20 =	sor.u32 $0x1C01, s21;
	s21 =	sshrl.u32 s5, $0x3;
	s12 =	sadd.s32 $0x53200, s12  }
.LBB2_1:
0x11: {  	s22 =	simm.s32 $0x0;
	s23 =	simm.s32 $0x200  }
.LBB2_2:
0x12: {  	p0 =	sne.s32 s23, $0xC600;
	[tilespmem:s22+$0x6870] =	vst v0  }
0x13: {  	[tilespmem:s22+$0x6800] =	vst v0  }
0x14: {  	[tilespmem:s22+$0x6810] =	vst v0  }
.Ltmp0:
0x15: {  	[tilespmem:s22+$0x6820] =	vst v0;
	(pc) =	sbr.rel @p0 .LBB2_2-.Ltmp0, $4  }
0x16: {  	[tilespmem:s22+$0x6830] =	vst v0  }
0x17: {  	[tilespmem:s22+$0x6840] =	vst v0  }
0x18: {  	[tilespmem:s22+$0x6850] =	vst v0  }
0x19: {  	[tilespmem:s22+$0x6860] =	vst v0;
	s22 =	sshra.s32 s23, $0x2;
	s23 =	sadd.s32 $0x200, s23  }
0x1a: {  	[tilespmem:s22+$0x6870] =	vst v0  }
0x1b: {  	[tilespmem:s22+$0x6800] =	vst v0  }
0x1c: {  	[tilespmem:s22+$0x6810] =	vst v0  }
0x1d: {  	[tilespmem:s22+$0x6820] =	vst v0  }
0x1e: {  	[tilespmem:s22+$0x6830] =	vst v0  }
0x1f: {  	[tilespmem:s22+$0x6840] =	vst v0  }
0x20: {  	[tilespmem:s22+$0x6850] =	vst v0  }
0x21: {  	[tilespmem:s22+$0x6860] =	vst v0  }
0x22: {  	[spmem:s5] =	stream.linear.scatter [tilespmem:s15], [sflag:$0x1], $0x3200, $0x38;
	[tilespmem:$0x1D800] =	vst v63  }
0x23: {  	_ =	swait.ge [sflag:s16], $0x3200  }
0x24: {  	[sflag:s16] =	ssyncset.done $0x0  }
0x25: {  	[sflag:s16] =	ssyncadd.s32 $0xFFFFCE00  }
0x26: {  	[spmem:s6] =	stream.linear.scatter [tilespmem:s15], [sflag:$0x1], $0x3200, $0x38;
	[tilespmem:$0x1D800] =	vst v63  }
0x27: {  	_ =	swait.ge [sflag:s16], $0x3200  }
0x28: {  	[sflag:s16] =	ssyncset.done $0x0  }
0x29: {  	[sflag:s16] =	ssyncadd.s32 $0xFFFFCE00  }
0x2a: {  	[spmem:s7] =	stream.linear.scatter [tilespmem:s15], [sflag:$0x1], $0x3200, $0x38;
	[tilespmem:$0x1D800] =	vst v63  }
0x2b: {  	_ =	swait.ge [sflag:s16], $0x3200  }
0x2c: {  	[sflag:s16] =	ssyncset.done $0x0  }
0x2d: {  	[sflag:s16] =	ssyncadd.s32 $0xFFFFCE00  }
0x2e: {  	[spmem:s8] =	stream.linear.scatter [tilespmem:s15], [sflag:$0x1], $0x3200, $0x38;
	[tilespmem:$0x1D800] =	vst v63  }
0x2f: {  	_ =	swait.ge [sflag:s16], $0x3200  }
0x30: {  	[sflag:s16] =	ssyncset.done $0x0  }
0x31: {  	[sflag:s16] =	ssyncadd.s32 $0xFFFFCE00  }
0x32: {  	[spmem:s9] =	stream.linear.scatter [tilespmem:s15], [sflag:$0x1], $0x3200, $0x38;
	[tilespmem:$0x1D800] =	vst v63  }
0x33: {  	_ =	swait.ge [sflag:s16], $0x3200  }
0x34: {  	[sflag:s16] =	ssyncset.done $0x0  }
0x35: {  	[sflag:s16] =	ssyncadd.s32 $0xFFFFCE00  }
0x36: {  	[spmem:s10] =	stream.linear.scatter [tilespmem:s15], [sflag:$0x1], $0x3200, $0x38;
	[tilespmem:$0x1D800] =	vst v63  }
0x37: {  	_ =	swait.ge [sflag:s16], $0x3200  }
0x38: {  	[sflag:s16] =	ssyncset.done $0x0  }
0x39: {  	[sflag:s16] =	ssyncadd.s32 $0xFFFFCE00  }
0x3a: {  	[spmem:s11] =	stream.linear.scatter [tilespmem:s15], [sflag:$0x1], $0x1000, $0x38;
	[tilespmem:$0x1D800] =	vst v63  }
0x3b: {  	_ =	swait.ge [sflag:s16], $0x1000  }
0x3c: {  	[sflag:s16] =	ssyncset.done $0x0  }
0x3d: {  	s29 =	simm.s32 $0x0;
	[sflag:s16] =	ssyncadd.s32 $0xFFFFF000  }
0x3e: {  	[tilespmem:s29], [sflag:$0x1] =	stream.linear.gather [hbm4b:s12+s29], $0x3200, $0x38;
	[tilespmem:$0x1D800] =	vst v63  }
0x3f: {  	_ =	swait.ge [sflag:s16], $0x3200  }
0x40: {  	[sflag:s16] =	ssyncset.done $0x0  }
0x41: {  	[sflag:s16] =	ssyncadd.s32 $0xFFFFCE00  }
0x42: {  	[tilespmem:s17], [sflag:$0x1] =	stream.linear.gather [hbm4b:s13+s29], $0x3200, $0x38;
	[tilespmem:$0x1D800] =	vst v63  }
0x43: {  	_ =	swait.ge [sflag:s16], $0x3200  }
0x44: {  	[sflag:s16] =	ssyncset.done $0x0  }
0x45: {  	[sflag:s16] =	ssyncadd.s32 $0xFFFFCE00  }
0x46: {  	s30 =	simm.s32 $0x0;
	[bflag:$0x0] =	sbarrier.arrive $0xFFFF  }
0x47: {  	[tilespmem:s15], [sflag:$0x1] =	stream.indirect.gather [hbm4b:s4+s18], $0x80, s30, s18, $0xb8;
	[tilespmem:$0x1D800] =	vst v63  }
0x48: {  	_ =	swait.ge [sflag:s16], $0x3200  }
0x49: {  	[sflag:s16] =	ssyncset.done $0x0  }
0x4a: {  	s31 =	simm.s32 $0x3400;
	[sflag:s16] =	ssyncadd.s32 $0xFFFFCE00  }
0x4b: {  	[spmem:s1] =	stream.indirect.scatter.add.f32 [tilespmem:s15], [sflag:$0x1], $0x80, s31, s18, $0xb8;
	[tilespmem:$0x1D800] =	vst v63  }
0x4c: {  	_ =	swait.ge [sflag:s16], $0x3200  }
0x4d: {  	s22 =	simm.s32 $0x200;
	s23 =	simm.s32 $0x400;
	[sflag:s16] =	ssyncset.done $0x0  }
.LBB2_4:
0x4e: {  	s24 =	sshra.s32 s22, $0x2  }
0x4f: {  	[sflag:s16] =	ssyncadd.s32 $0xFFFFCE00;
	s22 =	smov.u32 s23;
	s25 =	sadd.s32 $0x200, s23  }
0x50: {  	[tilespmem:s15], [sflag:$0x1] =	stream.indirect.gather [hbm4b:s4+s18], $0x80, s24, s18, $0xb8;
	[tilespmem:$0x1D800] =	vst v63  }
0x51: {  	p0 =	sne.s32 s23, $0xC600;
	_ =	swait.ge [sflag:s16], $0x3200  }
.Ltmp1:
0x52: {  	[sflag:s16] =	ssyncset.done $0x0;
	(pc) =	sbr.rel @p0 .LBB2_4-.Ltmp1, $4  }
0x53: {  	s23 =	sadd.s32 $0x3400, s24;
	[sflag:s16] =	ssyncadd.s32 $0xFFFFCE00  }
0x54: {  	[spmem:s1] =	stream.indirect.scatter.add.f32 [tilespmem:s15], [sflag:$0x1], $0x80, s23, s18, $0xb8;
	[tilespmem:$0x1D800] =	vst v63  }
0x55: {  	_ =	swait.ge [sflag:s16], $0x3200  }
0x56: {  	s23 =	smov.u32 s25;
	[sflag:s16] =	ssyncset.done $0x0  }
0x57: {  	s22 =	sshra.s32 s22, $0x2;
	[sflag:s16] =	ssyncadd.s32 $0xFFFFCE00  }
0x58: {  	[tilespmem:s15], [sflag:$0x1] =	stream.indirect.gather [hbm4b:s4+s18], $0x80, s22, s18, $0xb8;
	[tilespmem:$0x1D800] =	vst v63  }
0x59: {  	_ =	swait.ge [sflag:s16], $0x3200  }
0x5a: {  	[sflag:s16] =	ssyncset.done $0x0  }
0x5b: {  	s22 =	sadd.s32 $0x3400, s22;
	[sflag:s16] =	ssyncadd.s32 $0xFFFFCE00  }
0x5c: {  	[spmem:s1] =	stream.indirect.scatter.add.f32 [tilespmem:s15], [sflag:$0x1], $0x80, s22, s18, $0xb8;
	[tilespmem:$0x1D800] =	vst v63  }
0x5d: {  	_ =	swait.ge [sflag:s16], $0x3200  }
0x5e: {  	s3 =	sadd.s32 $0x1, s3;
	[sflag:s16] =	ssyncset.done $0x0  }
0x5f: {  	p0 =	sne.s32 s3, s14;
	[sflag:s16] =	ssyncadd.s32 $0xFFFFCE00  }
.Ltmp2:
0x60: {  	[bflag:$0x0] =	sbarrier.arrive $0xFFFF;
	(pc) =	sbr.rel @p0 .LBB2_1-.Ltmp2, $4  }
0x61: {  	[hbm:s19], [sflag:s20] =	dma.local [spmem:s21], $0x2780  }
0x62: {  	_ =	swait.ge [sflag:s16], $0x2780  }
0x63: {  	[sflag:s16] =	ssyncset.done $0x0  }
0x64: {  	[sflag:s16] =	ssyncadd.s32 $0xFFFFD880  }
0x65: {  	_ =	sfence.sel $0x180000  }
0x66: {  	[bflag:$0x0] =	sbarrier.arrive $0xFFFF  }
0x67: {  	p0 =	sne.s32 s2, $0x0;
	_ =	strace $0x9000004D  }
0x68: {  	s0 =	sadd.s32 @!p0 $0x100000, s0;
	[bflag:$0x2] =	sbarrier.arrive $0xFFFF  }
0x69: {  	[sflag:s0] =	ssyncadd.tile.s32 @!p0 $0x1;
	_ =	shalt  }
.Lfunc_end2:
_tile_overlayer_lowered:
.L_overlay_start_2:
0x6a: {  	(tag) =	ssettag $0x2  }
0x6b: {  	s0 =	rddreg [dreg:$0x0];
	s2 =	stileid.u32  }
0x6c: {  	s1 =	rddreg [dreg:$0x1];
	p0 =	sne.s32 s2, $0x0  }
0x6d: {  	s3 =	rddreg [dreg:$0x2];
	[bflag:$0x3] =	sbarrier.arrive $0xFFFF;
	s2 =	simm.s32 @!p0 $0x1C01  }
0x6e: {  	[timem:s3], [sflag:s2] =	dma.local @!p0 [hbm:s0], s1  }
0x6f: {  	s0 =	simm.s32 @!p0 $0x1  }
0x70: {  	_ =	swait.ge @!p0 [sflag:s0], s1  }
0x71: {  	s1 =	ssub.s32 @!p0 $0x0, s1;
	[sflag:s0] =	ssyncset.done @!p0 $0x0  }
0x72: {  	[sflag:s0] =	ssyncadd.s32 @!p0 s1  }
0x73: {  	[bflag:$0x3] =	sbarrier.arrive $0xFFFF  }
0x74: {  	_ =	shalt  }

// kernel: kernel.20.cloned.1.call-start
scs
__scs_entry_jumppad:
0x0: {  	(pc) =	sbr.rel $0x88, $3  }
0x1: {  	(tag) =	ssettag $0x0;
	lr =	simm.s32 $0x1  }
0x2: {  	[smem:$0x3F99] =	sst lr;
	_ =	strace $0xD0000000  }
0x3: {  	_ = 	snop  }
0x4: {  	_ = 	snop  }
0x5: {  	_ = 	snop  }
0x6: {  	_ = 	snop  }
0x7: {  	_ = 	snop  }
__scs_overlays_trampoline_lowered:
0x8: {  	[smem:$0x3FA8] =	sst s0  }
0x9: {  	[smem:$0x3FA9] =	sst s1  }
0xa: {  	[smem:$0x3FAA] =	sst s2  }
0xb: {  	[smem:$0x3FAB] =	sst s3  }
0xc: {  	[smem:$0x3FAC] =	sst s4  }
0xd: {  	[smem:$0x3FAD] =	sst s5  }
0xe: {  	[smem:$0x3FAE] =	sst s6  }
0xf: {  	[smem:$0x3FAF] =	sst s7  }
0x10: {  	[smem:$0x3FB0] =	sst s8  }
0x11: {  	[smem:$0x3FB1] =	sst s9;
	s0 =	simm.s32 @!p0 $0x0  }
0x12: {  	s1 =	sld [smem:$0x3F97];
	s0 =	simm.s32 @p0 $0x1  }
0x13: {  	[smem:$0x3FB2] =	sst s0;
	s0 =	simm.s32 @!p1 $0x0  }
0x14: {  	s2 =	sld [smem:$0x3F96];
	s0 =	simm.s32 @p1 $0x1  }
0x15: {  	[smem:$0x3FB3] =	sst s0;
	s0 =	simm.s32 @!p2 $0x0  }
0x16: {  	s3 =	sld [smem:$0x3FDB];
	s0 =	simm.s32 @p2 $0x1  }
0x17: {  	s4 =	simm.s32 $0x1BF5;
	[smem:$0x3FB5] =	sst s0  }
0x18: {  	s0 =	sld [smem:$0x3F98];
	_ =	swait.ge [sflag:s4], $0x0  }
0x19: {  	s7 =	sld [smem:$0x3F99]  }
0x1a: {  	s8 =	sadd.s32 $0xFFFFE003, lr  }
0x1b: {  	s9 =	sadd.s32 $0xFFFFFEF7, lr;
	s5 =	simm.s32 $0xFFFFFFFF;
	p2 =	slt.u32 s8, $0xFFFFF086  }
0x1c: {  	p1 =	slt.u32 s9, $0xF7A;
	s5 =	simm.s32 @!p2 $0x0  }
0x1d: {  	s5 =	simm.s32 @p1 $0x1;
	p0 =	seq.s32 s7, s2  }
0x1e: {  	s7 =	smul.u32 @!p0 $0xF7A, s2;
	p2 =	seq.s32 @!p0 s5, $0x0  }
0x1f: {  	s9 =	smul.u32 $0xF7A, s1;
	s8 =	simm.s32 @!p0 $0x1BF5;
	p2 =	por !p2, p0  }
0x20: {  	[sflag:s8] =	ssyncset.s32 @!p0 $0xFFFFF086;
	s6 =	sadd.s32 @!p0 s3, s7;
	s7 =	simm.s32 @!p0 $0x108  }
0x21: {  	s3 =	sadd.s32 s3, s9;
	s6 =	sadd.s32 @!p0 $0x88, s6;
	s7 =	simm.s32 @p2 $0x1082  }
0x22: {  	[simem:s7], [sflag:s8] =	dma.local @!p0 [hbm:s6], $0xF7A  }
0x23: {  	s9 =	sor.u32 $0xD0000000, s2;
	s6 =	simm.s32 $0x108;
	_ =	swait.ge @!p0 [sflag:s8], $0x0  }
0x24: {  	s3 =	sadd.s32 $0x88, s3;
	s6 =	simm.s32 @!p1 $0x1082;
	[sflag:s4] =	ssyncset.s32 $0xFFFFF086  }
0x25: {  	[simem:s6], [sflag:s4] =	dma.local [hbm:s3], $0xF7A  }
0x26: {  	[smem:$0x3F99] =	sst s1;
	(tag) =	ssettag s2;
	_ =	strace s9  }
0x27: {  	s1 =	sld [smem:$0x3FA9]  }
0x28: {  	s2 =	sld [smem:$0x3FAA]  }
0x29: {  	s4 =	sld [smem:$0x3FAC]  }
0x2a: {  	p0 =	seq.s32 s5, $0x0;
	s5 =	sld [smem:$0x3FAD]  }
0x2b: {  	s6 =	sld [smem:$0x3FAE]  }
0x2c: {  	s7 =	sld [smem:$0x3FAF]  }
0x2d: {  	s3 =	simm.s32 $0x108;
	s8 =	sld [smem:$0x3FB0]  }
0x2e: {  	s3 =	simm.s32 @!p0 $0x1082;
	s9 =	sld [smem:$0x3FB1]  }
0x2f: {  	lr =	sadd.s32 s0, s3;
	s0 =	sld [smem:$0x3FA8]  }
0x30: {  	s3 =	sld [smem:$0x3FAB]  }
0x31: {  	[smem:$0x3FB4] =	sst s10  }
0x32: {  	s10 =	sld [smem:$0x3FB2];
	_ =	sdelay $0x3  }
0x33: {  	p0 =	seq.s32 s10, $0x1;
	s10 =	sld [smem:$0x3FB4];
	_ =	sdelay $0x3  }
0x34: {  	[smem:$0x3FB4] =	sst s10  }
0x35: {  	s10 =	sld [smem:$0x3FB3];
	_ =	sdelay $0x3  }
0x36: {  	p1 =	seq.s32 s10, $0x1;
	s10 =	sld [smem:$0x3FB4];
	_ =	sdelay $0x3  }
0x37: {  	[smem:$0x3FB4] =	sst s10  }
0x38: {  	s10 =	sld [smem:$0x3FB5]  }
0x39: {  	_ = 	snop;
	(pc) =	sbr.ind lr, $3  }
0x3a: {  	_ = 	snop  }
0x3b: {  	_ = 	snop  }
0x3c: {  	p2 =	seq.s32 s10, $0x1;
	s10 =	sld [smem:$0x3FB4]  }
0x3d: {  	_ =	shalt  }
0x3e: {  	_ =	shalt  }
0x3f: {  	_ =	shalt  }
0x40: {  	_ =	shalt  }
0x41: {  	_ =	shalt  }
0x42: {  	_ =	shalt  }
0x43: {  	_ =	shalt  }
0x44: {  	_ =	shalt  }
0x45: {  	_ =	shalt  }
0x46: {  	_ =	shalt  }
0x47: {  	_ =	shalt  }
0x48: {  	_ =	shalt  }
0x49: {  	_ =	shalt  }
0x4a: {  	_ =	shalt  }
0x4b: {  	_ =	shalt  }
0x4c: {  	_ =	shalt  }
0x4d: {  	_ =	shalt  }
0x4e: {  	_ =	shalt  }
0x4f: {  	_ =	shalt  }
0x50: {  	_ =	shalt  }
0x51: {  	_ =	shalt  }
0x52: {  	_ =	shalt  }
0x53: {  	_ =	shalt  }
0x54: {  	_ =	shalt  }
0x55: {  	_ =	shalt  }
0x56: {  	_ =	shalt  }
0x57: {  	_ =	shalt  }
0x58: {  	_ =	shalt  }
0x59: {  	_ =	shalt  }
0x5a: {  	_ =	shalt  }
0x5b: {  	_ =	shalt  }
0x5c: {  	_ =	shalt  }
0x5d: {  	_ =	shalt  }
0x5e: {  	_ =	shalt  }
0x5f: {  	_ =	shalt  }
0x60: {  	_ =	shalt  }
0x61: {  	_ =	shalt  }
0x62: {  	_ =	shalt  }
0x63: {  	_ =	shalt  }
0x64: {  	_ =	shalt  }
0x65: {  	_ =	shalt  }
0x66: {  	_ =	shalt  }
0x67: {  	_ =	shalt  }
0x68: {  	_ =	shalt  }
0x69: {  	_ =	shalt  }
0x6a: {  	_ =	shalt  }
0x6b: {  	_ =	shalt  }
0x6c: {  	_ =	shalt  }
0x6d: {  	_ =	shalt  }
0x6e: {  	_ =	shalt  }
0x6f: {  	_ =	shalt  }
0x70: {  	_ =	shalt  }
0x71: {  	_ =	shalt  }
0x72: {  	_ =	shalt  }
0x73: {  	_ =	shalt  }
0x74: {  	_ =	shalt  }
0x75: {  	_ =	shalt  }
0x76: {  	_ =	shalt  }
0x77: {  	_ =	shalt  }
0x78: {  	_ =	shalt  }
0x79: {  	_ =	shalt  }
0x7a: {  	_ =	shalt  }
0x7b: {  	_ =	shalt  }
0x7c: {  	_ =	shalt  }
0x7d: {  	_ =	shalt  }
0x7e: {  	_ =	shalt  }
0x7f: {  	_ =	shalt  }
0x80: {  	_ =	shalt  }
0x81: {  	_ =	shalt  }
0x82: {  	_ =	shalt  }
0x83: {  	_ =	shalt  }
0x84: {  	_ =	shalt  }
0x85: {  	_ =	shalt  }
0x86: {  	_ =	shalt  }
0x87: {  	_ =	shalt  }
.Lfunc_end0:
.L_simem_size_0:
called_computation.3_lowered:
.L_overlay_start_0:
0x88: {  	s2 =	sld [smem:$0x3FD9]  }
0x89: {  	s3 =	sld [smem:$0x3FFE];
	_ =	sdelay $0x1  }
0x8a: {  	s1 =	srdreg.scid  }
0x8b: {  	s0 =	sand.u32 $0x1, s1  }
0x8c: {  	s17 =	sshll.u32 s0, $0xA;
	s2 =	sadd.s32 s3, s2  }
0x8d: {  	s2 =	sadd.s32 s2, s17  }
0x8e: {  	[smem:$0x3FC0] =	sst s2  }
0x8f: {  	_ = 	snop  }
0x90: {  	s2 =	sld [smem:$0x3FD0];
	(tm) =	ssettm $0x1  }
0x91: {  	s18 =	sld [smem:$0x3FFB];
	_ =	sdelay $0x3  }
0x92: {  	_ =	strace s18  }
0x93: {  	s3 =	sld [smem:$0x3FFC];
	_ =	sdelay $0x3  }
0x94: {  	_ =	strace s3  }
0x95: {  	s3 =	sld [smem:$0x3FFD];
	_ =	sdelay $0x3  }
0x96: {  	_ =	strace s3  }
0x97: {  	_ =	strace $0x8FFFFFFF  }
0x98: {  	s19 =	sld [smem:$0x3FDB];
	_ =	sdelay $0x1  }
0x99: {  	s4 =	simm.s32 $_scs_section_size  }
0x9a: {  	s5 =	simm.s32 $_size__tile_overlayer_lowered;
	s6 =	simm.s32 $_tile_overlayer_lowered  }
0x9b: {  	s22 =	simm.s32 $0x1BFF;
	s21 =	sshll.u32 s6, $0x1;
	s3 =	sadd.s32 s4, s19  }
0x9c: {  	s7 =	simm.s32 $0x0;
	s20 =	sshll.u32 s5, $0x1;
	s5 =	sadd.s32 s21, s3  }
0x9d: {  	[timem:s7], [sflag:s22] =	dma.local [hbm:s5], s20  }
0x9e: {  	_ =	swait.ge [sflag:s22], s20  }
0x9f: {  	s4 =	ssub.s32 $0x0, s20;
	[sflag:s22] =	ssyncset.done $0x0  }
0xa0: {  	[sflag:s22] =	ssyncadd.s32 s4;
	_ =	sdelay $0x1  }
0xa1: {  	s23 =	simm.s32 $0x1B8B  }
0xa2: {  	_ =	swait.ge [sflag:s23], $0x1  }
0xa3: {  	[sflag:s23] =	ssyncset.done $0x0  }
0xa4: {  	s25 =	simm.s32 $0x1B8E;
	s24 =	sld [smem:$0x3FFE];
	[sflag:s23] =	ssyncadd.s32 $0xFFFFFFFF  }
0xa5: {  	s26 =	simm.s32 $execute0_lowered;
	[smem:$0x3FD2] =	sst s25  }
0xa6: {  	s5 =	sshll.u32 s26, $0x1;
	_ =	strace $0x8000004F;
	[dreg:$0x1] =	wrdreg $0xFFFFFFFF  }
0xa7: {  	s28 =	simm.s32 $_size_execute0_lowered;
	s3 =	sadd.s32 s3, s5;
	[dreg:$0x0] =	wrdreg $0x0  }
0xa8: {  	s5 =	sshll.u32 s28, $0x1;
	[dreg:$0x2] =	wrdreg s3  }
0xa9: {  	[dreg:$0x3] =	wrdreg s5  }
0xaa: {  	[dreg:$0x4] =	wrdreg $0xC0  }
0xab: {  	_ =	task [dreg:s7], $0x5FFFF  }
0xac: {  	[dreg:$0x1] =	wrdreg $0xFFFFFFFF  }
0xad: {  	[dreg:$0x0] =	wrdreg $0x60  }
0xae: {  	[dreg:$0x2] =	wrdreg s24  }
0xaf: {  	[dreg:$0x3] =	wrdreg s2  }
0xb0: {  	[dreg:$0x4] =	wrdreg $0x9C000  }
0xb1: {  	[dreg:$0x5] =	wrdreg $0x9  }
0xb2: {  	_ =	task.clear_ibuf [dreg:s7], $0x6FFFF;
	_ =	strace $0x9000004F  }
0xb3: {  	s29 =	simm.s32 $0x9;
	_ =	strace $0x80000051  }
0xb4: {  	_ =	swait.ge [sflag:s29], $0x1  }
0xb5: {  	[sflag:s29] =	ssyncadd.s32 $0xFFFFFFFF  }
0xb6: {  	_ =	strace $0x90000051  }
0xb7: {  	_ =	sfence  }
0xb8: {  	s30 =	sld [smem:$0x0];
	_ =	sdelay $0x2  }
0xb9: {  	s31 =	sshll.u32 s1, $0xD;
	s1 =	sshrl.u32 s1, $0x2  }
0xba: {  	s3 =	sand.u32 $0x4000, s31;
	s1 =	sadd.s32 s1, s30  }
0xbb: {  	s0 =	sor.u32 s3, s0;
	s1 =	sshll.u32 s1, $0x11  }
0xbc: {  	s0 =	sor.u32 s1, s0  }
0xbd: {  	s0 =	sadd.s32 $0x8F2B, s0  }
0xbe: {  	[sflag:s0] =	ssyncadd.remote.s32 $0x1  }
0xbf: {  	_ =	sfence.sel $0xFFFF  }
0xc0: {  	[dreg:$0x0] =	wrdreg $0xFFFFFFFF;
	(pc) =	sbr.abs _section_cstart, $3  }
0xc1: {  	[dreg:$0x1] =	wrdreg $0xFFFFFFFF  }
0xc2: {  	_ =	task.clear_ibuf [dreg:s7], $0x2FFFF;
	_ =	strace $0x9FFFFFFF  }
0xc3: {  	(tm) =	ssettm $0x7FFFFFFF  }
tec
execute0_lowered:
.L_overlay_start_1:
0x0: {  	(tag) =	ssettag $0x1  }
0x1: {  	s6 =	rddreg [dreg:$0x0]  }
0x2: {  	s13 =	rddreg [dreg:$0x1]  }
0x3: {  	s1 =	rddreg [dreg:$0x2]  }
0x4: {  	s2 =	srdreg.scid;
	s0 =	rddreg [dreg:$0x3];
	s3 =	simm.s32 $0x0  }
0x5: {  	s17 =	simm.s32 $0x3400;
	s5 =	sand.u32 $0x1, s2;
	s2 =	stileid.u32  }
0x6: {  	s18 =	simm.s32 $0x64;
	[smem:$0x7FF] =	sst s3;
	s8 =	smul.u32 $0x4F000, s2  }
0x7: {  	s4 =	sshll.u32 s5, $0x4;
	_ =	strace $0x80000050;
	s29 =	smul.u32 $0x27800, s5  }
0x8: {  	s9 =	ssub.s32 $0x2, s5;
	s20 =	smul.u32 $0x2780, s2;
	s21 =	sshll.u32 s2, $0x6  }
0x9: {  	s7 =	sor.u32 s2, s4;
	s4 =	sadd.s32 $0x4200, s6;
	s31 =	sshrl.u32 s9, $0x1  }
0xa: {  	s14 =	smul.u32 $0x680, s7;
	s30 =	sshrl.u32 s8, $0x2;
	s15 =	sadd.s32 s29, s6  }
0xb: {  	s16 =	ssub.s32 s9, s31;
	s5 =	sadd.s32 s30, s1;
	s19 =	sadd.s32 $0x60200, s15  }
0xc: {  	s15 =	simm.s32 $0x6800;
	s12 =	sadd.s32 s14, s6;
	s6 =	sadd.s32 $0x3200, s5  }
0xd: {  	s7 =	sadd.s32 $0x6400, s5;
	s8 =	sadd.s32 $0x9600, s5;
	s9 =	sadd.s32 $0xC800, s5  }
0xe: {  	s10 =	sadd.s32 $0xFA00, s5;
	s11 =	sadd.s32 $0x12C00, s5;
	s13 =	sadd.s32 s13, s14  }
0xf: {  	s14 =	smax.u32 s16, $0x1;
	s16 =	simm.s32 $0x1;
	s19 =	sadd.s32 s20, s19  }
0x10: {  	v0 =	vimm.f32 $0.0e+00;
	s20 =	sor.u32 $0x1C01, s21;
	s21 =	sshrl.u32 s5, $0x3;
	s12 =	sadd.s32 $0x53200, s12  }
.LBB2_1:
0x11: {  	s22 =	simm.s32 $0x0;
	s23 =	simm.s32 $0x200  }
.LBB2_2:
0x12: {  	p0 =	sne.s32 s23, $0xC600;
	[tilespmem:s22+$0x6870] =	vst v0  }
0x13: {  	[tilespmem:s22+$0x6800] =	vst v0  }
0x14: {  	[tilespmem:s22+$0x6810] =	vst v0  }
.Ltmp0:
0x15: {  	[tilespmem:s22+$0x6820] =	vst v0;
	(pc) =	sbr.rel @p0 .LBB2_2-.Ltmp0, $4  }
0x16: {  	[tilespmem:s22+$0x6830] =	vst v0  }
0x17: {  	[tilespmem:s22+$0x6840] =	vst v0  }
0x18: {  	[tilespmem:s22+$0x6850] =	vst v0  }
0x19: {  	[tilespmem:s22+$0x6860] =	vst v0;
	s22 =	sshra.s32 s23, $0x2;
	s23 =	sadd.s32 $0x200, s23  }
0x1a: {  	[tilespmem:s22+$0x6870] =	vst v0  }
0x1b: {  	[tilespmem:s22+$0x6800] =	vst v0  }
0x1c: {  	[tilespmem:s22+$0x6810] =	vst v0  }
0x1d: {  	[tilespmem:s22+$0x6820] =	vst v0  }
0x1e: {  	[tilespmem:s22+$0x6830] =	vst v0  }
0x1f: {  	[tilespmem:s22+$0x6840] =	vst v0  }
0x20: {  	[tilespmem:s22+$0x6850] =	vst v0  }
0x21: {  	[tilespmem:s22+$0x6860] =	vst v0  }
0x22: {  	[spmem:s5] =	stream.linear.scatter [tilespmem:s15], [sflag:$0x1], $0x3200, $0x38;
	[tilespmem:$0x1D800] =	vst v63  }
0x23: {  	_ =	swait.ge [sflag:s16], $0x3200  }
0x24: {  	[sflag:s16] =	ssyncset.done $0x0  }
0x25: {  	[sflag:s16] =	ssyncadd.s32 $0xFFFFCE00  }
0x26: {  	[spmem:s6] =	stream.linear.scatter [tilespmem:s15], [sflag:$0x1], $0x3200, $0x38;
	[tilespmem:$0x1D800] =	vst v63  }
0x27: {  	_ =	swait.ge [sflag:s16], $0x3200  }
0x28: {  	[sflag:s16] =	ssyncset.done $0x0  }
0x29: {  	[sflag:s16] =	ssyncadd.s32 $0xFFFFCE00  }
0x2a: {  	[spmem:s7] =	stream.linear.scatter [tilespmem:s15], [sflag:$0x1], $0x3200, $0x38;
	[tilespmem:$0x1D800] =	vst v63  }
0x2b: {  	_ =	swait.ge [sflag:s16], $0x3200  }
0x2c: {  	[sflag:s16] =	ssyncset.done $0x0  }
0x2d: {  	[sflag:s16] =	ssyncadd.s32 $0xFFFFCE00  }
0x2e: {  	[spmem:s8] =	stream.linear.scatter [tilespmem:s15], [sflag:$0x1], $0x3200, $0x38;
	[tilespmem:$0x1D800] =	vst v63  }
0x2f: {  	_ =	swait.ge [sflag:s16], $0x3200  }
0x30: {  	[sflag:s16] =	ssyncset.done $0x0  }
0x31: {  	[sflag:s16] =	ssyncadd.s32 $0xFFFFCE00  }
0x32: {  	[spmem:s9] =	stream.linear.scatter [tilespmem:s15], [sflag:$0x1], $0x3200, $0x38;
	[tilespmem:$0x1D800] =	vst v63  }
0x33: {  	_ =	swait.ge [sflag:s16], $0x3200  }
0x34: {  	[sflag:s16] =	ssyncset.done $0x0  }
0x35: {  	[sflag:s16] =	ssyncadd.s32 $0xFFFFCE00  }
0x36: {  	[spmem:s10] =	stream.linear.scatter [tilespmem:s15], [sflag:$0x1], $0x3200, $0x38;
	[tilespmem:$0x1D800] =	vst v63  }
0x37: {  	_ =	swait.ge [sflag:s16], $0x3200  }
0x38: {  	[sflag:s16] =	ssyncset.done $0x0  }
0x39: {  	[sflag:s16] =	ssyncadd.s32 $0xFFFFCE00  }
0x3a: {  	[spmem:s11] =	stream.linear.scatter [tilespmem:s15], [sflag:$0x1], $0x1000, $0x38;
	[tilespmem:$0x1D800] =	vst v63  }
0x3b: {  	_ =	swait.ge [sflag:s16], $0x1000  }
0x3c: {  	[sflag:s16] =	ssyncset.done $0x0  }
0x3d: {  	s29 =	simm.s32 $0x0;
	[sflag:s16] =	ssyncadd.s32 $0xFFFFF000  }
0x3e: {  	[tilespmem:s29], [sflag:$0x1] =	stream.linear.gather [hbm4b:s12+s29], $0x3200, $0x38;
	[tilespmem:$0x1D800] =	vst v63  }
0x3f: {  	_ =	swait.ge [sflag:s16], $0x3200  }
0x40: {  	[sflag:s16] =	ssyncset.done $0x0  }
0x41: {  	[sflag:s16] =	ssyncadd.s32 $0xFFFFCE00  }
0x42: {  	[tilespmem:s17], [sflag:$0x1] =	stream.linear.gather [hbm4b:s13+s29], $0x3200, $0x38;
	[tilespmem:$0x1D800] =	vst v63  }
0x43: {  	_ =	swait.ge [sflag:s16], $0x3200  }
0x44: {  	[sflag:s16] =	ssyncset.done $0x0  }
0x45: {  	[sflag:s16] =	ssyncadd.s32 $0xFFFFCE00  }
0x46: {  	s30 =	simm.s32 $0x0;
	[bflag:$0x0] =	sbarrier.arrive $0xFFFF  }
0x47: {  	[tilespmem:s15], [sflag:$0x1] =	stream.indirect.gather [hbm4b:s4+s18], $0x80, s30, s18, $0xb8;
	[tilespmem:$0x1D800] =	vst v63  }
0x48: {  	_ =	swait.ge [sflag:s16], $0x3200  }
0x49: {  	[sflag:s16] =	ssyncset.done $0x0  }
0x4a: {  	s31 =	simm.s32 $0x3400;
	[sflag:s16] =	ssyncadd.s32 $0xFFFFCE00  }
0x4b: {  	[spmem:s1] =	stream.indirect.scatter.add.f32 [tilespmem:s15], [sflag:$0x1], $0x80, s31, s18, $0xb8;
	[tilespmem:$0x1D800] =	vst v63  }
0x4c: {  	_ =	swait.ge [sflag:s16], $0x3200  }
0x4d: {  	s22 =	simm.s32 $0x200;
	s23 =	simm.s32 $0x400;
	[sflag:s16] =	ssyncset.done $0x0  }
.LBB2_4:
0x4e: {  	s24 =	sshra.s32 s22, $0x2  }
0x4f: {  	[sflag:s16] =	ssyncadd.s32 $0xFFFFCE00;
	s22 =	smov.u32 s23;
	s25 =	sadd.s32 $0x200, s23  }
0x50: {  	[tilespmem:s15], [sflag:$0x1] =	stream.indirect.gather [hbm4b:s4+s18], $0x80, s24, s18, $0xb8;
	[tilespmem:$0x1D800] =	vst v63  }
0x51: {  	p0 =	sne.s32 s23, $0xC600;
	_ =	swait.ge [sflag:s16], $0x3200  }
.Ltmp1:
0x52: {  	[sflag:s16] =	ssyncset.done $0x0;
	(pc) =	sbr.rel @p0 .LBB2_4-.Ltmp1, $4  }
0x53: {  	s23 =	sadd.s32 $0x3400, s24;
	[sflag:s16] =	ssyncadd.s32 $0xFFFFCE00  }
0x54: {  	[spmem:s1] =	stream.indirect.scatter.add.f32 [tilespmem:s15], [sflag:$0x1], $0x80, s23, s18, $0xb8;
	[tilespmem:$0x1D800] =	vst v63  }
0x55: {  	_ =	swait.ge [sflag:s16], $0x3200  }
0x56: {  	s23 =	smov.u32 s25;
	[sflag:s16] =	ssyncset.done $0x0  }
0x57: {  	s22 =	sshra.s32 s22, $0x2;
	[sflag:s16] =	ssyncadd.s32 $0xFFFFCE00  }
0x58: {  	[tilespmem:s15], [sflag:$0x1] =	stream.indirect.gather [hbm4b:s4+s18], $0x80, s22, s18, $0xb8;
	[tilespmem:$0x1D800] =	vst v63  }
0x59: {  	_ =	swait.ge [sflag:s16], $0x3200  }
0x5a: {  	[sflag:s16] =	ssyncset.done $0x0  }
0x5b: {  	s22 =	sadd.s32 $0x3400, s22;
	[sflag:s16] =	ssyncadd.s32 $0xFFFFCE00  }
0x5c: {  	[spmem:s1] =	stream.indirect.scatter.add.f32 [tilespmem:s15], [sflag:$0x1], $0x80, s22, s18, $0xb8;
	[tilespmem:$0x1D800] =	vst v63  }
0x5d: {  	_ =	swait.ge [sflag:s16], $0x3200  }
0x5e: {  	s3 =	sadd.s32 $0x1, s3;
	[sflag:s16] =	ssyncset.done $0x0  }
0x5f: {  	p0 =	sne.s32 s3, s14;
	[sflag:s16] =	ssyncadd.s32 $0xFFFFCE00  }
.Ltmp2:
0x60: {  	[bflag:$0x0] =	sbarrier.arrive $0xFFFF;
	(pc) =	sbr.rel @p0 .LBB2_1-.Ltmp2, $4  }
0x61: {  	[hbm:s19], [sflag:s20] =	dma.local [spmem:s21], $0x2780  }
0x62: {  	_ =	swait.ge [sflag:s16], $0x2780  }
0x63: {  	[sflag:s16] =	ssyncset.done $0x0  }
0x64: {  	[sflag:s16] =	ssyncadd.s32 $0xFFFFD880  }
0x65: {  	_ =	sfence.sel $0x180000  }
0x66: {  	[bflag:$0x0] =	sbarrier.arrive $0xFFFF  }
0x67: {  	p0 =	sne.s32 s2, $0x0;
	_ =	strace $0x90000050  }
0x68: {  	s0 =	sadd.s32 @!p0 $0x100000, s0;
	[bflag:$0x2] =	sbarrier.arrive $0xFFFF  }
0x69: {  	[sflag:s0] =	ssyncadd.tile.s32 @!p0 $0x1;
	_ =	shalt  }
.Lfunc_end2:
_tile_overlayer_lowered:
.L_overlay_start_2:
0x6a: {  	(tag) =	ssettag $0x2  }
0x6b: {  	s0 =	rddreg [dreg:$0x0];
	s2 =	stileid.u32  }
0x6c: {  	s1 =	rddreg [dreg:$0x1];
	p0 =	sne.s32 s2, $0x0  }
0x6d: {  	s3 =	rddreg [dreg:$0x2];
	[bflag:$0x3] =	sbarrier.arrive $0xFFFF;
	s2 =	simm.s32 @!p0 $0x1C01  }
0x6e: {  	[timem:s3], [sflag:s2] =	dma.local @!p0 [hbm:s0], s1  }
0x6f: {  	s0 =	simm.s32 @!p0 $0x1  }
0x70: {  	_ =	swait.ge @!p0 [sflag:s0], s1  }
0x71: {  	s1 =	ssub.s32 @!p0 $0x0, s1;
	[sflag:s0] =	ssyncset.done @!p0 $0x0  }
0x72: {  	[sflag:s0] =	ssyncadd.s32 @!p0 s1  }
0x73: {  	[bflag:$0x3] =	sbarrier.arrive $0xFFFF  }
0x74: {  	_ =	shalt  }

</sc_bundles>
